<compile_context>
chip_gen: v7x
topology: tpu7x:2x2x1
jax: 0.10.2.dev20260603
libtpu: 0.0.44.dev20260713+nightly
codegen_flags: <defaults>
</compile_context>

<pallas_src>
import functools

import jax
import jax.numpy as jnp
from jax import lax
from jax.experimental import pallas as pl
from jax.experimental.pallas import tpu as pltpu
from jax.experimental.pallas import tpu_sc as plsc

BINS = 30
NBINS_PAD = 64
B, C, Q, D = 32, 8, 32, 512
ROWS = B * C * Q
ROWS_PER_W = C * Q
CHUNK = 16
N_CHUNKS = ROWS_PER_W // CHUNK
HIST_PER_CHUNK = CHUNK * NBINS_PAD
LANES = 16
VALID_BIAS = 1.00001
JUNK_BIAS = 3.0

_NC = 2

def _hist_kernel_body(sim_hbm, dtok_hbm, qtok_hbm, out_hbm,
                      bufs, hist, packed_v, dtok_v, qtok_v,
                      dbias_v, qmask_v, sems):
    wid = lax.axis_index("s") * _NC + lax.axis_index("c")
    sim_base = wid * ROWS_PER_W

    lane = lax.broadcasted_iota(jnp.int32, (LANES,), 0)
    diag_col = [(j + lane) & (LANES - 1) for j in range(LANES)]
    rot1 = (lane + 1) & (LANES - 1)

    def start(k):
        pltpu.make_async_copy(
            sim_hbm.at[pl.ds(sim_base + k * CHUNK, CHUNK), :],
            bufs.at[k & 1], sems.at[k & 1]).start()

    def wait(k):
        pltpu.make_async_copy(
            sim_hbm.at[pl.ds(0, CHUNK), :],
            bufs.at[k & 1], sems.at[k & 1]).wait()

    start(0)
    start(1)
    pltpu.sync_copy(dtok_hbm.at[wid, :], dtok_v)
    pltpu.sync_copy(qtok_hbm.at[wid, :], qtok_v)

    zeros = jnp.zeros((LANES,), jnp.float32)

    def zbody(i, _):
        for u in range(BINS):
            hist[pl.ds(i * HIST_PER_CHUNK + u * LANES, LANES)] = zeros
        return 0
    lax.fori_loop(0, N_CHUNKS, zbody, 0)

    def dbias_body(i, _):
        t = dtok_v[pl.ds(i * LANES, LANES)]
        dbias_v[pl.ds(i * LANES, LANES)] = jnp.where(
            t == -1, jnp.float32(JUNK_BIAS), jnp.float32(VALID_BIAS))
        return 0
    lax.fori_loop(0, D // LANES, dbias_body, 0)

    def qmask_body(i, _):
        t = qtok_v[pl.ds(i * LANES, LANES)]
        qmask_v[pl.ds(i * LANES, LANES)] = jnp.where(
            t == -1, jnp.float32(0.0), jnp.float32(1.0))
        return 0
    lax.fori_loop(0, Q // LANES, qmask_body, 0)

    def compute(k):
        buf = bufs.at[k & 1]
        qvals = qmask_v[pl.ds((k & 1) * LANES, LANES)]
        hist_k = hist.at[pl.ds(k * HIST_PER_CHUNK, HIST_PER_CHUNK)]

        def dbody(t, _):
            dmask16 = dbias_v[pl.ds(t * LANES, LANES)]
            t16 = t * LANES
            vs = [plsc.load_gather(buf, [lane, diag_col[j] + t16])
                  for j in range(LANES)]
            dbcs = [dmask16]
            for _j in range(LANES - 1):
                dbcs.append(jnp.take_along_axis(
                    dbcs[-1], rot1, axis=0, mode="promise_in_bounds"))
            sums = [v + dbc for v, dbc in zip(vs, dbcs)]
            scaled = [s * jnp.float32(232.0) for s in sums]
            bins16 = [s.astype(jnp.int32) for s in scaled]
            addrs = [(bn & (-LANES)) | lane for bn in bins16]
            for a in addrs:
                plsc.addupdate_scatter(hist_k, [a], qvals)
            return 0
        lax.fori_loop(0, D // LANES, dbody, 0)

    def cbody(k, _):
        wait(k)
        compute(k)
        @pl.when(k < N_CHUNKS - 2)
        def _():
            start(k + 2)
        return 0
    lax.fori_loop(0, N_CHUNKS, cbody, 0)

    tr_idx = [((lane + j) & (LANES - 1)) * LANES + lane for j in range(LANES)]
    out_col = [(lane + j) & (LANES - 1) for j in range(LANES)]
    hi_mask = [((lane + j) & (LANES - 1)) <= (BINS - LANES - 1)
               for j in range(LANES)]

    def tbody(k, _):
        hist_k = hist.at[pl.ds(k * HIST_PER_CHUNK, HIST_PER_CHUNK)]
        pk = packed_v.at[k >> 1, pl.ds((k & 1) * CHUNK, CHUNK), :]
        for j in range(LANES):
            g = plsc.load_gather(hist_k, [tr_idx[j]])
            plsc.store_scatter(pk, [lane, out_col[j]], g)
        for j in range(LANES):
            g = plsc.load_gather(hist_k, [tr_idx[j] + LANES * LANES])
            plsc.store_scatter(pk, [lane, out_col[j] + LANES], g,
                               mask=hi_mask[j])
        return 0
    lax.fori_loop(0, N_CHUNKS, tbody, 0)

    pltpu.sync_copy(packed_v, out_hbm.at[wid])


@functools.cache
def _build_kernel():
    mesh = plsc.VectorSubcoreMesh(core_axis_name="c", subcore_axis_name="s")
    return pl.kernel(
        _hist_kernel_body,
        out_type=jax.ShapeDtypeStruct((B, C, Q, BINS), jnp.float32),
        mesh=mesh,
        compiler_params=pltpu.CompilerParams(needs_layout_passes=False),
        scratch_types=[
            pltpu.VMEM((2, CHUNK, D), jnp.float32),
            pltpu.VMEM((ROWS_PER_W * NBINS_PAD,), jnp.float32),
            pltpu.VMEM((C, Q, BINS), jnp.float32),
            pltpu.VMEM((D,), jnp.int32),
            pltpu.VMEM((Q,), jnp.int32),
            pltpu.VMEM((D,), jnp.float32),
            pltpu.VMEM((Q,), jnp.float32),
            pltpu.SemaphoreType.DMA((2,)),
        ],
    )


def kernel(simmat, dlens, dtoks, qtoks):
    del dlens
    sim2d = simmat.reshape(ROWS, D)
    return _build_kernel()(sim2d, dtoks.astype(jnp.int32),
                           qtoks.astype(jnp.int32))

# --- scband reference (transcript-rebuilt; emitter-appended) ---
"""Pipeline reference for scband-count-histogram-2319282340172 (READ-ONLY COPY).

The authoritative reference and input builder live on the scoring server;
editing this copy changes nothing except your own understanding.
"""

import jax, jax.numpy as jnp
import numpy as np

BINS = 30


def setup_inputs(seed: int = 0) -> dict:
    key = jax.random.key(seed)
    k1, k2, k3, k4 = jax.random.split(key, 4)
    simmat = jax.random.uniform(k1, (32, 8, 32, 512), dtype=jnp.float32)
    dlens = jax.random.randint(k2, (32,), 0, 512)
    dtoks = jax.random.randint(k3, (32, 512), 0, 30000)
    qtoks = jax.random.randint(k4, (32, 32), 0, 30000)
    return {"simmat": simmat, "dlens": dlens, "dtoks": dtoks, "qtoks": qtoks}


def reference(simmat, dlens, dtoks, qtoks):
    B, C, Q, D = simmat.shape
    nbins = BINS
    # bin index per similarity value (truncation toward zero, matches torch .int())
    bins = ((simmat + 1.00001) / 2.0 * (nbins - 1)).astype(jnp.int32)
    # padding mask weights: valid doc token AND valid query token
    w = ((dtoks != -1)[:, None, :] & (qtoks != -1)[:, :, None]).astype(jnp.float32)  # [B,Q,D]
    wb = jnp.broadcast_to(w[:, None, :, :], bins.shape)  # [B,C,Q,D]
    bidx = jnp.arange(B)[:, None, None, None]
    cidx = jnp.arange(C)[None, :, None, None]
    qidx = jnp.arange(Q)[None, None, :, None]
    # weighted bincount over DLEN for every (b, c, q) -> scatter-add
    histogram = jnp.zeros((B, C, Q, nbins), dtype=jnp.float32).at[bidx, cidx, qidx, bins].add(wb)
    return histogram

if __name__ == "__main__":
    import jax
    _d = setup_inputs()
    print(jax.jit(kernel)(*tuple(_d.values())))

</pallas_src>

<mosaic_0001>
#map = affine_map<(d0, d1) -> (0, 0)>
#map1 = affine_map<(d0, d1) -> (0, 0, 0, 0)>
module attributes {stable_mosaic.version = 14 : i64} {
  func.func @_hist_kernel_body(%arg0: i32, %arg1: i32, %arg2: memref<8192x512xf32, #tpu.memory_space<hbm>>, %arg3: memref<32x512xi32, #tpu.memory_space<hbm>>, %arg4: memref<32x32xi32, #tpu.memory_space<hbm>>, %arg5: memref<32x8x32x30xf32, #tpu.memory_space<hbm>>, %arg6: memref<2x16x512xf32, #tpu.memory_space<vmem>>, %arg7: memref<16384xf32, #tpu.memory_space<vmem>>, %arg8: memref<8x32x30xf32, #tpu.memory_space<vmem>>, %arg9: memref<512xi32, #tpu.memory_space<vmem>>, %arg10: memref<32xi32, #tpu.memory_space<vmem>>, %arg11: memref<512xf32, #tpu.memory_space<vmem>>, %arg12: memref<32xf32, #tpu.memory_space<vmem>>, %arg13: memref<2x!tpu.dma_semaphore, #tpu.memory_space<semaphore_mem>>) attributes {dimension_semantics = [#tpu.dimension_semantics<core_parallel>, #tpu.dimension_semantics<subcore_parallel>], iteration_bounds = array<i64: 2, 16>, scalar_prefetch = 0 : i64, scratch_operands = 8 : i64, tpu.core_type = #tpu.core_type<sc_vector_subcore>, window_params = [{transform_indices = #map}, {transform_indices = #map}, {transform_indices = #map}, {transform_indices = #map1}]} {
    %mul3A = arith.constant 2 : i32
    %mul3A_0 = arith.muli %arg1, %mul3A : i32
    %add3A = arith.addi %mul3A_0, %arg0 : i32
    %mul3A_1 = arith.constant 256 : i32
    %mul3A_2 = arith.muli %add3A, %mul3A_1 : i32
    %iota3A = tpu.iota {dimensions = array<i32: 0>} : vector<16xi32>
    %add3A_3 = arith.constant 0 : i32
    %add3A_4 = vector.broadcast %add3A_3 : i32 to vector<16xi32>
    %add3A_5 = arith.addi %add3A_4, %iota3A : vector<16xi32>
    %and3A = arith.constant 15 : i32
    %and3A_6 = vector.broadcast %and3A : i32 to vector<16xi32>
    %and3A_7 = arith.andi %add3A_5, %and3A_6 : vector<16xi32>
    %add3A_8 = arith.constant 1 : i32
    %add3A_9 = vector.broadcast %add3A_8 : i32 to vector<16xi32>
    %add3A_10 = arith.addi %add3A_9, %iota3A : vector<16xi32>
    %and3A_11 = arith.constant 15 : i32
    %and3A_12 = vector.broadcast %and3A_11 : i32 to vector<16xi32>
    %and3A_13 = arith.andi %add3A_10, %and3A_12 : vector<16xi32>
    %add3A_14 = arith.constant 2 : i32
    %add3A_15 = vector.broadcast %add3A_14 : i32 to vector<16xi32>
    %add3A_16 = arith.addi %add3A_15, %iota3A : vector<16xi32>
    %and3A_17 = arith.constant 15 : i32
    %and3A_18 = vector.broadcast %and3A_17 : i32 to vector<16xi32>
    %and3A_19 = arith.andi %add3A_16, %and3A_18 : vector<16xi32>
    %add3A_20 = arith.constant 3 : i32
    %add3A_21 = vector.broadcast %add3A_20 : i32 to vector<16xi32>
    %add3A_22 = arith.addi %add3A_21, %iota3A : vector<16xi32>
    %and3A_23 = arith.constant 15 : i32
    %and3A_24 = vector.broadcast %and3A_23 : i32 to vector<16xi32>
    %and3A_25 = arith.andi %add3A_22, %and3A_24 : vector<16xi32>
    %add3A_26 = arith.constant 4 : i32
    %add3A_27 = vector.broadcast %add3A_26 : i32 to vector<16xi32>
    %add3A_28 = arith.addi %add3A_27, %iota3A : vector<16xi32>
    %and3A_29 = arith.constant 15 : i32
    %and3A_30 = vector.broadcast %and3A_29 : i32 to vector<16xi32>
    %and3A_31 = arith.andi %add3A_28, %and3A_30 : vector<16xi32>
    %add3A_32 = arith.constant 5 : i32
    %add3A_33 = vector.broadcast %add3A_32 : i32 to vector<16xi32>
    %add3A_34 = arith.addi %add3A_33, %iota3A : vector<16xi32>
    %and3A_35 = arith.constant 15 : i32
    %and3A_36 = vector.broadcast %and3A_35 : i32 to vector<16xi32>
    %and3A_37 = arith.andi %add3A_34, %and3A_36 : vector<16xi32>
    %add3A_38 = arith.constant 6 : i32
    %add3A_39 = vector.broadcast %add3A_38 : i32 to vector<16xi32>
    %add3A_40 = arith.addi %add3A_39, %iota3A : vector<16xi32>
    %and3A_41 = arith.constant 15 : i32
    %and3A_42 = vector.broadcast %and3A_41 : i32 to vector<16xi32>
    %and3A_43 = arith.andi %add3A_40, %and3A_42 : vector<16xi32>
    %add3A_44 = arith.constant 7 : i32
    %add3A_45 = vector.broadcast %add3A_44 : i32 to vector<16xi32>
    %add3A_46 = arith.addi %add3A_45, %iota3A : vector<16xi32>
    %and3A_47 = arith.constant 15 : i32
    %and3A_48 = vector.broadcast %and3A_47 : i32 to vector<16xi32>
    %and3A_49 = arith.andi %add3A_46, %and3A_48 : vector<16xi32>
    %add3A_50 = arith.constant 8 : i32
    %add3A_51 = vector.broadcast %add3A_50 : i32 to vector<16xi32>
    %add3A_52 = arith.addi %add3A_51, %iota3A : vector<16xi32>
    %and3A_53 = arith.constant 15 : i32
    %and3A_54 = vector.broadcast %and3A_53 : i32 to vector<16xi32>
    %and3A_55 = arith.andi %add3A_52, %and3A_54 : vector<16xi32>
    %add3A_56 = arith.constant 9 : i32
    %add3A_57 = vector.broadcast %add3A_56 : i32 to vector<16xi32>
    %add3A_58 = arith.addi %add3A_57, %iota3A : vector<16xi32>
    %and3A_59 = arith.constant 15 : i32
    %and3A_60 = vector.broadcast %and3A_59 : i32 to vector<16xi32>
    %and3A_61 = arith.andi %add3A_58, %and3A_60 : vector<16xi32>
    %add3A_62 = arith.constant 10 : i32
    %add3A_63 = vector.broadcast %add3A_62 : i32 to vector<16xi32>
    %add3A_64 = arith.addi %add3A_63, %iota3A : vector<16xi32>
    %and3A_65 = arith.constant 15 : i32
    %and3A_66 = vector.broadcast %and3A_65 : i32 to vector<16xi32>
    %and3A_67 = arith.andi %add3A_64, %and3A_66 : vector<16xi32>
    %add3A_68 = arith.constant 11 : i32
    %add3A_69 = vector.broadcast %add3A_68 : i32 to vector<16xi32>
    %add3A_70 = arith.addi %add3A_69, %iota3A : vector<16xi32>
    %and3A_71 = arith.constant 15 : i32
    %and3A_72 = vector.broadcast %and3A_71 : i32 to vector<16xi32>
    %and3A_73 = arith.andi %add3A_70, %and3A_72 : vector<16xi32>
    %add3A_74 = arith.constant 12 : i32
    %add3A_75 = vector.broadcast %add3A_74 : i32 to vector<16xi32>
    %add3A_76 = arith.addi %add3A_75, %iota3A : vector<16xi32>
    %and3A_77 = arith.constant 15 : i32
    %and3A_78 = vector.broadcast %and3A_77 : i32 to vector<16xi32>
    %and3A_79 = arith.andi %add3A_76, %and3A_78 : vector<16xi32>
    %add3A_80 = arith.constant 13 : i32
    %add3A_81 = vector.broadcast %add3A_80 : i32 to vector<16xi32>
    %add3A_82 = arith.addi %add3A_81, %iota3A : vector<16xi32>
    %and3A_83 = arith.constant 15 : i32
    %and3A_84 = vector.broadcast %and3A_83 : i32 to vector<16xi32>
    %and3A_85 = arith.andi %add3A_82, %and3A_84 : vector<16xi32>
    %add3A_86 = arith.constant 14 : i32
    %add3A_87 = vector.broadcast %add3A_86 : i32 to vector<16xi32>
    %add3A_88 = arith.addi %add3A_87, %iota3A : vector<16xi32>
    %and3A_89 = arith.constant 15 : i32
    %and3A_90 = vector.broadcast %and3A_89 : i32 to vector<16xi32>
    %and3A_91 = arith.andi %add3A_88, %and3A_90 : vector<16xi32>
    %add3A_92 = arith.constant 15 : i32
    %add3A_93 = vector.broadcast %add3A_92 : i32 to vector<16xi32>
    %add3A_94 = arith.addi %add3A_93, %iota3A : vector<16xi32>
    %and3A_95 = arith.constant 15 : i32
    %and3A_96 = vector.broadcast %and3A_95 : i32 to vector<16xi32>
    %and3A_97 = arith.andi %add3A_94, %and3A_96 : vector<16xi32>
    %add3A_98 = arith.constant 1 : i32
    %add3A_99 = vector.broadcast %add3A_98 : i32 to vector<16xi32>
    %add3A_100 = arith.addi %iota3A, %add3A_99 : vector<16xi32>
    %and3A_101 = arith.constant 15 : i32
    %and3A_102 = vector.broadcast %and3A_101 : i32 to vector<16xi32>
    %and3A_103 = arith.andi %add3A_100, %and3A_102 : vector<16xi32>
    %add3A_104 = arith.constant 0 : i32
    %add3A_105 = arith.addi %mul3A_2, %add3A_104 : i32
    %dma_start3A = arith.constant 0 : i32
    %dma_start3A_106 = arith.constant 0 : i32
    %dma_start3A_107 = arith.constant 0 : i32
    %dma_start3A_108 = arith.constant 0 : i32
    %dma_start3A_109 = tpu.memref_slice %arg6[%dma_start3A, %dma_start3A_107, %dma_start3A_108] : memref<2x16x512xf32, #tpu.memory_space<vmem>> -> memref<1x16x512xf32, #tpu.memory_space<vmem>>
    %dma_start3A_110 = tpu.memref_squeeze %dma_start3A_109 : memref<1x16x512xf32, #tpu.memory_space<vmem>> -> memref<16x512xf32, #tpu.memory_space<vmem>>
    %dma_start3A_111 = arith.constant 0 : i32
    %dma_start3A_112 = tpu.memref_slice %arg2[%add3A_105, %dma_start3A_111] : memref<8192x512xf32, #tpu.memory_space<hbm>> -> memref<16x512xf32, #tpu.memory_space<hbm>>
    %dma_start3A_113 = tpu.memref_slice %arg13[%dma_start3A_106] : memref<2x!tpu.dma_semaphore, #tpu.memory_space<semaphore_mem>> -> memref<1x!tpu.dma_semaphore, #tpu.memory_space<semaphore_mem>>
    %dma_start3A_114 = tpu.memref_squeeze %dma_start3A_113 : memref<1x!tpu.dma_semaphore, #tpu.memory_space<semaphore_mem>> -> memref<!tpu.dma_semaphore, #tpu.memory_space<semaphore_mem>>
    %dma_start3A_115 = arith.constant 0 : i32
    %dma_start3A_116 = arith.constant 0 : i32
    %dma_start3A_117 = tpu.memref_slice %arg6[%dma_start3A, %dma_start3A_115, %dma_start3A_116] : memref<2x16x512xf32, #tpu.memory_space<vmem>> -> memref<1x16x512xf32, #tpu.memory_space<vmem>>
    %dma_start3A_118 = tpu.memref_squeeze %dma_start3A_117 : memref<1x16x512xf32, #tpu.memory_space<vmem>> -> memref<16x512xf32, #tpu.memory_space<vmem>>
    %dma_start3A_119 = arith.constant 0 : i32
    %dma_start3A_120 = tpu.memref_slice %arg2[%add3A_105, %dma_start3A_119] : memref<8192x512xf32, #tpu.memory_space<hbm>> -> memref<16x512xf32, #tpu.memory_space<hbm>>
    tpu.enqueue_dma source(%dma_start3A_120 : memref<16x512xf32, #tpu.memory_space<hbm>>) target(%dma_start3A_118 : memref<16x512xf32, #tpu.memory_space<vmem>>) target_semaphore(%dma_start3A_114 : memref<!tpu.dma_semaphore, #tpu.memory_space<semaphore_mem>>)
    %add3A_121 = arith.constant 16 : i32
    %add3A_122 = arith.addi %mul3A_2, %add3A_121 : i32
    %dma_start3A_123 = arith.constant 1 : i32
    %dma_start3A_124 = arith.constant 1 : i32
    %dma_start3A_125 = arith.constant 0 : i32
    %dma_start3A_126 = arith.constant 0 : i32
    %dma_start3A_127 = tpu.memref_slice %arg6[%dma_start3A_123, %dma_start3A_125, %dma_start3A_126] : memref<2x16x512xf32, #tpu.memory_space<vmem>> -> memref<1x16x512xf32, #tpu.memory_space<vmem>>
    %dma_start3A_128 = tpu.memref_squeeze %dma_start3A_127 : memref<1x16x512xf32, #tpu.memory_space<vmem>> -> memref<16x512xf32, #tpu.memory_space<vmem>>
    %dma_start3A_129 = arith.constant 0 : i32
    %dma_start3A_130 = tpu.memref_slice %arg2[%add3A_122, %dma_start3A_129] : memref<8192x512xf32, #tpu.memory_space<hbm>> -> memref<16x512xf32, #tpu.memory_space<hbm>>
    %dma_start3A_131 = tpu.memref_slice %arg13[%dma_start3A_124] : memref<2x!tpu.dma_semaphore, #tpu.memory_space<semaphore_mem>> -> memref<1x!tpu.dma_semaphore, #tpu.memory_space<semaphore_mem>>
    %dma_start3A_132 = tpu.memref_squeeze %dma_start3A_131 : memref<1x!tpu.dma_semaphore, #tpu.memory_space<semaphore_mem>> -> memref<!tpu.dma_semaphore, #tpu.memory_space<semaphore_mem>>
    %dma_start3A_133 = arith.constant 0 : i32
    %dma_start3A_134 = arith.constant 0 : i32
    %dma_start3A_135 = tpu.memref_slice %arg6[%dma_start3A_123, %dma_start3A_133, %dma_start3A_134] : memref<2x16x512xf32, #tpu.memory_space<vmem>> -> memref<1x16x512xf32, #tpu.memory_space<vmem>>
    %dma_start3A_136 = tpu.memref_squeeze %dma_start3A_135 : memref<1x16x512xf32, #tpu.memory_space<vmem>> -> memref<16x512xf32, #tpu.memory_space<vmem>>
    %dma_start3A_137 = arith.constant 0 : i32
    %dma_start3A_138 = tpu.memref_slice %arg2[%add3A_122, %dma_start3A_137] : memref<8192x512xf32, #tpu.memory_space<hbm>> -> memref<16x512xf32, #tpu.memory_space<hbm>>
    tpu.enqueue_dma source(%dma_start3A_138 : memref<16x512xf32, #tpu.memory_space<hbm>>) target(%dma_start3A_136 : memref<16x512xf32, #tpu.memory_space<vmem>>) target_semaphore(%dma_start3A_132 : memref<!tpu.dma_semaphore, #tpu.memory_space<semaphore_mem>>)
    "tpu.region"() ({
      %run_scoped3A = tpu.sem_alloc : memref<!tpu.dma_semaphore, #tpu.memory_space<semaphore_mem>>
      %dma_start3A_573 = arith.constant 0 : i32
      %dma_start3A_574 = tpu.memref_slice %arg3[%add3A, %dma_start3A_573] : memref<32x512xi32, #tpu.memory_space<hbm>> -> memref<1x512xi32, #tpu.memory_space<hbm>>
      %dma_start3A_575 = tpu.memref_squeeze %dma_start3A_574 : memref<1x512xi32, #tpu.memory_space<hbm>> -> memref<512xi32, #tpu.memory_space<hbm>>
      %dma_start3A_576 = arith.constant 0 : i32
      %dma_start3A_577 = tpu.memref_slice %arg3[%add3A, %dma_start3A_576] : memref<32x512xi32, #tpu.memory_space<hbm>> -> memref<1x512xi32, #tpu.memory_space<hbm>>
      %dma_start3A_578 = tpu.memref_squeeze %dma_start3A_577 : memref<1x512xi32, #tpu.memory_space<hbm>> -> memref<512xi32, #tpu.memory_space<hbm>>
      tpu.enqueue_dma source(%dma_start3A_578 : memref<512xi32, #tpu.memory_space<hbm>>) target(%arg9 : memref<512xi32, #tpu.memory_space<vmem>>) target_semaphore(%run_scoped3A : memref<!tpu.dma_semaphore, #tpu.memory_space<semaphore_mem>>)
      %dma_wait3A = arith.constant 0 : i32
      %dma_wait3A_579 = tpu.memref_slice %arg3[%add3A, %dma_wait3A] : memref<32x512xi32, #tpu.memory_space<hbm>> -> memref<1x512xi32, #tpu.memory_space<hbm>>
      %dma_wait3A_580 = tpu.memref_squeeze %dma_wait3A_579 : memref<1x512xi32, #tpu.memory_space<hbm>> -> memref<512xi32, #tpu.memory_space<hbm>>
      %dma_wait3A_581 = arith.constant 0 : i32
      %dma_wait3A_582 = tpu.memref_slice %arg3[%add3A, %dma_wait3A_581] : memref<32x512xi32, #tpu.memory_space<hbm>> -> memref<1x512xi32, #tpu.memory_space<hbm>>
      %dma_wait3A_583 = tpu.memref_squeeze %dma_wait3A_582 : memref<1x512xi32, #tpu.memory_space<hbm>> -> memref<512xi32, #tpu.memory_space<hbm>>
      tpu.wait_dma2 semaphore(%run_scoped3A : memref<!tpu.dma_semaphore, #tpu.memory_space<semaphore_mem>>) src(%dma_wait3A_583 : memref<512xi32, #tpu.memory_space<hbm>>) dst(%arg9 : memref<512xi32, #tpu.memory_space<vmem>>)
      tpu.yield
    }) : () -> ()
    "tpu.region"() ({
      %run_scoped3A = tpu.sem_alloc : memref<!tpu.dma_semaphore, #tpu.memory_space<semaphore_mem>>
      %dma_start3A_573 = arith.constant 0 : i32
      %dma_start3A_574 = tpu.memref_slice %arg4[%add3A, %dma_start3A_573] : memref<32x32xi32, #tpu.memory_space<hbm>> -> memref<1x32xi32, #tpu.memory_space<hbm>>
      %dma_start3A_575 = tpu.memref_squeeze %dma_start3A_574 : memref<1x32xi32, #tpu.memory_space<hbm>> -> memref<32xi32, #tpu.memory_space<hbm>>
      %dma_start3A_576 = arith.constant 0 : i32
      %dma_start3A_577 = tpu.memref_slice %arg4[%add3A, %dma_start3A_576] : memref<32x32xi32, #tpu.memory_space<hbm>> -> memref<1x32xi32, #tpu.memory_space<hbm>>
      %dma_start3A_578 = tpu.memref_squeeze %dma_start3A_577 : memref<1x32xi32, #tpu.memory_space<hbm>> -> memref<32xi32, #tpu.memory_space<hbm>>
      tpu.enqueue_dma source(%dma_start3A_578 : memref<32xi32, #tpu.memory_space<hbm>>) target(%arg10 : memref<32xi32, #tpu.memory_space<vmem>>) target_semaphore(%run_scoped3A : memref<!tpu.dma_semaphore, #tpu.memory_space<semaphore_mem>>)
      %dma_wait3A = arith.constant 0 : i32
      %dma_wait3A_579 = tpu.memref_slice %arg4[%add3A, %dma_wait3A] : memref<32x32xi32, #tpu.memory_space<hbm>> -> memref<1x32xi32, #tpu.memory_space<hbm>>
      %dma_wait3A_580 = tpu.memref_squeeze %dma_wait3A_579 : memref<1x32xi32, #tpu.memory_space<hbm>> -> memref<32xi32, #tpu.memory_space<hbm>>
      %dma_wait3A_581 = arith.constant 0 : i32
      %dma_wait3A_582 = tpu.memref_slice %arg4[%add3A, %dma_wait3A_581] : memref<32x32xi32, #tpu.memory_space<hbm>> -> memref<1x32xi32, #tpu.memory_space<hbm>>
      %dma_wait3A_583 = tpu.memref_squeeze %dma_wait3A_582 : memref<1x32xi32, #tpu.memory_space<hbm>> -> memref<32xi32, #tpu.memory_space<hbm>>
      tpu.wait_dma2 semaphore(%run_scoped3A : memref<!tpu.dma_semaphore, #tpu.memory_space<semaphore_mem>>) src(%dma_wait3A_583 : memref<32xi32, #tpu.memory_space<hbm>>) dst(%arg10 : memref<32xi32, #tpu.memory_space<vmem>>)
      tpu.yield
    }) : () -> ()
    %broadcast_in_dim3A = arith.constant 0.000000e+00 : f32
    %broadcast_in_dim3A_139 = vector.broadcast %broadcast_in_dim3A : f32 to vector<16xf32>
    %scan3A = arith.constant 0 : i32
    %scan3A_140 = arith.constant 0 : i32
    %scan3A_141 = arith.constant 16 : i32
    %scan3A_142 = arith.addi %scan3A_140, %scan3A_141 : i32
    %scan3A_143 = arith.constant 1 : i32
    %scan3A_144 = scf.for %scan3A_573 = %scan3A_140 to %scan3A_142 step %scan3A_143 iter_args(%scan3A_574 = %scan3A) -> (i32)  : i32 {
      %mul3A_575 = arith.constant 1024 : i32
      %mul3A_576 = arith.muli %scan3A_573, %mul3A_575 : i32
      %add3A_577 = arith.constant 0 : i32
      %add3A_578 = arith.addi %mul3A_576, %add3A_577 : i32
      %swap3A = arith.index_cast %add3A_578 : i32 to index
      %swap3A_579 = tpu.vector_load %arg7[%swap3A] {strides = array<i32>} : memref<16384xf32, #tpu.memory_space<vmem>>, vector<16xf32>,
      tpu.vector_store %arg7[%swap3A], %broadcast_in_dim3A_139 {strides = array<i32>} : memref<16384xf32, #tpu.memory_space<vmem>>, vector<16xf32>,
      %mul3A_580 = arith.constant 1024 : i32
      %mul3A_581 = arith.muli %scan3A_573, %mul3A_580 : i32
      %add3A_582 = arith.constant 16 : i32
      %add3A_583 = arith.addi %mul3A_581, %add3A_582 : i32
      %swap3A_584 = arith.index_cast %add3A_583 : i32 to index
      %swap3A_585 = tpu.vector_load %arg7[%swap3A_584] {strides = array<i32>} : memref<16384xf32, #tpu.memory_space<vmem>>, vector<16xf32>,
      tpu.vector_store %arg7[%swap3A_584], %broadcast_in_dim3A_139 {strides = array<i32>} : memref<16384xf32, #tpu.memory_space<vmem>>, vector<16xf32>,
      %mul3A_586 = arith.constant 1024 : i32
      %mul3A_587 = arith.muli %scan3A_573, %mul3A_586 : i32
      %add3A_588 = arith.constant 32 : i32
      %add3A_589 = arith.addi %mul3A_587, %add3A_588 : i32
      %swap3A_590 = arith.index_cast %add3A_589 : i32 to index
      %swap3A_591 = tpu.vector_load %arg7[%swap3A_590] {strides = array<i32>} : memref<16384xf32, #tpu.memory_space<vmem>>, vector<16xf32>,
      tpu.vector_store %arg7[%swap3A_590], %broadcast_in_dim3A_139 {strides = array<i32>} : memref<16384xf32, #tpu.memory_space<vmem>>, vector<16xf32>,
      %mul3A_592 = arith.constant 1024 : i32
      %mul3A_593 = arith.muli %scan3A_573, %mul3A_592 : i32
      %add3A_594 = arith.constant 48 : i32
      %add3A_595 = arith.addi %mul3A_593, %add3A_594 : i32
      %swap3A_596 = arith.index_cast %add3A_595 : i32 to index
      %swap3A_597 = tpu.vector_load %arg7[%swap3A_596] {strides = array<i32>} : memref<16384xf32, #tpu.memory_space<vmem>>, vector<16xf32>,
      tpu.vector_store %arg7[%swap3A_596], %broadcast_in_dim3A_139 {strides = array<i32>} : memref<16384xf32, #tpu.memory_space<vmem>>, vector<16xf32>,
      %mul3A_598 = arith.constant 1024 : i32
      %mul3A_599 = arith.muli %scan3A_573, %mul3A_598 : i32
      %add3A_600 = arith.constant 64 : i32
      %add3A_601 = arith.addi %mul3A_599, %add3A_600 : i32
      %swap3A_602 = arith.index_cast %add3A_601 : i32 to index
      %swap3A_603 = tpu.vector_load %arg7[%swap3A_602] {strides = array<i32>} : memref<16384xf32, #tpu.memory_space<vmem>>, vector<16xf32>,
      tpu.vector_store %arg7[%swap3A_602], %broadcast_in_dim3A_139 {strides = array<i32>} : memref<16384xf32, #tpu.memory_space<vmem>>, vector<16xf32>,
      %mul3A_604 = arith.constant 1024 : i32
      %mul3A_605 = arith.muli %scan3A_573, %mul3A_604 : i32
      %add3A_606 = arith.constant 80 : i32
      %add3A_607 = arith.addi %mul3A_605, %add3A_606 : i32
      %swap3A_608 = arith.index_cast %add3A_607 : i32 to index
      %swap3A_609 = tpu.vector_load %arg7[%swap3A_608] {strides = array<i32>} : memref<16384xf32, #tpu.memory_space<vmem>>, vector<16xf32>,
      tpu.vector_store %arg7[%swap3A_608], %broadcast_in_dim3A_139 {strides = array<i32>} : memref<16384xf32, #tpu.memory_space<vmem>>, vector<16xf32>,
      %mul3A_610 = arith.constant 1024 : i32
      %mul3A_611 = arith.muli %scan3A_573, %mul3A_610 : i32
      %add3A_612 = arith.constant 96 : i32
      %add3A_613 = arith.addi %mul3A_611, %add3A_612 : i32
      %swap3A_614 = arith.index_cast %add3A_613 : i32 to index
      %swap3A_615 = tpu.vector_load %arg7[%swap3A_614] {strides = array<i32>} : memref<16384xf32, #tpu.memory_space<vmem>>, vector<16xf32>,
      tpu.vector_store %arg7[%swap3A_614], %broadcast_in_dim3A_139 {strides = array<i32>} : memref<16384xf32, #tpu.memory_space<vmem>>, vector<16xf32>,
      %mul3A_616 = arith.constant 1024 : i32
      %mul3A_617 = arith.muli %scan3A_573, %mul3A_616 : i32
      %add3A_618 = arith.constant 112 : i32
      %add3A_619 = arith.addi %mul3A_617, %add3A_618 : i32
      %swap3A_620 = arith.index_cast %add3A_619 : i32 to index
      %swap3A_621 = tpu.vector_load %arg7[%swap3A_620] {strides = array<i32>} : memref<16384xf32, #tpu.memory_space<vmem>>, vector<16xf32>,
      tpu.vector_store %arg7[%swap3A_620], %broadcast_in_dim3A_139 {strides = array<i32>} : memref<16384xf32, #tpu.memory_space<vmem>>, vector<16xf32>,
      %mul3A_622 = arith.constant 1024 : i32
      %mul3A_623 = arith.muli %scan3A_573, %mul3A_622 : i32
      %add3A_624 = arith.constant 128 : i32
      %add3A_625 = arith.addi %mul3A_623, %add3A_624 : i32
      %swap3A_626 = arith.index_cast %add3A_625 : i32 to index
      %swap3A_627 = tpu.vector_load %arg7[%swap3A_626] {strides = array<i32>} : memref<16384xf32, #tpu.memory_space<vmem>>, vector<16xf32>,
      tpu.vector_store %arg7[%swap3A_626], %broadcast_in_dim3A_139 {strides = array<i32>} : memref<16384xf32, #tpu.memory_space<vmem>>, vector<16xf32>,
      %mul3A_628 = arith.constant 1024 : i32
      %mul3A_629 = arith.muli %scan3A_573, %mul3A_628 : i32
      %add3A_630 = arith.constant 144 : i32
      %add3A_631 = arith.addi %mul3A_629, %add3A_630 : i32
      %swap3A_632 = arith.index_cast %add3A_631 : i32 to index
      %swap3A_633 = tpu.vector_load %arg7[%swap3A_632] {strides = array<i32>} : memref<16384xf32, #tpu.memory_space<vmem>>, vector<16xf32>,
      tpu.vector_store %arg7[%swap3A_632], %broadcast_in_dim3A_139 {strides = array<i32>} : memref<16384xf32, #tpu.memory_space<vmem>>, vector<16xf32>,
      %mul3A_634 = arith.constant 1024 : i32
      %mul3A_635 = arith.muli %scan3A_573, %mul3A_634 : i32
      %add3A_636 = arith.constant 160 : i32
      %add3A_637 = arith.addi %mul3A_635, %add3A_636 : i32
      %swap3A_638 = arith.index_cast %add3A_637 : i32 to index
      %swap3A_639 = tpu.vector_load %arg7[%swap3A_638] {strides = array<i32>} : memref<16384xf32, #tpu.memory_space<vmem>>, vector<16xf32>,
      tpu.vector_store %arg7[%swap3A_638], %broadcast_in_dim3A_139 {strides = array<i32>} : memref<16384xf32, #tpu.memory_space<vmem>>, vector<16xf32>,
      %mul3A_640 = arith.constant 1024 : i32
      %mul3A_641 = arith.muli %scan3A_573, %mul3A_640 : i32
      %add3A_642 = arith.constant 176 : i32
      %add3A_643 = arith.addi %mul3A_641, %add3A_642 : i32
      %swap3A_644 = arith.index_cast %add3A_643 : i32 to index
      %swap3A_645 = tpu.vector_load %arg7[%swap3A_644] {strides = array<i32>} : memref<16384xf32, #tpu.memory_space<vmem>>, vector<16xf32>,
      tpu.vector_store %arg7[%swap3A_644], %broadcast_in_dim3A_139 {strides = array<i32>} : memref<16384xf32, #tpu.memory_space<vmem>>, vector<16xf32>,
      %mul3A_646 = arith.constant 1024 : i32
      %mul3A_647 = arith.muli %scan3A_573, %mul3A_646 : i32
      %add3A_648 = arith.constant 192 : i32
      %add3A_649 = arith.addi %mul3A_647, %add3A_648 : i32
      %swap3A_650 = arith.index_cast %add3A_649 : i32 to index
      %swap3A_651 = tpu.vector_load %arg7[%swap3A_650] {strides = array<i32>} : memref<16384xf32, #tpu.memory_space<vmem>>, vector<16xf32>,
      tpu.vector_store %arg7[%swap3A_650], %broadcast_in_dim3A_139 {strides = array<i32>} : memref<16384xf32, #tpu.memory_space<vmem>>, vector<16xf32>,
      %mul3A_652 = arith.constant 1024 : i32
      %mul3A_653 = arith.muli %scan3A_573, %mul3A_652 : i32
      %add3A_654 = arith.constant 208 : i32
      %add3A_655 = arith.addi %mul3A_653, %add3A_654 : i32
      %swap3A_656 = arith.index_cast %add3A_655 : i32 to index
      %swap3A_657 = tpu.vector_load %arg7[%swap3A_656] {strides = array<i32>} : memref<16384xf32, #tpu.memory_space<vmem>>, vector<16xf32>,
      tpu.vector_store %arg7[%swap3A_656], %broadcast_in_dim3A_139 {strides = array<i32>} : memref<16384xf32, #tpu.memory_space<vmem>>, vector<16xf32>,
      %mul3A_658 = arith.constant 1024 : i32
      %mul3A_659 = arith.muli %scan3A_573, %mul3A_658 : i32
      %add3A_660 = arith.constant 224 : i32
      %add3A_661 = arith.addi %mul3A_659, %add3A_660 : i32
      %swap3A_662 = arith.index_cast %add3A_661 : i32 to index
      %swap3A_663 = tpu.vector_load %arg7[%swap3A_662] {strides = array<i32>} : memref<16384xf32, #tpu.memory_space<vmem>>, vector<16xf32>,
      tpu.vector_store %arg7[%swap3A_662], %broadcast_in_dim3A_139 {strides = array<i32>} : memref<16384xf32, #tpu.memory_space<vmem>>, vector<16xf32>,
      %mul3A_664 = arith.constant 1024 : i32
      %mul3A_665 = arith.muli %scan3A_573, %mul3A_664 : i32
      %add3A_666 = arith.constant 240 : i32
      %add3A_667 = arith.addi %mul3A_665, %add3A_666 : i32
      %swap3A_668 = arith.index_cast %add3A_667 : i32 to index
      %swap3A_669 = tpu.vector_load %arg7[%swap3A_668] {strides = array<i32>} : memref<16384xf32, #tpu.memory_space<vmem>>, vector<16xf32>,
      tpu.vector_store %arg7[%swap3A_668], %broadcast_in_dim3A_139 {strides = array<i32>} : memref<16384xf32, #tpu.memory_space<vmem>>, vector<16xf32>,
      %mul3A_670 = arith.constant 1024 : i32
      %mul3A_671 = arith.muli %scan3A_573, %mul3A_670 : i32
      %add3A_672 = arith.constant 256 : i32
      %add3A_673 = arith.addi %mul3A_671, %add3A_672 : i32
      %swap3A_674 = arith.index_cast %add3A_673 : i32 to index
      %swap3A_675 = tpu.vector_load %arg7[%swap3A_674] {strides = array<i32>} : memref<16384xf32, #tpu.memory_space<vmem>>, vector<16xf32>,
      tpu.vector_store %arg7[%swap3A_674], %broadcast_in_dim3A_139 {strides = array<i32>} : memref<16384xf32, #tpu.memory_space<vmem>>, vector<16xf32>,
      %mul3A_676 = arith.constant 1024 : i32
      %mul3A_677 = arith.muli %scan3A_573, %mul3A_676 : i32
      %add3A_678 = arith.constant 272 : i32
      %add3A_679 = arith.addi %mul3A_677, %add3A_678 : i32
      %swap3A_680 = arith.index_cast %add3A_679 : i32 to index
      %swap3A_681 = tpu.vector_load %arg7[%swap3A_680] {strides = array<i32>} : memref<16384xf32, #tpu.memory_space<vmem>>, vector<16xf32>,
      tpu.vector_store %arg7[%swap3A_680], %broadcast_in_dim3A_139 {strides = array<i32>} : memref<16384xf32, #tpu.memory_space<vmem>>, vector<16xf32>,
      %mul3A_682 = arith.constant 1024 : i32
      %mul3A_683 = arith.muli %scan3A_573, %mul3A_682 : i32
      %add3A_684 = arith.constant 288 : i32
      %add3A_685 = arith.addi %mul3A_683, %add3A_684 : i32
      %swap3A_686 = arith.index_cast %add3A_685 : i32 to index
      %swap3A_687 = tpu.vector_load %arg7[%swap3A_686] {strides = array<i32>} : memref<16384xf32, #tpu.memory_space<vmem>>, vector<16xf32>,
      tpu.vector_store %arg7[%swap3A_686], %broadcast_in_dim3A_139 {strides = array<i32>} : memref<16384xf32, #tpu.memory_space<vmem>>, vector<16xf32>,
      %mul3A_688 = arith.constant 1024 : i32
      %mul3A_689 = arith.muli %scan3A_573, %mul3A_688 : i32
      %add3A_690 = arith.constant 304 : i32
      %add3A_691 = arith.addi %mul3A_689, %add3A_690 : i32
      %swap3A_692 = arith.index_cast %add3A_691 : i32 to index
      %swap3A_693 = tpu.vector_load %arg7[%swap3A_692] {strides = array<i32>} : memref<16384xf32, #tpu.memory_space<vmem>>, vector<16xf32>,
      tpu.vector_store %arg7[%swap3A_692], %broadcast_in_dim3A_139 {strides = array<i32>} : memref<16384xf32, #tpu.memory_space<vmem>>, vector<16xf32>,
      %mul3A_694 = arith.constant 1024 : i32
      %mul3A_695 = arith.muli %scan3A_573, %mul3A_694 : i32
      %add3A_696 = arith.constant 320 : i32
      %add3A_697 = arith.addi %mul3A_695, %add3A_696 : i32
      %swap3A_698 = arith.index_cast %add3A_697 : i32 to index
      %swap3A_699 = tpu.vector_load %arg7[%swap3A_698] {strides = array<i32>} : memref<16384xf32, #tpu.memory_space<vmem>>, vector<16xf32>,
      tpu.vector_store %arg7[%swap3A_698], %broadcast_in_dim3A_139 {strides = array<i32>} : memref<16384xf32, #tpu.memory_space<vmem>>, vector<16xf32>,
      %mul3A_700 = arith.constant 1024 : i32
      %mul3A_701 = arith.muli %scan3A_573, %mul3A_700 : i32
      %add3A_702 = arith.constant 336 : i32
      %add3A_703 = arith.addi %mul3A_701, %add3A_702 : i32
      %swap3A_704 = arith.index_cast %add3A_703 : i32 to index
      %swap3A_705 = tpu.vector_load %arg7[%swap3A_704] {strides = array<i32>} : memref<16384xf32, #tpu.memory_space<vmem>>, vector<16xf32>,
      tpu.vector_store %arg7[%swap3A_704], %broadcast_in_dim3A_139 {strides = array<i32>} : memref<16384xf32, #tpu.memory_space<vmem>>, vector<16xf32>,
      %mul3A_706 = arith.constant 1024 : i32
      %mul3A_707 = arith.muli %scan3A_573, %mul3A_706 : i32
      %add3A_708 = arith.constant 352 : i32
      %add3A_709 = arith.addi %mul3A_707, %add3A_708 : i32
      %swap3A_710 = arith.index_cast %add3A_709 : i32 to index
      %swap3A_711 = tpu.vector_load %arg7[%swap3A_710] {strides = array<i32>} : memref<16384xf32, #tpu.memory_space<vmem>>, vector<16xf32>,
      tpu.vector_store %arg7[%swap3A_710], %broadcast_in_dim3A_139 {strides = array<i32>} : memref<16384xf32, #tpu.memory_space<vmem>>, vector<16xf32>,
      %mul3A_712 = arith.constant 1024 : i32
      %mul3A_713 = arith.muli %scan3A_573, %mul3A_712 : i32
      %add3A_714 = arith.constant 368 : i32
      %add3A_715 = arith.addi %mul3A_713, %add3A_714 : i32
      %swap3A_716 = arith.index_cast %add3A_715 : i32 to index
      %swap3A_717 = tpu.vector_load %arg7[%swap3A_716] {strides = array<i32>} : memref<16384xf32, #tpu.memory_space<vmem>>, vector<16xf32>,
      tpu.vector_store %arg7[%swap3A_716], %broadcast_in_dim3A_139 {strides = array<i32>} : memref<16384xf32, #tpu.memory_space<vmem>>, vector<16xf32>,
      %mul3A_718 = arith.constant 1024 : i32
      %mul3A_719 = arith.muli %scan3A_573, %mul3A_718 : i32
      %add3A_720 = arith.constant 384 : i32
      %add3A_721 = arith.addi %mul3A_719, %add3A_720 : i32
      %swap3A_722 = arith.index_cast %add3A_721 : i32 to index
      %swap3A_723 = tpu.vector_load %arg7[%swap3A_722] {strides = array<i32>} : memref<16384xf32, #tpu.memory_space<vmem>>, vector<16xf32>,
      tpu.vector_store %arg7[%swap3A_722], %broadcast_in_dim3A_139 {strides = array<i32>} : memref<16384xf32, #tpu.memory_space<vmem>>, vector<16xf32>,
      %mul3A_724 = arith.constant 1024 : i32
      %mul3A_725 = arith.muli %scan3A_573, %mul3A_724 : i32
      %add3A_726 = arith.constant 400 : i32
      %add3A_727 = arith.addi %mul3A_725, %add3A_726 : i32
      %swap3A_728 = arith.index_cast %add3A_727 : i32 to index
      %swap3A_729 = tpu.vector_load %arg7[%swap3A_728] {strides = array<i32>} : memref<16384xf32, #tpu.memory_space<vmem>>, vector<16xf32>,
      tpu.vector_store %arg7[%swap3A_728], %broadcast_in_dim3A_139 {strides = array<i32>} : memref<16384xf32, #tpu.memory_space<vmem>>, vector<16xf32>,
      %mul3A_730 = arith.constant 1024 : i32
      %mul3A_731 = arith.muli %scan3A_573, %mul3A_730 : i32
      %add3A_732 = arith.constant 416 : i32
      %add3A_733 = arith.addi %mul3A_731, %add3A_732 : i32
      %swap3A_734 = arith.index_cast %add3A_733 : i32 to index
      %swap3A_735 = tpu.vector_load %arg7[%swap3A_734] {strides = array<i32>} : memref<16384xf32, #tpu.memory_space<vmem>>, vector<16xf32>,
      tpu.vector_store %arg7[%swap3A_734], %broadcast_in_dim3A_139 {strides = array<i32>} : memref<16384xf32, #tpu.memory_space<vmem>>, vector<16xf32>,
      %mul3A_736 = arith.constant 1024 : i32
      %mul3A_737 = arith.muli %scan3A_573, %mul3A_736 : i32
      %add3A_738 = arith.constant 432 : i32
      %add3A_739 = arith.addi %mul3A_737, %add3A_738 : i32
      %swap3A_740 = arith.index_cast %add3A_739 : i32 to index
      %swap3A_741 = tpu.vector_load %arg7[%swap3A_740] {strides = array<i32>} : memref<16384xf32, #tpu.memory_space<vmem>>, vector<16xf32>,
      tpu.vector_store %arg7[%swap3A_740], %broadcast_in_dim3A_139 {strides = array<i32>} : memref<16384xf32, #tpu.memory_space<vmem>>, vector<16xf32>,
      %mul3A_742 = arith.constant 1024 : i32
      %mul3A_743 = arith.muli %scan3A_573, %mul3A_742 : i32
      %add3A_744 = arith.constant 448 : i32
      %add3A_745 = arith.addi %mul3A_743, %add3A_744 : i32
      %swap3A_746 = arith.index_cast %add3A_745 : i32 to index
      %swap3A_747 = tpu.vector_load %arg7[%swap3A_746] {strides = array<i32>} : memref<16384xf32, #tpu.memory_space<vmem>>, vector<16xf32>,
      tpu.vector_store %arg7[%swap3A_746], %broadcast_in_dim3A_139 {strides = array<i32>} : memref<16384xf32, #tpu.memory_space<vmem>>, vector<16xf32>,
      %mul3A_748 = arith.constant 1024 : i32
      %mul3A_749 = arith.muli %scan3A_573, %mul3A_748 : i32
      %add3A_750 = arith.constant 464 : i32
      %add3A_751 = arith.addi %mul3A_749, %add3A_750 : i32
      %swap3A_752 = arith.index_cast %add3A_751 : i32 to index
      %swap3A_753 = tpu.vector_load %arg7[%swap3A_752] {strides = array<i32>} : memref<16384xf32, #tpu.memory_space<vmem>>, vector<16xf32>,
      tpu.vector_store %arg7[%swap3A_752], %broadcast_in_dim3A_139 {strides = array<i32>} : memref<16384xf32, #tpu.memory_space<vmem>>, vector<16xf32>,
      %scan3A_754 = arith.constant 0 : i32
      scf.yield %scan3A_754 : i32
    }
    %scan3A_145 = arith.constant 16 : i32
    %scan3A_146 = arith.constant 0 : i32
    %scan3A_147 = arith.constant 0 : i32
    %scan3A_148 = arith.constant 32 : i32
    %scan3A_149 = arith.addi %scan3A_147, %scan3A_148 : i32
    %scan3A_150 = arith.constant 1 : i32
    %scan3A_151 = scf.for %scan3A_573 = %scan3A_147 to %scan3A_149 step %scan3A_150 iter_args(%scan3A_574 = %scan3A_146) -> (i32)  : i32 {
      %mul3A_575 = arith.constant 16 : i32
      %mul3A_576 = arith.muli %scan3A_573, %mul3A_575 : i32
      %get3A = arith.index_cast %mul3A_576 : i32 to index
      %get3A_577 = tpu.vector_load %arg9[%get3A] {strides = array<i32>} : memref<512xi32, #tpu.memory_space<vmem>>, vector<16xi32>,
      %eq3A = arith.constant -1 : i32
      %eq3A_578 = vector.broadcast %eq3A : i32 to vector<16xi32>
      %eq3A_579 = arith.cmpi eq, %get3A_577, %eq3A_578 : vector<16xi32>
      %jit3A = arith.constant 3.000000e+00 : f32
      %jit3A_580 = arith.constant 1.000010e+00 : f32
      %broadcast_in_dim3A_581 = vector.broadcast %jit3A : f32 to vector<16xf32>
      %broadcast_in_dim3A_582 = vector.broadcast %jit3A_580 : f32 to vector<16xf32>
      %select_n3A = arith.select %eq3A_579, %broadcast_in_dim3A_581, %broadcast_in_dim3A_582 : vector<16xi1>, vector<16xf32>
      %mul3A_583 = arith.constant 16 : i32
      %mul3A_584 = arith.muli %scan3A_573, %mul3A_583 : i32
      %swap3A = arith.index_cast %mul3A_584 : i32 to index
      %swap3A_585 = tpu.vector_load %arg11[%swap3A] {strides = array<i32>} : memref<512xf32, #tpu.memory_space<vmem>>, vector<16xf32>,
      tpu.vector_store %arg11[%swap3A], %select_n3A {strides = array<i32>} : memref<512xf32, #tpu.memory_space<vmem>>, vector<16xf32>,
      %scan3A_586 = arith.constant 0 : i32
      scf.yield %scan3A_586 : i32
    }
    %scan3A_152 = arith.constant 32 : i32
    %scan3A_153 = arith.constant 0 : i32
    %scan3A_154 = arith.constant 0 : i32
    %scan3A_155 = arith.constant 2 : i32
    %scan3A_156 = arith.addi %scan3A_154, %scan3A_155 : i32
    %scan3A_157 = arith.constant 1 : i32
    %scan3A_158 = scf.for %scan3A_573 = %scan3A_154 to %scan3A_156 step %scan3A_157 iter_args(%scan3A_574 = %scan3A_153) -> (i32)  : i32 {
      %mul3A_575 = arith.constant 16 : i32
      %mul3A_576 = arith.muli %scan3A_573, %mul3A_575 : i32
      %get3A = arith.index_cast %mul3A_576 : i32 to index
      %get3A_577 = tpu.vector_load %arg10[%get3A] {strides = array<i32>} : memref<32xi32, #tpu.memory_space<vmem>>, vector<16xi32>,
      %eq3A = arith.constant -1 : i32
      %eq3A_578 = vector.broadcast %eq3A : i32 to vector<16xi32>
      %eq3A_579 = arith.cmpi eq, %get3A_577, %eq3A_578 : vector<16xi32>
      %jit3A = arith.constant 0.000000e+00 : f32
      %jit3A_580 = arith.constant 1.000000e+00 : f32
      %broadcast_in_dim3A_581 = vector.broadcast %jit3A : f32 to vector<16xf32>
      %broadcast_in_dim3A_582 = vector.broadcast %jit3A_580 : f32 to vector<16xf32>
      %select_n3A = arith.select %eq3A_579, %broadcast_in_dim3A_581, %broadcast_in_dim3A_582 : vector<16xi1>, vector<16xf32>
      %mul3A_583 = arith.constant 16 : i32
      %mul3A_584 = arith.muli %scan3A_573, %mul3A_583 : i32
      %swap3A = arith.index_cast %mul3A_584 : i32 to index
      %swap3A_585 = tpu.vector_load %arg12[%swap3A] {strides = array<i32>} : memref<32xf32, #tpu.memory_space<vmem>>, vector<16xf32>,
      tpu.vector_store %arg12[%swap3A], %select_n3A {strides = array<i32>} : memref<32xf32, #tpu.memory_space<vmem>>, vector<16xf32>,
      %scan3A_586 = arith.constant 0 : i32
      scf.yield %scan3A_586 : i32
    }
    %scan3A_159 = arith.constant 2 : i32
    %scan3A_160 = arith.constant 0 : i32
    %scan3A_161 = arith.constant 0 : i32
    %scan3A_162 = arith.constant 16 : i32
    %scan3A_163 = arith.addi %scan3A_161, %scan3A_162 : i32
    %scan3A_164 = arith.constant 1 : i32
    %scan3A_165 = scf.for %scan3A_573 = %scan3A_161 to %scan3A_163 step %scan3A_164 iter_args(%scan3A_574 = %scan3A_160) -> (i32)  : i32 {
      %and3A_575 = arith.constant 1 : i32
      %and3A_576 = arith.andi %scan3A_573, %and3A_575 : i32
      %and3A_577 = arith.constant 1 : i32
      %and3A_578 = arith.andi %scan3A_573, %and3A_577 : i32
      %dma_wait3A = arith.constant 0 : i32
      %dma_wait3A_579 = arith.constant 0 : i32
      %dma_wait3A_580 = tpu.memref_slice %arg6[%and3A_576, %dma_wait3A, %dma_wait3A_579] : memref<2x16x512xf32, #tpu.memory_space<vmem>> -> memref<1x16x512xf32, #tpu.memory_space<vmem>>
      %dma_wait3A_581 = tpu.memref_squeeze %dma_wait3A_580 : memref<1x16x512xf32, #tpu.memory_space<vmem>> -> memref<16x512xf32, #tpu.memory_space<vmem>>
      %dma_wait3A_582 = arith.constant 0 : i32
      %dma_wait3A_583 = arith.constant 0 : i32
      %dma_wait3A_584 = tpu.memref_slice %arg2[%dma_wait3A_582, %dma_wait3A_583] : memref<8192x512xf32, #tpu.memory_space<hbm>> -> memref<16x512xf32, #tpu.memory_space<hbm>>
      %dma_wait3A_585 = tpu.memref_slice %arg13[%and3A_578] : memref<2x!tpu.dma_semaphore, #tpu.memory_space<semaphore_mem>> -> memref<1x!tpu.dma_semaphore, #tpu.memory_space<semaphore_mem>>
      %dma_wait3A_586 = tpu.memref_squeeze %dma_wait3A_585 : memref<1x!tpu.dma_semaphore, #tpu.memory_space<semaphore_mem>> -> memref<!tpu.dma_semaphore, #tpu.memory_space<semaphore_mem>>
      %dma_wait3A_587 = arith.constant 0 : i32
      %dma_wait3A_588 = arith.constant 0 : i32
      %dma_wait3A_589 = tpu.memref_slice %arg6[%and3A_576, %dma_wait3A_587, %dma_wait3A_588] : memref<2x16x512xf32, #tpu.memory_space<vmem>> -> memref<1x16x512xf32, #tpu.memory_space<vmem>>
      %dma_wait3A_590 = tpu.memref_squeeze %dma_wait3A_589 : memref<1x16x512xf32, #tpu.memory_space<vmem>> -> memref<16x512xf32, #tpu.memory_space<vmem>>
      %dma_wait3A_591 = arith.constant 0 : i32
      %dma_wait3A_592 = arith.constant 0 : i32
      %dma_wait3A_593 = tpu.memref_slice %arg2[%dma_wait3A_591, %dma_wait3A_592] : memref<8192x512xf32, #tpu.memory_space<hbm>> -> memref<16x512xf32, #tpu.memory_space<hbm>>
      tpu.wait_dma2 semaphore(%dma_wait3A_586 : memref<!tpu.dma_semaphore, #tpu.memory_space<semaphore_mem>>) src(%dma_wait3A_593 : memref<16x512xf32, #tpu.memory_space<hbm>>) dst(%dma_wait3A_590 : memref<16x512xf32, #tpu.memory_space<vmem>>)
      %and3A_594 = arith.constant 1 : i32
      %and3A_595 = arith.andi %scan3A_573, %and3A_594 : i32
      %and3A_596 = arith.constant 1 : i32
      %and3A_597 = arith.andi %scan3A_573, %and3A_596 : i32
      %mul3A_598 = arith.constant 16 : i32
      %mul3A_599 = arith.muli %and3A_597, %mul3A_598 : i32
      %get3A = arith.index_cast %mul3A_599 : i32 to index
      %get3A_600 = tpu.vector_load %arg12[%get3A] {strides = array<i32>} : memref<32xf32, #tpu.memory_space<vmem>>, vector<16xf32>,
      %mul3A_601 = arith.constant 1024 : i32
      %mul3A_602 = arith.muli %scan3A_573, %mul3A_601 : i32
      %scan3A_603 = arith.constant 0 : i32
      %scan3A_604 = arith.constant 0 : i32
      %scan3A_605 = arith.constant 32 : i32
      %scan3A_606 = arith.addi %scan3A_604, %scan3A_605 : i32
      %scan3A_607 = arith.constant 1 : i32
      %scan3A_608 = scf.for %scan3A_613 = %scan3A_604 to %scan3A_606 step %scan3A_607 iter_args(%scan3A_614 = %scan3A_603) -> (i32)  : i32 {
        %mul3A_615 = arith.constant 16 : i32
        %mul3A_616 = arith.muli %scan3A_613, %mul3A_615 : i32
        %get3A_617 = arith.index_cast %mul3A_616 : i32 to index
        %get3A_618 = tpu.vector_load %arg11[%get3A_617] {strides = array<i32>} : memref<512xf32, #tpu.memory_space<vmem>>, vector<16xf32>,
        %mul3A_619 = arith.constant 16 : i32
        %mul3A_620 = arith.muli %scan3A_613, %mul3A_619 : i32
        %add3A_621 = vector.broadcast %mul3A_620 : i32 to vector<16xi32>
        %add3A_622 = arith.addi %and3A_7, %add3A_621 : vector<16xi32>
        %gather3A = arith.constant 0 : i32
        %gather3A_623 = arith.constant 0 : i32
        %gather3A_624 = tpu.memref_slice %arg6[%and3A_595, %gather3A, %gather3A_623] : memref<2x16x512xf32, #tpu.memory_space<vmem>> -> memref<1x16x512xf32, #tpu.memory_space<vmem>>
        %gather3A_625 = tpu.memref_squeeze %gather3A_624 : memref<1x16x512xf32, #tpu.memory_space<vmem>> -> memref<16x512xf32, #tpu.memory_space<vmem>>
        %gather3A_626 = tpu.vector_load_idx %gather3A_625[%iota3A, %add3A_622] : memref<16x512xf32, #tpu.memory_space<vmem>>[vector<16xi32>, vector<16xi32>], vector<16xf32>,
        %add3A_627 = vector.broadcast %mul3A_620 : i32 to vector<16xi32>
        %add3A_628 = arith.addi %and3A_13, %add3A_627 : vector<16xi32>
        %gather3A_629 = arith.constant 0 : i32
        %gather3A_630 = arith.constant 0 : i32
        %gather3A_631 = tpu.memref_slice %arg6[%and3A_595, %gather3A_629, %gather3A_630] : memref<2x16x512xf32, #tpu.memory_space<vmem>> -> memref<1x16x512xf32, #tpu.memory_space<vmem>>
        %gather3A_632 = tpu.memref_squeeze %gather3A_631 : memref<1x16x512xf32, #tpu.memory_space<vmem>> -> memref<16x512xf32, #tpu.memory_space<vmem>>
        %gather3A_633 = tpu.vector_load_idx %gather3A_632[%iota3A, %add3A_628] : memref<16x512xf32, #tpu.memory_space<vmem>>[vector<16xi32>, vector<16xi32>], vector<16xf32>,
        %add3A_634 = vector.broadcast %mul3A_620 : i32 to vector<16xi32>
        %add3A_635 = arith.addi %and3A_19, %add3A_634 : vector<16xi32>
        %gather3A_636 = arith.constant 0 : i32
        %gather3A_637 = arith.constant 0 : i32
        %gather3A_638 = tpu.memref_slice %arg6[%and3A_595, %gather3A_636, %gather3A_637] : memref<2x16x512xf32, #tpu.memory_space<vmem>> -> memref<1x16x512xf32, #tpu.memory_space<vmem>>
        %gather3A_639 = tpu.memref_squeeze %gather3A_638 : memref<1x16x512xf32, #tpu.memory_space<vmem>> -> memref<16x512xf32, #tpu.memory_space<vmem>>
        %gather3A_640 = tpu.vector_load_idx %gather3A_639[%iota3A, %add3A_635] : memref<16x512xf32, #tpu.memory_space<vmem>>[vector<16xi32>, vector<16xi32>], vector<16xf32>,
        %add3A_641 = vector.broadcast %mul3A_620 : i32 to vector<16xi32>
        %add3A_642 = arith.addi %and3A_25, %add3A_641 : vector<16xi32>
        %gather3A_643 = arith.constant 0 : i32
        %gather3A_644 = arith.constant 0 : i32
        %gather3A_645 = tpu.memref_slice %arg6[%and3A_595, %gather3A_643, %gather3A_644] : memref<2x16x512xf32, #tpu.memory_space<vmem>> -> memref<1x16x512xf32, #tpu.memory_space<vmem>>
        %gather3A_646 = tpu.memref_squeeze %gather3A_645 : memref<1x16x512xf32, #tpu.memory_space<vmem>> -> memref<16x512xf32, #tpu.memory_space<vmem>>
        %gather3A_647 = tpu.vector_load_idx %gather3A_646[%iota3A, %add3A_642] : memref<16x512xf32, #tpu.memory_space<vmem>>[vector<16xi32>, vector<16xi32>], vector<16xf32>,
        %add3A_648 = vector.broadcast %mul3A_620 : i32 to vector<16xi32>
        %add3A_649 = arith.addi %and3A_31, %add3A_648 : vector<16xi32>
        %gather3A_650 = arith.constant 0 : i32
        %gather3A_651 = arith.constant 0 : i32
        %gather3A_652 = tpu.memref_slice %arg6[%and3A_595, %gather3A_650, %gather3A_651] : memref<2x16x512xf32, #tpu.memory_space<vmem>> -> memref<1x16x512xf32, #tpu.memory_space<vmem>>
        %gather3A_653 = tpu.memref_squeeze %gather3A_652 : memref<1x16x512xf32, #tpu.memory_space<vmem>> -> memref<16x512xf32, #tpu.memory_space<vmem>>
        %gather3A_654 = tpu.vector_load_idx %gather3A_653[%iota3A, %add3A_649] : memref<16x512xf32, #tpu.memory_space<vmem>>[vector<16xi32>, vector<16xi32>], vector<16xf32>,
        %add3A_655 = vector.broadcast %mul3A_620 : i32 to vector<16xi32>
        %add3A_656 = arith.addi %and3A_37, %add3A_655 : vector<16xi32>
        %gather3A_657 = arith.constant 0 : i32
        %gather3A_658 = arith.constant 0 : i32
        %gather3A_659 = tpu.memref_slice %arg6[%and3A_595, %gather3A_657, %gather3A_658] : memref<2x16x512xf32, #tpu.memory_space<vmem>> -> memref<1x16x512xf32, #tpu.memory_space<vmem>>
        %gather3A_660 = tpu.memref_squeeze %gather3A_659 : memref<1x16x512xf32, #tpu.memory_space<vmem>> -> memref<16x512xf32, #tpu.memory_space<vmem>>
        %gather3A_661 = tpu.vector_load_idx %gather3A_660[%iota3A, %add3A_656] : memref<16x512xf32, #tpu.memory_space<vmem>>[vector<16xi32>, vector<16xi32>], vector<16xf32>,
        %add3A_662 = vector.broadcast %mul3A_620 : i32 to vector<16xi32>
        %add3A_663 = arith.addi %and3A_43, %add3A_662 : vector<16xi32>
        %gather3A_664 = arith.constant 0 : i32
        %gather3A_665 = arith.constant 0 : i32
        %gather3A_666 = tpu.memref_slice %arg6[%and3A_595, %gather3A_664, %gather3A_665] : memref<2x16x512xf32, #tpu.memory_space<vmem>> -> memref<1x16x512xf32, #tpu.memory_space<vmem>>
        %gather3A_667 = tpu.memref_squeeze %gather3A_666 : memref<1x16x512xf32, #tpu.memory_space<vmem>> -> memref<16x512xf32, #tpu.memory_space<vmem>>
        %gather3A_668 = tpu.vector_load_idx %gather3A_667[%iota3A, %add3A_663] : memref<16x512xf32, #tpu.memory_space<vmem>>[vector<16xi32>, vector<16xi32>], vector<16xf32>,
        %add3A_669 = vector.broadcast %mul3A_620 : i32 to vector<16xi32>
        %add3A_670 = arith.addi %and3A_49, %add3A_669 : vector<16xi32>
        %gather3A_671 = arith.constant 0 : i32
        %gather3A_672 = arith.constant 0 : i32
        %gather3A_673 = tpu.memref_slice %arg6[%and3A_595, %gather3A_671, %gather3A_672] : memref<2x16x512xf32, #tpu.memory_space<vmem>> -> memref<1x16x512xf32, #tpu.memory_space<vmem>>
        %gather3A_674 = tpu.memref_squeeze %gather3A_673 : memref<1x16x512xf32, #tpu.memory_space<vmem>> -> memref<16x512xf32, #tpu.memory_space<vmem>>
        %gather3A_675 = tpu.vector_load_idx %gather3A_674[%iota3A, %add3A_670] : memref<16x512xf32, #tpu.memory_space<vmem>>[vector<16xi32>, vector<16xi32>], vector<16xf32>,
        %add3A_676 = vector.broadcast %mul3A_620 : i32 to vector<16xi32>
        %add3A_677 = arith.addi %and3A_55, %add3A_676 : vector<16xi32>
        %gather3A_678 = arith.constant 0 : i32
        %gather3A_679 = arith.constant 0 : i32
        %gather3A_680 = tpu.memref_slice %arg6[%and3A_595, %gather3A_678, %gather3A_679] : memref<2x16x512xf32, #tpu.memory_space<vmem>> -> memref<1x16x512xf32, #tpu.memory_space<vmem>>
        %gather3A_681 = tpu.memref_squeeze %gather3A_680 : memref<1x16x512xf32, #tpu.memory_space<vmem>> -> memref<16x512xf32, #tpu.memory_space<vmem>>
        %gather3A_682 = tpu.vector_load_idx %gather3A_681[%iota3A, %add3A_677] : memref<16x512xf32, #tpu.memory_space<vmem>>[vector<16xi32>, vector<16xi32>], vector<16xf32>,
        %add3A_683 = vector.broadcast %mul3A_620 : i32 to vector<16xi32>
        %add3A_684 = arith.addi %and3A_61, %add3A_683 : vector<16xi32>
        %gather3A_685 = arith.constant 0 : i32
        %gather3A_686 = arith.constant 0 : i32
        %gather3A_687 = tpu.memref_slice %arg6[%and3A_595, %gather3A_685, %gather3A_686] : memref<2x16x512xf32, #tpu.memory_space<vmem>> -> memref<1x16x512xf32, #tpu.memory_space<vmem>>
        %gather3A_688 = tpu.memref_squeeze %gather3A_687 : memref<1x16x512xf32, #tpu.memory_space<vmem>> -> memref<16x512xf32, #tpu.memory_space<vmem>>
        %gather3A_689 = tpu.vector_load_idx %gather3A_688[%iota3A, %add3A_684] : memref<16x512xf32, #tpu.memory_space<vmem>>[vector<16xi32>, vector<16xi32>], vector<16xf32>,
        %add3A_690 = vector.broadcast %mul3A_620 : i32 to vector<16xi32>
        %add3A_691 = arith.addi %and3A_67, %add3A_690 : vector<16xi32>
        %gather3A_692 = arith.constant 0 : i32
        %gather3A_693 = arith.constant 0 : i32
        %gather3A_694 = tpu.memref_slice %arg6[%and3A_595, %gather3A_692, %gather3A_693] : memref<2x16x512xf32, #tpu.memory_space<vmem>> -> memref<1x16x512xf32, #tpu.memory_space<vmem>>
        %gather3A_695 = tpu.memref_squeeze %gather3A_694 : memref<1x16x512xf32, #tpu.memory_space<vmem>> -> memref<16x512xf32, #tpu.memory_space<vmem>>
        %gather3A_696 = tpu.vector_load_idx %gather3A_695[%iota3A, %add3A_691] : memref<16x512xf32, #tpu.memory_space<vmem>>[vector<16xi32>, vector<16xi32>], vector<16xf32>,
        %add3A_697 = vector.broadcast %mul3A_620 : i32 to vector<16xi32>
        %add3A_698 = arith.addi %and3A_73, %add3A_697 : vector<16xi32>
        %gather3A_699 = arith.constant 0 : i32
        %gather3A_700 = arith.constant 0 : i32
        %gather3A_701 = tpu.memref_slice %arg6[%and3A_595, %gather3A_699, %gather3A_700] : memref<2x16x512xf32, #tpu.memory_space<vmem>> -> memref<1x16x512xf32, #tpu.memory_space<vmem>>
        %gather3A_702 = tpu.memref_squeeze %gather3A_701 : memref<1x16x512xf32, #tpu.memory_space<vmem>> -> memref<16x512xf32, #tpu.memory_space<vmem>>
        %gather3A_703 = tpu.vector_load_idx %gather3A_702[%iota3A, %add3A_698] : memref<16x512xf32, #tpu.memory_space<vmem>>[vector<16xi32>, vector<16xi32>], vector<16xf32>,
        %add3A_704 = vector.broadcast %mul3A_620 : i32 to vector<16xi32>
        %add3A_705 = arith.addi %and3A_79, %add3A_704 : vector<16xi32>
        %gather3A_706 = arith.constant 0 : i32
        %gather3A_707 = arith.constant 0 : i32
        %gather3A_708 = tpu.memref_slice %arg6[%and3A_595, %gather3A_706, %gather3A_707] : memref<2x16x512xf32, #tpu.memory_space<vmem>> -> memref<1x16x512xf32, #tpu.memory_space<vmem>>
        %gather3A_709 = tpu.memref_squeeze %gather3A_708 : memref<1x16x512xf32, #tpu.memory_space<vmem>> -> memref<16x512xf32, #tpu.memory_space<vmem>>
        %gather3A_710 = tpu.vector_load_idx %gather3A_709[%iota3A, %add3A_705] : memref<16x512xf32, #tpu.memory_space<vmem>>[vector<16xi32>, vector<16xi32>], vector<16xf32>,
        %add3A_711 = vector.broadcast %mul3A_620 : i32 to vector<16xi32>
        %add3A_712 = arith.addi %and3A_85, %add3A_711 : vector<16xi32>
        %gather3A_713 = arith.constant 0 : i32
        %gather3A_714 = arith.constant 0 : i32
        %gather3A_715 = tpu.memref_slice %arg6[%and3A_595, %gather3A_713, %gather3A_714] : memref<2x16x512xf32, #tpu.memory_space<vmem>> -> memref<1x16x512xf32, #tpu.memory_space<vmem>>
        %gather3A_716 = tpu.memref_squeeze %gather3A_715 : memref<1x16x512xf32, #tpu.memory_space<vmem>> -> memref<16x512xf32, #tpu.memory_space<vmem>>
        %gather3A_717 = tpu.vector_load_idx %gather3A_716[%iota3A, %add3A_712] : memref<16x512xf32, #tpu.memory_space<vmem>>[vector<16xi32>, vector<16xi32>], vector<16xf32>,
        %add3A_718 = vector.broadcast %mul3A_620 : i32 to vector<16xi32>
        %add3A_719 = arith.addi %and3A_91, %add3A_718 : vector<16xi32>
        %gather3A_720 = arith.constant 0 : i32
        %gather3A_721 = arith.constant 0 : i32
        %gather3A_722 = tpu.memref_slice %arg6[%and3A_595, %gather3A_720, %gather3A_721] : memref<2x16x512xf32, #tpu.memory_space<vmem>> -> memref<1x16x512xf32, #tpu.memory_space<vmem>>
        %gather3A_723 = tpu.memref_squeeze %gather3A_722 : memref<1x16x512xf32, #tpu.memory_space<vmem>> -> memref<16x512xf32, #tpu.memory_space<vmem>>
        %gather3A_724 = tpu.vector_load_idx %gather3A_723[%iota3A, %add3A_719] : memref<16x512xf32, #tpu.memory_space<vmem>>[vector<16xi32>, vector<16xi32>], vector<16xf32>,
        %add3A_725 = vector.broadcast %mul3A_620 : i32 to vector<16xi32>
        %add3A_726 = arith.addi %and3A_97, %add3A_725 : vector<16xi32>
        %gather3A_727 = arith.constant 0 : i32
        %gather3A_728 = arith.constant 0 : i32
        %gather3A_729 = tpu.memref_slice %arg6[%and3A_595, %gather3A_727, %gather3A_728] : memref<2x16x512xf32, #tpu.memory_space<vmem>> -> memref<1x16x512xf32, #tpu.memory_space<vmem>>
        %gather3A_730 = tpu.memref_squeeze %gather3A_729 : memref<1x16x512xf32, #tpu.memory_space<vmem>> -> memref<16x512xf32, #tpu.memory_space<vmem>>
        %gather3A_731 = tpu.vector_load_idx %gather3A_730[%iota3A, %add3A_726] : memref<16x512xf32, #tpu.memory_space<vmem>>[vector<16xi32>, vector<16xi32>], vector<16xf32>,
        %reshape3A = vector.shape_cast %and3A_103 : vector<16xi32> to vector<16x1xi32>
        %gather3A_732 = vector.shape_cast %reshape3A : vector<16x1xi32> to vector<16xi32>
        %gather3A_733 = tpu.dynamic_gather %get3A_618[%gather3A_732] in [0] : vector<16xf32>, vector<16xi32> -> vector<16xf32>
        %reshape3A_734 = vector.shape_cast %and3A_103 : vector<16xi32> to vector<16x1xi32>
        %gather3A_735 = vector.shape_cast %reshape3A_734 : vector<16x1xi32> to vector<16xi32>
        %gather3A_736 = tpu.dynamic_gather %gather3A_733[%gather3A_735] in [0] : vector<16xf32>, vector<16xi32> -> vector<16xf32>
        %reshape3A_737 = vector.shape_cast %and3A_103 : vector<16xi32> to vector<16x1xi32>
        %gather3A_738 = vector.shape_cast %reshape3A_737 : vector<16x1xi32> to vector<16xi32>
        %gather3A_739 = tpu.dynamic_gather %gather3A_736[%gather3A_738] in [0] : vector<16xf32>, vector<16xi32> -> vector<16xf32>
        %reshape3A_740 = vector.shape_cast %and3A_103 : vector<16xi32> to vector<16x1xi32>
        %gather3A_741 = vector.shape_cast %reshape3A_740 : vector<16x1xi32> to vector<16xi32>
        %gather3A_742 = tpu.dynamic_gather %gather3A_739[%gather3A_741] in [0] : vector<16xf32>, vector<16xi32> -> vector<16xf32>
        %reshape3A_743 = vector.shape_cast %and3A_103 : vector<16xi32> to vector<16x1xi32>
        %gather3A_744 = vector.shape_cast %reshape3A_743 : vector<16x1xi32> to vector<16xi32>
        %gather3A_745 = tpu.dynamic_gather %gather3A_742[%gather3A_744] in [0] : vector<16xf32>, vector<16xi32> -> vector<16xf32>
        %reshape3A_746 = vector.shape_cast %and3A_103 : vector<16xi32> to vector<16x1xi32>
        %gather3A_747 = vector.shape_cast %reshape3A_746 : vector<16x1xi32> to vector<16xi32>
        %gather3A_748 = tpu.dynamic_gather %gather3A_745[%gather3A_747] in [0] : vector<16xf32>, vector<16xi32> -> vector<16xf32>
        %reshape3A_749 = vector.shape_cast %and3A_103 : vector<16xi32> to vector<16x1xi32>
        %gather3A_750 = vector.shape_cast %reshape3A_749 : vector<16x1xi32> to vector<16xi32>
        %gather3A_751 = tpu.dynamic_gather %gather3A_748[%gather3A_750] in [0] : vector<16xf32>, vector<16xi32> -> vector<16xf32>
        %reshape3A_752 = vector.shape_cast %and3A_103 : vector<16xi32> to vector<16x1xi32>
        %gather3A_753 = vector.shape_cast %reshape3A_752 : vector<16x1xi32> to vector<16xi32>
        %gather3A_754 = tpu.dynamic_gather %gather3A_751[%gather3A_753] in [0] : vector<16xf32>, vector<16xi32> -> vector<16xf32>
        %reshape3A_755 = vector.shape_cast %and3A_103 : vector<16xi32> to vector<16x1xi32>
        %gather3A_756 = vector.shape_cast %reshape3A_755 : vector<16x1xi32> to vector<16xi32>
        %gather3A_757 = tpu.dynamic_gather %gather3A_754[%gather3A_756] in [0] : vector<16xf32>, vector<16xi32> -> vector<16xf32>
        %reshape3A_758 = vector.shape_cast %and3A_103 : vector<16xi32> to vector<16x1xi32>
        %gather3A_759 = vector.shape_cast %reshape3A_758 : vector<16x1xi32> to vector<16xi32>
        %gather3A_760 = tpu.dynamic_gather %gather3A_757[%gather3A_759] in [0] : vector<16xf32>, vector<16xi32> -> vector<16xf32>
        %reshape3A_761 = vector.shape_cast %and3A_103 : vector<16xi32> to vector<16x1xi32>
        %gather3A_762 = vector.shape_cast %reshape3A_761 : vector<16x1xi32> to vector<16xi32>
        %gather3A_763 = tpu.dynamic_gather %gather3A_760[%gather3A_762] in [0] : vector<16xf32>, vector<16xi32> -> vector<16xf32>
        %reshape3A_764 = vector.shape_cast %and3A_103 : vector<16xi32> to vector<16x1xi32>
        %gather3A_765 = vector.shape_cast %reshape3A_764 : vector<16x1xi32> to vector<16xi32>
        %gather3A_766 = tpu.dynamic_gather %gather3A_763[%gather3A_765] in [0] : vector<16xf32>, vector<16xi32> -> vector<16xf32>
        %reshape3A_767 = vector.shape_cast %and3A_103 : vector<16xi32> to vector<16x1xi32>
        %gather3A_768 = vector.shape_cast %reshape3A_767 : vector<16x1xi32> to vector<16xi32>
        %gather3A_769 = tpu.dynamic_gather %gather3A_766[%gather3A_768] in [0] : vector<16xf32>, vector<16xi32> -> vector<16xf32>
        %reshape3A_770 = vector.shape_cast %and3A_103 : vector<16xi32> to vector<16x1xi32>
        %gather3A_771 = vector.shape_cast %reshape3A_770 : vector<16x1xi32> to vector<16xi32>
        %gather3A_772 = tpu.dynamic_gather %gather3A_769[%gather3A_771] in [0] : vector<16xf32>, vector<16xi32> -> vector<16xf32>
        %reshape3A_773 = vector.shape_cast %and3A_103 : vector<16xi32> to vector<16x1xi32>
        %gather3A_774 = vector.shape_cast %reshape3A_773 : vector<16x1xi32> to vector<16xi32>
        %gather3A_775 = tpu.dynamic_gather %gather3A_772[%gather3A_774] in [0] : vector<16xf32>, vector<16xi32> -> vector<16xf32>
        %add3A_776 = arith.addf %gather3A_626, %get3A_618 : vector<16xf32>
        %add3A_777 = arith.addf %gather3A_633, %gather3A_733 : vector<16xf32>
        %add3A_778 = arith.addf %gather3A_640, %gather3A_736 : vector<16xf32>
        %add3A_779 = arith.addf %gather3A_647, %gather3A_739 : vector<16xf32>
        %add3A_780 = arith.addf %gather3A_654, %gather3A_742 : vector<16xf32>
        %add3A_781 = arith.addf %gather3A_661, %gather3A_745 : vector<16xf32>
        %add3A_782 = arith.addf %gather3A_668, %gather3A_748 : vector<16xf32>
        %add3A_783 = arith.addf %gather3A_675, %gather3A_751 : vector<16xf32>
        %add3A_784 = arith.addf %gather3A_682, %gather3A_754 : vector<16xf32>
        %add3A_785 = arith.addf %gather3A_689, %gather3A_757 : vector<16xf32>
        %add3A_786 = arith.addf %gather3A_696, %gather3A_760 : vector<16xf32>
        %add3A_787 = arith.addf %gather3A_703, %gather3A_763 : vector<16xf32>
        %add3A_788 = arith.addf %gather3A_710, %gather3A_766 : vector<16xf32>
        %add3A_789 = arith.addf %gather3A_717, %gather3A_769 : vector<16xf32>
        %add3A_790 = arith.addf %gather3A_724, %gather3A_772 : vector<16xf32>
        %add3A_791 = arith.addf %gather3A_731, %gather3A_775 : vector<16xf32>
        %mul3A_792 = arith.constant 2.320000e+02 : f32
        %mul3A_793 = vector.broadcast %mul3A_792 : f32 to vector<16xf32>
        %mul3A_794 = arith.mulf %add3A_776, %mul3A_793 : vector<16xf32>
        %mul3A_795 = arith.constant 2.320000e+02 : f32
        %mul3A_796 = vector.broadcast %mul3A_795 : f32 to vector<16xf32>
        %mul3A_797 = arith.mulf %add3A_777, %mul3A_796 : vector<16xf32>
        %mul3A_798 = arith.constant 2.320000e+02 : f32
        %mul3A_799 = vector.broadcast %mul3A_798 : f32 to vector<16xf32>
        %mul3A_800 = arith.mulf %add3A_778, %mul3A_799 : vector<16xf32>
        %mul3A_801 = arith.constant 2.320000e+02 : f32
        %mul3A_802 = vector.broadcast %mul3A_801 : f32 to vector<16xf32>
        %mul3A_803 = arith.mulf %add3A_779, %mul3A_802 : vector<16xf32>
        %mul3A_804 = arith.constant 2.320000e+02 : f32
        %mul3A_805 = vector.broadcast %mul3A_804 : f32 to vector<16xf32>
        %mul3A_806 = arith.mulf %add3A_780, %mul3A_805 : vector<16xf32>
        %mul3A_807 = arith.constant 2.320000e+02 : f32
        %mul3A_808 = vector.broadcast %mul3A_807 : f32 to vector<16xf32>
        %mul3A_809 = arith.mulf %add3A_781, %mul3A_808 : vector<16xf32>
        %mul3A_810 = arith.constant 2.320000e+02 : f32
        %mul3A_811 = vector.broadcast %mul3A_810 : f32 to vector<16xf32>
        %mul3A_812 = arith.mulf %add3A_782, %mul3A_811 : vector<16xf32>
        %mul3A_813 = arith.constant 2.320000e+02 : f32
        %mul3A_814 = vector.broadcast %mul3A_813 : f32 to vector<16xf32>
        %mul3A_815 = arith.mulf %add3A_783, %mul3A_814 : vector<16xf32>
        %mul3A_816 = arith.constant 2.320000e+02 : f32
        %mul3A_817 = vector.broadcast %mul3A_816 : f32 to vector<16xf32>
        %mul3A_818 = arith.mulf %add3A_784, %mul3A_817 : vector<16xf32>
        %mul3A_819 = arith.constant 2.320000e+02 : f32
        %mul3A_820 = vector.broadcast %mul3A_819 : f32 to vector<16xf32>
        %mul3A_821 = arith.mulf %add3A_785, %mul3A_820 : vector<16xf32>
        %mul3A_822 = arith.constant 2.320000e+02 : f32
        %mul3A_823 = vector.broadcast %mul3A_822 : f32 to vector<16xf32>
        %mul3A_824 = arith.mulf %add3A_786, %mul3A_823 : vector<16xf32>
        %mul3A_825 = arith.constant 2.320000e+02 : f32
        %mul3A_826 = vector.broadcast %mul3A_825 : f32 to vector<16xf32>
        %mul3A_827 = arith.mulf %add3A_787, %mul3A_826 : vector<16xf32>
        %mul3A_828 = arith.constant 2.320000e+02 : f32
        %mul3A_829 = vector.broadcast %mul3A_828 : f32 to vector<16xf32>
        %mul3A_830 = arith.mulf %add3A_788, %mul3A_829 : vector<16xf32>
        %mul3A_831 = arith.constant 2.320000e+02 : f32
        %mul3A_832 = vector.broadcast %mul3A_831 : f32 to vector<16xf32>
        %mul3A_833 = arith.mulf %add3A_789, %mul3A_832 : vector<16xf32>
        %mul3A_834 = arith.constant 2.320000e+02 : f32
        %mul3A_835 = vector.broadcast %mul3A_834 : f32 to vector<16xf32>
        %mul3A_836 = arith.mulf %add3A_790, %mul3A_835 : vector<16xf32>
        %mul3A_837 = arith.constant 2.320000e+02 : f32
        %mul3A_838 = vector.broadcast %mul3A_837 : f32 to vector<16xf32>
        %mul3A_839 = arith.mulf %add3A_791, %mul3A_838 : vector<16xf32>
        %convert_element_type3A_840 = arith.fptosi %mul3A_794 : vector<16xf32> to vector<16xi32>
        %convert_element_type3A_841 = arith.fptosi %mul3A_797 : vector<16xf32> to vector<16xi32>
        %convert_element_type3A_842 = arith.fptosi %mul3A_800 : vector<16xf32> to vector<16xi32>
        %convert_element_type3A_843 = arith.fptosi %mul3A_803 : vector<16xf32> to vector<16xi32>
        %convert_element_type3A_844 = arith.fptosi %mul3A_806 : vector<16xf32> to vector<16xi32>
        %convert_element_type3A_845 = arith.fptosi %mul3A_809 : vector<16xf32> to vector<16xi32>
        %convert_element_type3A_846 = arith.fptosi %mul3A_812 : vector<16xf32> to vector<16xi32>
        %convert_element_type3A_847 = arith.fptosi %mul3A_815 : vector<16xf32> to vector<16xi32>
        %convert_element_type3A_848 = arith.fptosi %mul3A_818 : vector<16xf32> to vector<16xi32>
        %convert_element_type3A_849 = arith.fptosi %mul3A_821 : vector<16xf32> to vector<16xi32>
        %convert_element_type3A_850 = arith.fptosi %mul3A_824 : vector<16xf32> to vector<16xi32>
        %convert_element_type3A_851 = arith.fptosi %mul3A_827 : vector<16xf32> to vector<16xi32>
        %convert_element_type3A_852 = arith.fptosi %mul3A_830 : vector<16xf32> to vector<16xi32>
        %convert_element_type3A_853 = arith.fptosi %mul3A_833 : vector<16xf32> to vector<16xi32>
        %convert_element_type3A_854 = arith.fptosi %mul3A_836 : vector<16xf32> to vector<16xi32>
        %convert_element_type3A_855 = arith.fptosi %mul3A_839 : vector<16xf32> to vector<16xi32>
        %and3A_856 = arith.constant -16 : i32
        %and3A_857 = vector.broadcast %and3A_856 : i32 to vector<16xi32>
        %and3A_858 = arith.andi %convert_element_type3A_840, %and3A_857 : vector<16xi32>
        %or3A = arith.ori %and3A_858, %iota3A : vector<16xi32>
        %and3A_859 = arith.constant -16 : i32
        %and3A_860 = vector.broadcast %and3A_859 : i32 to vector<16xi32>
        %and3A_861 = arith.andi %convert_element_type3A_841, %and3A_860 : vector<16xi32>
        %or3A_862 = arith.ori %and3A_861, %iota3A : vector<16xi32>
        %and3A_863 = arith.constant -16 : i32
        %and3A_864 = vector.broadcast %and3A_863 : i32 to vector<16xi32>
        %and3A_865 = arith.andi %convert_element_type3A_842, %and3A_864 : vector<16xi32>
        %or3A_866 = arith.ori %and3A_865, %iota3A : vector<16xi32>
        %and3A_867 = arith.constant -16 : i32
        %and3A_868 = vector.broadcast %and3A_867 : i32 to vector<16xi32>
        %and3A_869 = arith.andi %convert_element_type3A_843, %and3A_868 : vector<16xi32>
        %or3A_870 = arith.ori %and3A_869, %iota3A : vector<16xi32>
        %and3A_871 = arith.constant -16 : i32
        %and3A_872 = vector.broadcast %and3A_871 : i32 to vector<16xi32>
        %and3A_873 = arith.andi %convert_element_type3A_844, %and3A_872 : vector<16xi32>
        %or3A_874 = arith.ori %and3A_873, %iota3A : vector<16xi32>
        %and3A_875 = arith.constant -16 : i32
        %and3A_876 = vector.broadcast %and3A_875 : i32 to vector<16xi32>
        %and3A_877 = arith.andi %convert_element_type3A_845, %and3A_876 : vector<16xi32>
        %or3A_878 = arith.ori %and3A_877, %iota3A : vector<16xi32>
        %and3A_879 = arith.constant -16 : i32
        %and3A_880 = vector.broadcast %and3A_879 : i32 to vector<16xi32>
        %and3A_881 = arith.andi %convert_element_type3A_846, %and3A_880 : vector<16xi32>
        %or3A_882 = arith.ori %and3A_881, %iota3A : vector<16xi32>
        %and3A_883 = arith.constant -16 : i32
        %and3A_884 = vector.broadcast %and3A_883 : i32 to vector<16xi32>
        %and3A_885 = arith.andi %convert_element_type3A_847, %and3A_884 : vector<16xi32>
        %or3A_886 = arith.ori %and3A_885, %iota3A : vector<16xi32>
        %and3A_887 = arith.constant -16 : i32
        %and3A_888 = vector.broadcast %and3A_887 : i32 to vector<16xi32>
        %and3A_889 = arith.andi %convert_element_type3A_848, %and3A_888 : vector<16xi32>
        %or3A_890 = arith.ori %and3A_889, %iota3A : vector<16xi32>
        %and3A_891 = arith.constant -16 : i32
        %and3A_892 = vector.broadcast %and3A_891 : i32 to vector<16xi32>
        %and3A_893 = arith.andi %convert_element_type3A_849, %and3A_892 : vector<16xi32>
        %or3A_894 = arith.ori %and3A_893, %iota3A : vector<16xi32>
        %and3A_895 = arith.constant -16 : i32
        %and3A_896 = vector.broadcast %and3A_895 : i32 to vector<16xi32>
        %and3A_897 = arith.andi %convert_element_type3A_850, %and3A_896 : vector<16xi32>
        %or3A_898 = arith.ori %and3A_897, %iota3A : vector<16xi32>
        %and3A_899 = arith.constant -16 : i32
        %and3A_900 = vector.broadcast %and3A_899 : i32 to vector<16xi32>
        %and3A_901 = arith.andi %convert_element_type3A_851, %and3A_900 : vector<16xi32>
        %or3A_902 = arith.ori %and3A_901, %iota3A : vector<16xi32>
        %and3A_903 = arith.constant -16 : i32
        %and3A_904 = vector.broadcast %and3A_903 : i32 to vector<16xi32>
        %and3A_905 = arith.andi %convert_element_type3A_852, %and3A_904 : vector<16xi32>
        %or3A_906 = arith.ori %and3A_905, %iota3A : vector<16xi32>
        %and3A_907 = arith.constant -16 : i32
        %and3A_908 = vector.broadcast %and3A_907 : i32 to vector<16xi32>
        %and3A_909 = arith.andi %convert_element_type3A_853, %and3A_908 : vector<16xi32>
        %or3A_910 = arith.ori %and3A_909, %iota3A : vector<16xi32>
        %and3A_911 = arith.constant -16 : i32
        %and3A_912 = vector.broadcast %and3A_911 : i32 to vector<16xi32>
        %and3A_913 = arith.andi %convert_element_type3A_854, %and3A_912 : vector<16xi32>
        %or3A_914 = arith.ori %and3A_913, %iota3A : vector<16xi32>
        %and3A_915 = arith.constant -16 : i32
        %and3A_916 = vector.broadcast %and3A_915 : i32 to vector<16xi32>
        %and3A_917 = arith.andi %convert_element_type3A_855, %and3A_916 : vector<16xi32>
        %or3A_918 = arith.ori %and3A_917, %iota3A : vector<16xi32>
        %scatter3A = tpu.memref_slice %arg7[%mul3A_602] : memref<16384xf32, #tpu.memory_space<vmem>> -> memref<1024xf32, #tpu.memory_space<vmem>>
        tpu.vector_store_idx %scatter3A[%or3A], %get3A_600 {add = true} : memref<1024xf32, #tpu.memory_space<vmem>>[vector<16xi32>], vector<16xf32>,
        %scatter3A_919 = tpu.memref_slice %arg7[%mul3A_602] : memref<16384xf32, #tpu.memory_space<vmem>> -> memref<1024xf32, #tpu.memory_space<vmem>>
        tpu.vector_store_idx %scatter3A_919[%or3A_862], %get3A_600 {add = true} : memref<1024xf32, #tpu.memory_space<vmem>>[vector<16xi32>], vector<16xf32>,
        %scatter3A_920 = tpu.memref_slice %arg7[%mul3A_602] : memref<16384xf32, #tpu.memory_space<vmem>> -> memref<1024xf32, #tpu.memory_space<vmem>>
        tpu.vector_store_idx %scatter3A_920[%or3A_866], %get3A_600 {add = true} : memref<1024xf32, #tpu.memory_space<vmem>>[vector<16xi32>], vector<16xf32>,
        %scatter3A_921 = tpu.memref_slice %arg7[%mul3A_602] : memref<16384xf32, #tpu.memory_space<vmem>> -> memref<1024xf32, #tpu.memory_space<vmem>>
        tpu.vector_store_idx %scatter3A_921[%or3A_870], %get3A_600 {add = true} : memref<1024xf32, #tpu.memory_space<vmem>>[vector<16xi32>], vector<16xf32>,
        %scatter3A_922 = tpu.memref_slice %arg7[%mul3A_602] : memref<16384xf32, #tpu.memory_space<vmem>> -> memref<1024xf32, #tpu.memory_space<vmem>>
        tpu.vector_store_idx %scatter3A_922[%or3A_874], %get3A_600 {add = true} : memref<1024xf32, #tpu.memory_space<vmem>>[vector<16xi32>], vector<16xf32>,
        %scatter3A_923 = tpu.memref_slice %arg7[%mul3A_602] : memref<16384xf32, #tpu.memory_space<vmem>> -> memref<1024xf32, #tpu.memory_space<vmem>>
        tpu.vector_store_idx %scatter3A_923[%or3A_878], %get3A_600 {add = true} : memref<1024xf32, #tpu.memory_space<vmem>>[vector<16xi32>], vector<16xf32>,
        %scatter3A_924 = tpu.memref_slice %arg7[%mul3A_602] : memref<16384xf32, #tpu.memory_space<vmem>> -> memref<1024xf32, #tpu.memory_space<vmem>>
        tpu.vector_store_idx %scatter3A_924[%or3A_882], %get3A_600 {add = true} : memref<1024xf32, #tpu.memory_space<vmem>>[vector<16xi32>], vector<16xf32>,
        %scatter3A_925 = tpu.memref_slice %arg7[%mul3A_602] : memref<16384xf32, #tpu.memory_space<vmem>> -> memref<1024xf32, #tpu.memory_space<vmem>>
        tpu.vector_store_idx %scatter3A_925[%or3A_886], %get3A_600 {add = true} : memref<1024xf32, #tpu.memory_space<vmem>>[vector<16xi32>], vector<16xf32>,
        %scatter3A_926 = tpu.memref_slice %arg7[%mul3A_602] : memref<16384xf32, #tpu.memory_space<vmem>> -> memref<1024xf32, #tpu.memory_space<vmem>>
        tpu.vector_store_idx %scatter3A_926[%or3A_890], %get3A_600 {add = true} : memref<1024xf32, #tpu.memory_space<vmem>>[vector<16xi32>], vector<16xf32>,
        %scatter3A_927 = tpu.memref_slice %arg7[%mul3A_602] : memref<16384xf32, #tpu.memory_space<vmem>> -> memref<1024xf32, #tpu.memory_space<vmem>>
        tpu.vector_store_idx %scatter3A_927[%or3A_894], %get3A_600 {add = true} : memref<1024xf32, #tpu.memory_space<vmem>>[vector<16xi32>], vector<16xf32>,
        %scatter3A_928 = tpu.memref_slice %arg7[%mul3A_602] : memref<16384xf32, #tpu.memory_space<vmem>> -> memref<1024xf32, #tpu.memory_space<vmem>>
        tpu.vector_store_idx %scatter3A_928[%or3A_898], %get3A_600 {add = true} : memref<1024xf32, #tpu.memory_space<vmem>>[vector<16xi32>], vector<16xf32>,
        %scatter3A_929 = tpu.memref_slice %arg7[%mul3A_602] : memref<16384xf32, #tpu.memory_space<vmem>> -> memref<1024xf32, #tpu.memory_space<vmem>>
        tpu.vector_store_idx %scatter3A_929[%or3A_902], %get3A_600 {add = true} : memref<1024xf32, #tpu.memory_space<vmem>>[vector<16xi32>], vector<16xf32>,
        %scatter3A_930 = tpu.memref_slice %arg7[%mul3A_602] : memref<16384xf32, #tpu.memory_space<vmem>> -> memref<1024xf32, #tpu.memory_space<vmem>>
        tpu.vector_store_idx %scatter3A_930[%or3A_906], %get3A_600 {add = true} : memref<1024xf32, #tpu.memory_space<vmem>>[vector<16xi32>], vector<16xf32>,
        %scatter3A_931 = tpu.memref_slice %arg7[%mul3A_602] : memref<16384xf32, #tpu.memory_space<vmem>> -> memref<1024xf32, #tpu.memory_space<vmem>>
        tpu.vector_store_idx %scatter3A_931[%or3A_910], %get3A_600 {add = true} : memref<1024xf32, #tpu.memory_space<vmem>>[vector<16xi32>], vector<16xf32>,
        %scatter3A_932 = tpu.memref_slice %arg7[%mul3A_602] : memref<16384xf32, #tpu.memory_space<vmem>> -> memref<1024xf32, #tpu.memory_space<vmem>>
        tpu.vector_store_idx %scatter3A_932[%or3A_914], %get3A_600 {add = true} : memref<1024xf32, #tpu.memory_space<vmem>>[vector<16xi32>], vector<16xf32>,
        %scatter3A_933 = tpu.memref_slice %arg7[%mul3A_602] : memref<16384xf32, #tpu.memory_space<vmem>> -> memref<1024xf32, #tpu.memory_space<vmem>>
        tpu.vector_store_idx %scatter3A_933[%or3A_918], %get3A_600 {add = true} : memref<1024xf32, #tpu.memory_space<vmem>>[vector<16xi32>], vector<16xf32>,
        %scan3A_934 = arith.constant 0 : i32
        scf.yield %scan3A_934 : i32
      }
      %scan3A_609 = arith.constant 32 : i32
      %lt3A = arith.constant 14 : i32
      %lt3A_610 = arith.cmpi slt, %scan3A_573, %lt3A : i32
      %convert_element_type3A = arith.extui %lt3A_610 : i1 to i32
      %cond3A = arith.constant 0 : i32
      %cond3A_611 = arith.cmpi ne, %convert_element_type3A, %cond3A : i32
      scf.if %cond3A_611 {
        %add3A_613 = arith.constant 2 : i32
        %add3A_614 = arith.addi %scan3A_573, %add3A_613 : i32
        %mul3A_615 = arith.constant 16 : i32
        %mul3A_616 = arith.muli %add3A_614, %mul3A_615 : i32
        %add3A_617 = arith.addi %mul3A_2, %mul3A_616 : i32
        %and3A_618 = arith.constant 1 : i32
        %and3A_619 = arith.andi %add3A_614, %and3A_618 : i32
        %and3A_620 = arith.constant 1 : i32
        %and3A_621 = arith.andi %add3A_614, %and3A_620 : i32
        %dma_start3A_622 = arith.constant 0 : i32
        %dma_start3A_623 = arith.constant 0 : i32
        %dma_start3A_624 = tpu.memref_slice %arg6[%and3A_619, %dma_start3A_622, %dma_start3A_623] : memref<2x16x512xf32, #tpu.memory_space<vmem>> -> memref<1x16x512xf32, #tpu.memory_space<vmem>>
        %dma_start3A_625 = tpu.memref_squeeze %dma_start3A_624 : memref<1x16x512xf32, #tpu.memory_space<vmem>> -> memref<16x512xf32, #tpu.memory_space<vmem>>
        %dma_start3A_626 = arith.constant 0 : i32
        %dma_start3A_627 = tpu.memref_slice %arg2[%add3A_617, %dma_start3A_626] : memref<8192x512xf32, #tpu.memory_space<hbm>> -> memref<16x512xf32, #tpu.memory_space<hbm>>
        %dma_start3A_628 = tpu.memref_slice %arg13[%and3A_621] : memref<2x!tpu.dma_semaphore, #tpu.memory_space<semaphore_mem>> -> memref<1x!tpu.dma_semaphore, #tpu.memory_space<semaphore_mem>>
        %dma_start3A_629 = tpu.memref_squeeze %dma_start3A_628 : memref<1x!tpu.dma_semaphore, #tpu.memory_space<semaphore_mem>> -> memref<!tpu.dma_semaphore, #tpu.memory_space<semaphore_mem>>
        %dma_start3A_630 = arith.constant 0 : i32
        %dma_start3A_631 = arith.constant 0 : i32
        %dma_start3A_632 = tpu.memref_slice %arg6[%and3A_619, %dma_start3A_630, %dma_start3A_631] : memref<2x16x512xf32, #tpu.memory_space<vmem>> -> memref<1x16x512xf32, #tpu.memory_space<vmem>>
        %dma_start3A_633 = tpu.memref_squeeze %dma_start3A_632 : memref<1x16x512xf32, #tpu.memory_space<vmem>> -> memref<16x512xf32, #tpu.memory_space<vmem>>
        %dma_start3A_634 = arith.constant 0 : i32
        %dma_start3A_635 = tpu.memref_slice %arg2[%add3A_617, %dma_start3A_634] : memref<8192x512xf32, #tpu.memory_space<hbm>> -> memref<16x512xf32, #tpu.memory_space<hbm>>
        tpu.enqueue_dma source(%dma_start3A_635 : memref<16x512xf32, #tpu.memory_space<hbm>>) target(%dma_start3A_633 : memref<16x512xf32, #tpu.memory_space<vmem>>) target_semaphore(%dma_start3A_629 : memref<!tpu.dma_semaphore, #tpu.memory_space<semaphore_mem>>)
      } else {
      }
      %scan3A_612 = arith.constant 0 : i32
      scf.yield %scan3A_612 : i32
    }
    %scan3A_166 = arith.constant 16 : i32
    %add3A_167 = arith.constant 0 : i32
    %add3A_168 = vector.broadcast %add3A_167 : i32 to vector<16xi32>
    %add3A_169 = arith.addi %iota3A, %add3A_168 : vector<16xi32>
    %and3A_170 = arith.constant 15 : i32
    %and3A_171 = vector.broadcast %and3A_170 : i32 to vector<16xi32>
    %and3A_172 = arith.andi %add3A_169, %and3A_171 : vector<16xi32>
    %mul3A_173 = arith.constant 16 : i32
    %mul3A_174 = vector.broadcast %mul3A_173 : i32 to vector<16xi32>
    %mul3A_175 = arith.muli %and3A_172, %mul3A_174 : vector<16xi32>
    %add3A_176 = arith.addi %mul3A_175, %iota3A : vector<16xi32>
    %add3A_177 = arith.constant 1 : i32
    %add3A_178 = vector.broadcast %add3A_177 : i32 to vector<16xi32>
    %add3A_179 = arith.addi %iota3A, %add3A_178 : vector<16xi32>
    %and3A_180 = arith.constant 15 : i32
    %and3A_181 = vector.broadcast %and3A_180 : i32 to vector<16xi32>
    %and3A_182 = arith.andi %add3A_179, %and3A_181 : vector<16xi32>
    %mul3A_183 = arith.constant 16 : i32
    %mul3A_184 = vector.broadcast %mul3A_183 : i32 to vector<16xi32>
    %mul3A_185 = arith.muli %and3A_182, %mul3A_184 : vector<16xi32>
    %add3A_186 = arith.addi %mul3A_185, %iota3A : vector<16xi32>
    %add3A_187 = arith.constant 2 : i32
    %add3A_188 = vector.broadcast %add3A_187 : i32 to vector<16xi32>
    %add3A_189 = arith.addi %iota3A, %add3A_188 : vector<16xi32>
    %and3A_190 = arith.constant 15 : i32
    %and3A_191 = vector.broadcast %and3A_190 : i32 to vector<16xi32>
    %and3A_192 = arith.andi %add3A_189, %and3A_191 : vector<16xi32>
    %mul3A_193 = arith.constant 16 : i32
    %mul3A_194 = vector.broadcast %mul3A_193 : i32 to vector<16xi32>
    %mul3A_195 = arith.muli %and3A_192, %mul3A_194 : vector<16xi32>
    %add3A_196 = arith.addi %mul3A_195, %iota3A : vector<16xi32>
    %add3A_197 = arith.constant 3 : i32
    %add3A_198 = vector.broadcast %add3A_197 : i32 to vector<16xi32>
    %add3A_199 = arith.addi %iota3A, %add3A_198 : vector<16xi32>
    %and3A_200 = arith.constant 15 : i32
    %and3A_201 = vector.broadcast %and3A_200 : i32 to vector<16xi32>
    %and3A_202 = arith.andi %add3A_199, %and3A_201 : vector<16xi32>
    %mul3A_203 = arith.constant 16 : i32
    %mul3A_204 = vector.broadcast %mul3A_203 : i32 to vector<16xi32>
    %mul3A_205 = arith.muli %and3A_202, %mul3A_204 : vector<16xi32>
    %add3A_206 = arith.addi %mul3A_205, %iota3A : vector<16xi32>
    %add3A_207 = arith.constant 4 : i32
    %add3A_208 = vector.broadcast %add3A_207 : i32 to vector<16xi32>
    %add3A_209 = arith.addi %iota3A, %add3A_208 : vector<16xi32>
    %and3A_210 = arith.constant 15 : i32
    %and3A_211 = vector.broadcast %and3A_210 : i32 to vector<16xi32>
    %and3A_212 = arith.andi %add3A_209, %and3A_211 : vector<16xi32>
    %mul3A_213 = arith.constant 16 : i32
    %mul3A_214 = vector.broadcast %mul3A_213 : i32 to vector<16xi32>
    %mul3A_215 = arith.muli %and3A_212, %mul3A_214 : vector<16xi32>
    %add3A_216 = arith.addi %mul3A_215, %iota3A : vector<16xi32>
    %add3A_217 = arith.constant 5 : i32
    %add3A_218 = vector.broadcast %add3A_217 : i32 to vector<16xi32>
    %add3A_219 = arith.addi %iota3A, %add3A_218 : vector<16xi32>
    %and3A_220 = arith.constant 15 : i32
    %and3A_221 = vector.broadcast %and3A_220 : i32 to vector<16xi32>
    %and3A_222 = arith.andi %add3A_219, %and3A_221 : vector<16xi32>
    %mul3A_223 = arith.constant 16 : i32
    %mul3A_224 = vector.broadcast %mul3A_223 : i32 to vector<16xi32>
    %mul3A_225 = arith.muli %and3A_222, %mul3A_224 : vector<16xi32>
    %add3A_226 = arith.addi %mul3A_225, %iota3A : vector<16xi32>
    %add3A_227 = arith.constant 6 : i32
    %add3A_228 = vector.broadcast %add3A_227 : i32 to vector<16xi32>
    %add3A_229 = arith.addi %iota3A, %add3A_228 : vector<16xi32>
    %and3A_230 = arith.constant 15 : i32
    %and3A_231 = vector.broadcast %and3A_230 : i32 to vector<16xi32>
    %and3A_232 = arith.andi %add3A_229, %and3A_231 : vector<16xi32>
    %mul3A_233 = arith.constant 16 : i32
    %mul3A_234 = vector.broadcast %mul3A_233 : i32 to vector<16xi32>
    %mul3A_235 = arith.muli %and3A_232, %mul3A_234 : vector<16xi32>
    %add3A_236 = arith.addi %mul3A_235, %iota3A : vector<16xi32>
    %add3A_237 = arith.constant 7 : i32
    %add3A_238 = vector.broadcast %add3A_237 : i32 to vector<16xi32>
    %add3A_239 = arith.addi %iota3A, %add3A_238 : vector<16xi32>
    %and3A_240 = arith.constant 15 : i32
    %and3A_241 = vector.broadcast %and3A_240 : i32 to vector<16xi32>
    %and3A_242 = arith.andi %add3A_239, %and3A_241 : vector<16xi32>
    %mul3A_243 = arith.constant 16 : i32
    %mul3A_244 = vector.broadcast %mul3A_243 : i32 to vector<16xi32>
    %mul3A_245 = arith.muli %and3A_242, %mul3A_244 : vector<16xi32>
    %add3A_246 = arith.addi %mul3A_245, %iota3A : vector<16xi32>
    %add3A_247 = arith.constant 8 : i32
    %add3A_248 = vector.broadcast %add3A_247 : i32 to vector<16xi32>
    %add3A_249 = arith.addi %iota3A, %add3A_248 : vector<16xi32>
    %and3A_250 = arith.constant 15 : i32
    %and3A_251 = vector.broadcast %and3A_250 : i32 to vector<16xi32>
    %and3A_252 = arith.andi %add3A_249, %and3A_251 : vector<16xi32>
    %mul3A_253 = arith.constant 16 : i32
    %mul3A_254 = vector.broadcast %mul3A_253 : i32 to vector<16xi32>
    %mul3A_255 = arith.muli %and3A_252, %mul3A_254 : vector<16xi32>
    %add3A_256 = arith.addi %mul3A_255, %iota3A : vector<16xi32>
    %add3A_257 = arith.constant 9 : i32
    %add3A_258 = vector.broadcast %add3A_257 : i32 to vector<16xi32>
    %add3A_259 = arith.addi %iota3A, %add3A_258 : vector<16xi32>
    %and3A_260 = arith.constant 15 : i32
    %and3A_261 = vector.broadcast %and3A_260 : i32 to vector<16xi32>
    %and3A_262 = arith.andi %add3A_259, %and3A_261 : vector<16xi32>
    %mul3A_263 = arith.constant 16 : i32
    %mul3A_264 = vector.broadcast %mul3A_263 : i32 to vector<16xi32>
    %mul3A_265 = arith.muli %and3A_262, %mul3A_264 : vector<16xi32>
    %add3A_266 = arith.addi %mul3A_265, %iota3A : vector<16xi32>
    %add3A_267 = arith.constant 10 : i32
    %add3A_268 = vector.broadcast %add3A_267 : i32 to vector<16xi32>
    %add3A_269 = arith.addi %iota3A, %add3A_268 : vector<16xi32>
    %and3A_270 = arith.constant 15 : i32
    %and3A_271 = vector.broadcast %and3A_270 : i32 to vector<16xi32>
    %and3A_272 = arith.andi %add3A_269, %and3A_271 : vector<16xi32>
    %mul3A_273 = arith.constant 16 : i32
    %mul3A_274 = vector.broadcast %mul3A_273 : i32 to vector<16xi32>
    %mul3A_275 = arith.muli %and3A_272, %mul3A_274 : vector<16xi32>
    %add3A_276 = arith.addi %mul3A_275, %iota3A : vector<16xi32>
    %add3A_277 = arith.constant 11 : i32
    %add3A_278 = vector.broadcast %add3A_277 : i32 to vector<16xi32>
    %add3A_279 = arith.addi %iota3A, %add3A_278 : vector<16xi32>
    %and3A_280 = arith.constant 15 : i32
    %and3A_281 = vector.broadcast %and3A_280 : i32 to vector<16xi32>
    %and3A_282 = arith.andi %add3A_279, %and3A_281 : vector<16xi32>
    %mul3A_283 = arith.constant 16 : i32
    %mul3A_284 = vector.broadcast %mul3A_283 : i32 to vector<16xi32>
    %mul3A_285 = arith.muli %and3A_282, %mul3A_284 : vector<16xi32>
    %add3A_286 = arith.addi %mul3A_285, %iota3A : vector<16xi32>
    %add3A_287 = arith.constant 12 : i32
    %add3A_288 = vector.broadcast %add3A_287 : i32 to vector<16xi32>
    %add3A_289 = arith.addi %iota3A, %add3A_288 : vector<16xi32>
    %and3A_290 = arith.constant 15 : i32
    %and3A_291 = vector.broadcast %and3A_290 : i32 to vector<16xi32>
    %and3A_292 = arith.andi %add3A_289, %and3A_291 : vector<16xi32>
    %mul3A_293 = arith.constant 16 : i32
    %mul3A_294 = vector.broadcast %mul3A_293 : i32 to vector<16xi32>
    %mul3A_295 = arith.muli %and3A_292, %mul3A_294 : vector<16xi32>
    %add3A_296 = arith.addi %mul3A_295, %iota3A : vector<16xi32>
    %add3A_297 = arith.constant 13 : i32
    %add3A_298 = vector.broadcast %add3A_297 : i32 to vector<16xi32>
    %add3A_299 = arith.addi %iota3A, %add3A_298 : vector<16xi32>
    %and3A_300 = arith.constant 15 : i32
    %and3A_301 = vector.broadcast %and3A_300 : i32 to vector<16xi32>
    %and3A_302 = arith.andi %add3A_299, %and3A_301 : vector<16xi32>
    %mul3A_303 = arith.constant 16 : i32
    %mul3A_304 = vector.broadcast %mul3A_303 : i32 to vector<16xi32>
    %mul3A_305 = arith.muli %and3A_302, %mul3A_304 : vector<16xi32>
    %add3A_306 = arith.addi %mul3A_305, %iota3A : vector<16xi32>
    %add3A_307 = arith.constant 14 : i32
    %add3A_308 = vector.broadcast %add3A_307 : i32 to vector<16xi32>
    %add3A_309 = arith.addi %iota3A, %add3A_308 : vector<16xi32>
    %and3A_310 = arith.constant 15 : i32
    %and3A_311 = vector.broadcast %and3A_310 : i32 to vector<16xi32>
    %and3A_312 = arith.andi %add3A_309, %and3A_311 : vector<16xi32>
    %mul3A_313 = arith.constant 16 : i32
    %mul3A_314 = vector.broadcast %mul3A_313 : i32 to vector<16xi32>
    %mul3A_315 = arith.muli %and3A_312, %mul3A_314 : vector<16xi32>
    %add3A_316 = arith.addi %mul3A_315, %iota3A : vector<16xi32>
    %add3A_317 = arith.constant 15 : i32
    %add3A_318 = vector.broadcast %add3A_317 : i32 to vector<16xi32>
    %add3A_319 = arith.addi %iota3A, %add3A_318 : vector<16xi32>
    %and3A_320 = arith.constant 15 : i32
    %and3A_321 = vector.broadcast %and3A_320 : i32 to vector<16xi32>
    %and3A_322 = arith.andi %add3A_319, %and3A_321 : vector<16xi32>
    %mul3A_323 = arith.constant 16 : i32
    %mul3A_324 = vector.broadcast %mul3A_323 : i32 to vector<16xi32>
    %mul3A_325 = arith.muli %and3A_322, %mul3A_324 : vector<16xi32>
    %add3A_326 = arith.addi %mul3A_325, %iota3A : vector<16xi32>
    %add3A_327 = arith.constant 0 : i32
    %add3A_328 = vector.broadcast %add3A_327 : i32 to vector<16xi32>
    %add3A_329 = arith.addi %iota3A, %add3A_328 : vector<16xi32>
    %and3A_330 = arith.constant 15 : i32
    %and3A_331 = vector.broadcast %and3A_330 : i32 to vector<16xi32>
    %and3A_332 = arith.andi %add3A_329, %and3A_331 : vector<16xi32>
    %add3A_333 = arith.constant 1 : i32
    %add3A_334 = vector.broadcast %add3A_333 : i32 to vector<16xi32>
    %add3A_335 = arith.addi %iota3A, %add3A_334 : vector<16xi32>
    %and3A_336 = arith.constant 15 : i32
    %and3A_337 = vector.broadcast %and3A_336 : i32 to vector<16xi32>
    %and3A_338 = arith.andi %add3A_335, %and3A_337 : vector<16xi32>
    %add3A_339 = arith.constant 2 : i32
    %add3A_340 = vector.broadcast %add3A_339 : i32 to vector<16xi32>
    %add3A_341 = arith.addi %iota3A, %add3A_340 : vector<16xi32>
    %and3A_342 = arith.constant 15 : i32
    %and3A_343 = vector.broadcast %and3A_342 : i32 to vector<16xi32>
    %and3A_344 = arith.andi %add3A_341, %and3A_343 : vector<16xi32>
    %add3A_345 = arith.constant 3 : i32
    %add3A_346 = vector.broadcast %add3A_345 : i32 to vector<16xi32>
    %add3A_347 = arith.addi %iota3A, %add3A_346 : vector<16xi32>
    %and3A_348 = arith.constant 15 : i32
    %and3A_349 = vector.broadcast %and3A_348 : i32 to vector<16xi32>
    %and3A_350 = arith.andi %add3A_347, %and3A_349 : vector<16xi32>
    %add3A_351 = arith.constant 4 : i32
    %add3A_352 = vector.broadcast %add3A_351 : i32 to vector<16xi32>
    %add3A_353 = arith.addi %iota3A, %add3A_352 : vector<16xi32>
    %and3A_354 = arith.constant 15 : i32
    %and3A_355 = vector.broadcast %and3A_354 : i32 to vector<16xi32>
    %and3A_356 = arith.andi %add3A_353, %and3A_355 : vector<16xi32>
    %add3A_357 = arith.constant 5 : i32
    %add3A_358 = vector.broadcast %add3A_357 : i32 to vector<16xi32>
    %add3A_359 = arith.addi %iota3A, %add3A_358 : vector<16xi32>
    %and3A_360 = arith.constant 15 : i32
    %and3A_361 = vector.broadcast %and3A_360 : i32 to vector<16xi32>
    %and3A_362 = arith.andi %add3A_359, %and3A_361 : vector<16xi32>
    %add3A_363 = arith.constant 6 : i32
    %add3A_364 = vector.broadcast %add3A_363 : i32 to vector<16xi32>
    %add3A_365 = arith.addi %iota3A, %add3A_364 : vector<16xi32>
    %and3A_366 = arith.constant 15 : i32
    %and3A_367 = vector.broadcast %and3A_366 : i32 to vector<16xi32>
    %and3A_368 = arith.andi %add3A_365, %and3A_367 : vector<16xi32>
    %add3A_369 = arith.constant 7 : i32
    %add3A_370 = vector.broadcast %add3A_369 : i32 to vector<16xi32>
    %add3A_371 = arith.addi %iota3A, %add3A_370 : vector<16xi32>
    %and3A_372 = arith.constant 15 : i32
    %and3A_373 = vector.broadcast %and3A_372 : i32 to vector<16xi32>
    %and3A_374 = arith.andi %add3A_371, %and3A_373 : vector<16xi32>
    %add3A_375 = arith.constant 8 : i32
    %add3A_376 = vector.broadcast %add3A_375 : i32 to vector<16xi32>
    %add3A_377 = arith.addi %iota3A, %add3A_376 : vector<16xi32>
    %and3A_378 = arith.constant 15 : i32
    %and3A_379 = vector.broadcast %and3A_378 : i32 to vector<16xi32>
    %and3A_380 = arith.andi %add3A_377, %and3A_379 : vector<16xi32>
    %add3A_381 = arith.constant 9 : i32
    %add3A_382 = vector.broadcast %add3A_381 : i32 to vector<16xi32>
    %add3A_383 = arith.addi %iota3A, %add3A_382 : vector<16xi32>
    %and3A_384 = arith.constant 15 : i32
    %and3A_385 = vector.broadcast %and3A_384 : i32 to vector<16xi32>
    %and3A_386 = arith.andi %add3A_383, %and3A_385 : vector<16xi32>
    %add3A_387 = arith.constant 10 : i32
    %add3A_388 = vector.broadcast %add3A_387 : i32 to vector<16xi32>
    %add3A_389 = arith.addi %iota3A, %add3A_388 : vector<16xi32>
    %and3A_390 = arith.constant 15 : i32
    %and3A_391 = vector.broadcast %and3A_390 : i32 to vector<16xi32>
    %and3A_392 = arith.andi %add3A_389, %and3A_391 : vector<16xi32>
    %add3A_393 = arith.constant 11 : i32
    %add3A_394 = vector.broadcast %add3A_393 : i32 to vector<16xi32>
    %add3A_395 = arith.addi %iota3A, %add3A_394 : vector<16xi32>
    %and3A_396 = arith.constant 15 : i32
    %and3A_397 = vector.broadcast %and3A_396 : i32 to vector<16xi32>
    %and3A_398 = arith.andi %add3A_395, %and3A_397 : vector<16xi32>
    %add3A_399 = arith.constant 12 : i32
    %add3A_400 = vector.broadcast %add3A_399 : i32 to vector<16xi32>
    %add3A_401 = arith.addi %iota3A, %add3A_400 : vector<16xi32>
    %and3A_402 = arith.constant 15 : i32
    %and3A_403 = vector.broadcast %and3A_402 : i32 to vector<16xi32>
    %and3A_404 = arith.andi %add3A_401, %and3A_403 : vector<16xi32>
    %add3A_405 = arith.constant 13 : i32
    %add3A_406 = vector.broadcast %add3A_405 : i32 to vector<16xi32>
    %add3A_407 = arith.addi %iota3A, %add3A_406 : vector<16xi32>
    %and3A_408 = arith.constant 15 : i32
    %and3A_409 = vector.broadcast %and3A_408 : i32 to vector<16xi32>
    %and3A_410 = arith.andi %add3A_407, %and3A_409 : vector<16xi32>
    %add3A_411 = arith.constant 14 : i32
    %add3A_412 = vector.broadcast %add3A_411 : i32 to vector<16xi32>
    %add3A_413 = arith.addi %iota3A, %add3A_412 : vector<16xi32>
    %and3A_414 = arith.constant 15 : i32
    %and3A_415 = vector.broadcast %and3A_414 : i32 to vector<16xi32>
    %and3A_416 = arith.andi %add3A_413, %and3A_415 : vector<16xi32>
    %add3A_417 = arith.constant 15 : i32
    %add3A_418 = vector.broadcast %add3A_417 : i32 to vector<16xi32>
    %add3A_419 = arith.addi %iota3A, %add3A_418 : vector<16xi32>
    %and3A_420 = arith.constant 15 : i32
    %and3A_421 = vector.broadcast %and3A_420 : i32 to vector<16xi32>
    %and3A_422 = arith.andi %add3A_419, %and3A_421 : vector<16xi32>
    %add3A_423 = arith.constant 0 : i32
    %add3A_424 = vector.broadcast %add3A_423 : i32 to vector<16xi32>
    %add3A_425 = arith.addi %iota3A, %add3A_424 : vector<16xi32>
    %and3A_426 = arith.constant 15 : i32
    %and3A_427 = vector.broadcast %and3A_426 : i32 to vector<16xi32>
    %and3A_428 = arith.andi %add3A_425, %and3A_427 : vector<16xi32>
    %le3A = arith.constant 13 : i32
    %le3A_429 = vector.broadcast %le3A : i32 to vector<16xi32>
    %le3A_430 = arith.cmpi sle, %and3A_428, %le3A_429 : vector<16xi32>
    %add3A_431 = arith.constant 1 : i32
    %add3A_432 = vector.broadcast %add3A_431 : i32 to vector<16xi32>
    %add3A_433 = arith.addi %iota3A, %add3A_432 : vector<16xi32>
    %and3A_434 = arith.constant 15 : i32
    %and3A_435 = vector.broadcast %and3A_434 : i32 to vector<16xi32>
    %and3A_436 = arith.andi %add3A_433, %and3A_435 : vector<16xi32>
    %le3A_437 = arith.constant 13 : i32
    %le3A_438 = vector.broadcast %le3A_437 : i32 to vector<16xi32>
    %le3A_439 = arith.cmpi sle, %and3A_436, %le3A_438 : vector<16xi32>
    %add3A_440 = arith.constant 2 : i32
    %add3A_441 = vector.broadcast %add3A_440 : i32 to vector<16xi32>
    %add3A_442 = arith.addi %iota3A, %add3A_441 : vector<16xi32>
    %and3A_443 = arith.constant 15 : i32
    %and3A_444 = vector.broadcast %and3A_443 : i32 to vector<16xi32>
    %and3A_445 = arith.andi %add3A_442, %and3A_444 : vector<16xi32>
    %le3A_446 = arith.constant 13 : i32
    %le3A_447 = vector.broadcast %le3A_446 : i32 to vector<16xi32>
    %le3A_448 = arith.cmpi sle, %and3A_445, %le3A_447 : vector<16xi32>
    %add3A_449 = arith.constant 3 : i32
    %add3A_450 = vector.broadcast %add3A_449 : i32 to vector<16xi32>
    %add3A_451 = arith.addi %iota3A, %add3A_450 : vector<16xi32>
    %and3A_452 = arith.constant 15 : i32
    %and3A_453 = vector.broadcast %and3A_452 : i32 to vector<16xi32>
    %and3A_454 = arith.andi %add3A_451, %and3A_453 : vector<16xi32>
    %le3A_455 = arith.constant 13 : i32
    %le3A_456 = vector.broadcast %le3A_455 : i32 to vector<16xi32>
    %le3A_457 = arith.cmpi sle, %and3A_454, %le3A_456 : vector<16xi32>
    %add3A_458 = arith.constant 4 : i32
    %add3A_459 = vector.broadcast %add3A_458 : i32 to vector<16xi32>
    %add3A_460 = arith.addi %iota3A, %add3A_459 : vector<16xi32>
    %and3A_461 = arith.constant 15 : i32
    %and3A_462 = vector.broadcast %and3A_461 : i32 to vector<16xi32>
    %and3A_463 = arith.andi %add3A_460, %and3A_462 : vector<16xi32>
    %le3A_464 = arith.constant 13 : i32
    %le3A_465 = vector.broadcast %le3A_464 : i32 to vector<16xi32>
    %le3A_466 = arith.cmpi sle, %and3A_463, %le3A_465 : vector<16xi32>
    %add3A_467 = arith.constant 5 : i32
    %add3A_468 = vector.broadcast %add3A_467 : i32 to vector<16xi32>
    %add3A_469 = arith.addi %iota3A, %add3A_468 : vector<16xi32>
    %and3A_470 = arith.constant 15 : i32
    %and3A_471 = vector.broadcast %and3A_470 : i32 to vector<16xi32>
    %and3A_472 = arith.andi %add3A_469, %and3A_471 : vector<16xi32>
    %le3A_473 = arith.constant 13 : i32
    %le3A_474 = vector.broadcast %le3A_473 : i32 to vector<16xi32>
    %le3A_475 = arith.cmpi sle, %and3A_472, %le3A_474 : vector<16xi32>
    %add3A_476 = arith.constant 6 : i32
    %add3A_477 = vector.broadcast %add3A_476 : i32 to vector<16xi32>
    %add3A_478 = arith.addi %iota3A, %add3A_477 : vector<16xi32>
    %and3A_479 = arith.constant 15 : i32
    %and3A_480 = vector.broadcast %and3A_479 : i32 to vector<16xi32>
    %and3A_481 = arith.andi %add3A_478, %and3A_480 : vector<16xi32>
    %le3A_482 = arith.constant 13 : i32
    %le3A_483 = vector.broadcast %le3A_482 : i32 to vector<16xi32>
    %le3A_484 = arith.cmpi sle, %and3A_481, %le3A_483 : vector<16xi32>
    %add3A_485 = arith.constant 7 : i32
    %add3A_486 = vector.broadcast %add3A_485 : i32 to vector<16xi32>
    %add3A_487 = arith.addi %iota3A, %add3A_486 : vector<16xi32>
    %and3A_488 = arith.constant 15 : i32
    %and3A_489 = vector.broadcast %and3A_488 : i32 to vector<16xi32>
    %and3A_490 = arith.andi %add3A_487, %and3A_489 : vector<16xi32>
    %le3A_491 = arith.constant 13 : i32
    %le3A_492 = vector.broadcast %le3A_491 : i32 to vector<16xi32>
    %le3A_493 = arith.cmpi sle, %and3A_490, %le3A_492 : vector<16xi32>
    %add3A_494 = arith.constant 8 : i32
    %add3A_495 = vector.broadcast %add3A_494 : i32 to vector<16xi32>
    %add3A_496 = arith.addi %iota3A, %add3A_495 : vector<16xi32>
    %and3A_497 = arith.constant 15 : i32
    %and3A_498 = vector.broadcast %and3A_497 : i32 to vector<16xi32>
    %and3A_499 = arith.andi %add3A_496, %and3A_498 : vector<16xi32>
    %le3A_500 = arith.constant 13 : i32
    %le3A_501 = vector.broadcast %le3A_500 : i32 to vector<16xi32>
    %le3A_502 = arith.cmpi sle, %and3A_499, %le3A_501 : vector<16xi32>
    %add3A_503 = arith.constant 9 : i32
    %add3A_504 = vector.broadcast %add3A_503 : i32 to vector<16xi32>
    %add3A_505 = arith.addi %iota3A, %add3A_504 : vector<16xi32>
    %and3A_506 = arith.constant 15 : i32
    %and3A_507 = vector.broadcast %and3A_506 : i32 to vector<16xi32>
    %and3A_508 = arith.andi %add3A_505, %and3A_507 : vector<16xi32>
    %le3A_509 = arith.constant 13 : i32
    %le3A_510 = vector.broadcast %le3A_509 : i32 to vector<16xi32>
    %le3A_511 = arith.cmpi sle, %and3A_508, %le3A_510 : vector<16xi32>
    %add3A_512 = arith.constant 10 : i32
    %add3A_513 = vector.broadcast %add3A_512 : i32 to vector<16xi32>
    %add3A_514 = arith.addi %iota3A, %add3A_513 : vector<16xi32>
    %and3A_515 = arith.constant 15 : i32
    %and3A_516 = vector.broadcast %and3A_515 : i32 to vector<16xi32>
    %and3A_517 = arith.andi %add3A_514, %and3A_516 : vector<16xi32>
    %le3A_518 = arith.constant 13 : i32
    %le3A_519 = vector.broadcast %le3A_518 : i32 to vector<16xi32>
    %le3A_520 = arith.cmpi sle, %and3A_517, %le3A_519 : vector<16xi32>
    %add3A_521 = arith.constant 11 : i32
    %add3A_522 = vector.broadcast %add3A_521 : i32 to vector<16xi32>
    %add3A_523 = arith.addi %iota3A, %add3A_522 : vector<16xi32>
    %and3A_524 = arith.constant 15 : i32
    %and3A_525 = vector.broadcast %and3A_524 : i32 to vector<16xi32>
    %and3A_526 = arith.andi %add3A_523, %and3A_525 : vector<16xi32>
    %le3A_527 = arith.constant 13 : i32
    %le3A_528 = vector.broadcast %le3A_527 : i32 to vector<16xi32>
    %le3A_529 = arith.cmpi sle, %and3A_526, %le3A_528 : vector<16xi32>
    %add3A_530 = arith.constant 12 : i32
    %add3A_531 = vector.broadcast %add3A_530 : i32 to vector<16xi32>
    %add3A_532 = arith.addi %iota3A, %add3A_531 : vector<16xi32>
    %and3A_533 = arith.constant 15 : i32
    %and3A_534 = vector.broadcast %and3A_533 : i32 to vector<16xi32>
    %and3A_535 = arith.andi %add3A_532, %and3A_534 : vector<16xi32>
    %le3A_536 = arith.constant 13 : i32
    %le3A_537 = vector.broadcast %le3A_536 : i32 to vector<16xi32>
    %le3A_538 = arith.cmpi sle, %and3A_535, %le3A_537 : vector<16xi32>
    %add3A_539 = arith.constant 13 : i32
    %add3A_540 = vector.broadcast %add3A_539 : i32 to vector<16xi32>
    %add3A_541 = arith.addi %iota3A, %add3A_540 : vector<16xi32>
    %and3A_542 = arith.constant 15 : i32
    %and3A_543 = vector.broadcast %and3A_542 : i32 to vector<16xi32>
    %and3A_544 = arith.andi %add3A_541, %and3A_543 : vector<16xi32>
    %le3A_545 = arith.constant 13 : i32
    %le3A_546 = vector.broadcast %le3A_545 : i32 to vector<16xi32>
    %le3A_547 = arith.cmpi sle, %and3A_544, %le3A_546 : vector<16xi32>
    %add3A_548 = arith.constant 14 : i32
    %add3A_549 = vector.broadcast %add3A_548 : i32 to vector<16xi32>
    %add3A_550 = arith.addi %iota3A, %add3A_549 : vector<16xi32>
    %and3A_551 = arith.constant 15 : i32
    %and3A_552 = vector.broadcast %and3A_551 : i32 to vector<16xi32>
    %and3A_553 = arith.andi %add3A_550, %and3A_552 : vector<16xi32>
    %le3A_554 = arith.constant 13 : i32
    %le3A_555 = vector.broadcast %le3A_554 : i32 to vector<16xi32>
    %le3A_556 = arith.cmpi sle, %and3A_553, %le3A_555 : vector<16xi32>
    %add3A_557 = arith.constant 15 : i32
    %add3A_558 = vector.broadcast %add3A_557 : i32 to vector<16xi32>
    %add3A_559 = arith.addi %iota3A, %add3A_558 : vector<16xi32>
    %and3A_560 = arith.constant 15 : i32
    %and3A_561 = vector.broadcast %and3A_560 : i32 to vector<16xi32>
    %and3A_562 = arith.andi %add3A_559, %and3A_561 : vector<16xi32>
    %le3A_563 = arith.constant 13 : i32
    %le3A_564 = vector.broadcast %le3A_563 : i32 to vector<16xi32>
    %le3A_565 = arith.cmpi sle, %and3A_562, %le3A_564 : vector<16xi32>
    %scan3A_566 = arith.constant 0 : i32
    %scan3A_567 = arith.constant 0 : i32
    %scan3A_568 = arith.constant 16 : i32
    %scan3A_569 = arith.addi %scan3A_567, %scan3A_568 : i32
    %scan3A_570 = arith.constant 1 : i32
    %scan3A_571 = scf.for %scan3A_573 = %scan3A_567 to %scan3A_569 step %scan3A_570 iter_args(%scan3A_574 = %scan3A_566) -> (i32)  : i32 {
      %mul3A_575 = arith.constant 1024 : i32
      %mul3A_576 = arith.muli %scan3A_573, %mul3A_575 : i32
      %shift_right_arithmetic3A = arith.constant 1 : i32
      %shift_right_arithmetic3A_577 = arith.shrsi %scan3A_573, %shift_right_arithmetic3A : i32
      %and3A_578 = arith.constant 1 : i32
      %and3A_579 = arith.andi %scan3A_573, %and3A_578 : i32
      %mul3A_580 = arith.constant 16 : i32
      %mul3A_581 = arith.muli %and3A_579, %mul3A_580 : i32
      %gather3A = tpu.memref_slice %arg7[%mul3A_576] : memref<16384xf32, #tpu.memory_space<vmem>> -> memref<1024xf32, #tpu.memory_space<vmem>>
      %gather3A_582 = tpu.vector_load_idx %gather3A[%add3A_176] : memref<1024xf32, #tpu.memory_space<vmem>>[vector<16xi32>], vector<16xf32>,
      %scatter3A = arith.constant 0 : i32
      %scatter3A_583 = tpu.memref_slice %arg8[%shift_right_arithmetic3A_577, %mul3A_581, %scatter3A] : memref<8x32x30xf32, #tpu.memory_space<vmem>> -> memref<1x16x30xf32, #tpu.memory_space<vmem>>
      %scatter3A_584 = tpu.memref_squeeze %scatter3A_583 : memref<1x16x30xf32, #tpu.memory_space<vmem>> -> memref<16x30xf32, #tpu.memory_space<vmem>>
      tpu.vector_store_idx %scatter3A_584[%iota3A, %and3A_332], %gather3A_582 : memref<16x30xf32, #tpu.memory_space<vmem>>[vector<16xi32>, vector<16xi32>], vector<16xf32>,
      %gather3A_585 = tpu.memref_slice %arg7[%mul3A_576] : memref<16384xf32, #tpu.memory_space<vmem>> -> memref<1024xf32, #tpu.memory_space<vmem>>
      %gather3A_586 = tpu.vector_load_idx %gather3A_585[%add3A_186] : memref<1024xf32, #tpu.memory_space<vmem>>[vector<16xi32>], vector<16xf32>,
      %scatter3A_587 = arith.constant 0 : i32
      %scatter3A_588 = tpu.memref_slice %arg8[%shift_right_arithmetic3A_577, %mul3A_581, %scatter3A_587] : memref<8x32x30xf32, #tpu.memory_space<vmem>> -> memref<1x16x30xf32, #tpu.memory_space<vmem>>
      %scatter3A_589 = tpu.memref_squeeze %scatter3A_588 : memref<1x16x30xf32, #tpu.memory_space<vmem>> -> memref<16x30xf32, #tpu.memory_space<vmem>>
      tpu.vector_store_idx %scatter3A_589[%iota3A, %and3A_338], %gather3A_586 : memref<16x30xf32, #tpu.memory_space<vmem>>[vector<16xi32>, vector<16xi32>], vector<16xf32>,
      %gather3A_590 = tpu.memref_slice %arg7[%mul3A_576] : memref<16384xf32, #tpu.memory_space<vmem>> -> memref<1024xf32, #tpu.memory_space<vmem>>
      %gather3A_591 = tpu.vector_load_idx %gather3A_590[%add3A_196] : memref<1024xf32, #tpu.memory_space<vmem>>[vector<16xi32>], vector<16xf32>,
      %scatter3A_592 = arith.constant 0 : i32
      %scatter3A_593 = tpu.memref_slice %arg8[%shift_right_arithmetic3A_577, %mul3A_581, %scatter3A_592] : memref<8x32x30xf32, #tpu.memory_space<vmem>> -> memref<1x16x30xf32, #tpu.memory_space<vmem>>
      %scatter3A_594 = tpu.memref_squeeze %scatter3A_593 : memref<1x16x30xf32, #tpu.memory_space<vmem>> -> memref<16x30xf32, #tpu.memory_space<vmem>>
      tpu.vector_store_idx %scatter3A_594[%iota3A, %and3A_344], %gather3A_591 : memref<16x30xf32, #tpu.memory_space<vmem>>[vector<16xi32>, vector<16xi32>], vector<16xf32>,
      %gather3A_595 = tpu.memref_slice %arg7[%mul3A_576] : memref<16384xf32, #tpu.memory_space<vmem>> -> memref<1024xf32, #tpu.memory_space<vmem>>
      %gather3A_596 = tpu.vector_load_idx %gather3A_595[%add3A_206] : memref<1024xf32, #tpu.memory_space<vmem>>[vector<16xi32>], vector<16xf32>,
      %scatter3A_597 = arith.constant 0 : i32
      %scatter3A_598 = tpu.memref_slice %arg8[%shift_right_arithmetic3A_577, %mul3A_581, %scatter3A_597] : memref<8x32x30xf32, #tpu.memory_space<vmem>> -> memref<1x16x30xf32, #tpu.memory_space<vmem>>
      %scatter3A_599 = tpu.memref_squeeze %scatter3A_598 : memref<1x16x30xf32, #tpu.memory_space<vmem>> -> memref<16x30xf32, #tpu.memory_space<vmem>>
      tpu.vector_store_idx %scatter3A_599[%iota3A, %and3A_350], %gather3A_596 : memref<16x30xf32, #tpu.memory_space<vmem>>[vector<16xi32>, vector<16xi32>], vector<16xf32>,
      %gather3A_600 = tpu.memref_slice %arg7[%mul3A_576] : memref<16384xf32, #tpu.memory_space<vmem>> -> memref<1024xf32, #tpu.memory_space<vmem>>
      %gather3A_601 = tpu.vector_load_idx %gather3A_600[%add3A_216] : memref<1024xf32, #tpu.memory_space<vmem>>[vector<16xi32>], vector<16xf32>,
      %scatter3A_602 = arith.constant 0 : i32
      %scatter3A_603 = tpu.memref_slice %arg8[%shift_right_arithmetic3A_577, %mul3A_581, %scatter3A_602] : memref<8x32x30xf32, #tpu.memory_space<vmem>> -> memref<1x16x30xf32, #tpu.memory_space<vmem>>
      %scatter3A_604 = tpu.memref_squeeze %scatter3A_603 : memref<1x16x30xf32, #tpu.memory_space<vmem>> -> memref<16x30xf32, #tpu.memory_space<vmem>>
      tpu.vector_store_idx %scatter3A_604[%iota3A, %and3A_356], %gather3A_601 : memref<16x30xf32, #tpu.memory_space<vmem>>[vector<16xi32>, vector<16xi32>], vector<16xf32>,
      %gather3A_605 = tpu.memref_slice %arg7[%mul3A_576] : memref<16384xf32, #tpu.memory_space<vmem>> -> memref<1024xf32, #tpu.memory_space<vmem>>
      %gather3A_606 = tpu.vector_load_idx %gather3A_605[%add3A_226] : memref<1024xf32, #tpu.memory_space<vmem>>[vector<16xi32>], vector<16xf32>,
      %scatter3A_607 = arith.constant 0 : i32
      %scatter3A_608 = tpu.memref_slice %arg8[%shift_right_arithmetic3A_577, %mul3A_581, %scatter3A_607] : memref<8x32x30xf32, #tpu.memory_space<vmem>> -> memref<1x16x30xf32, #tpu.memory_space<vmem>>
      %scatter3A_609 = tpu.memref_squeeze %scatter3A_608 : memref<1x16x30xf32, #tpu.memory_space<vmem>> -> memref<16x30xf32, #tpu.memory_space<vmem>>
      tpu.vector_store_idx %scatter3A_609[%iota3A, %and3A_362], %gather3A_606 : memref<16x30xf32, #tpu.memory_space<vmem>>[vector<16xi32>, vector<16xi32>], vector<16xf32>,
      %gather3A_610 = tpu.memref_slice %arg7[%mul3A_576] : memref<16384xf32, #tpu.memory_space<vmem>> -> memref<1024xf32, #tpu.memory_space<vmem>>
      %gather3A_611 = tpu.vector_load_idx %gather3A_610[%add3A_236] : memref<1024xf32, #tpu.memory_space<vmem>>[vector<16xi32>], vector<16xf32>,
      %scatter3A_612 = arith.constant 0 : i32
      %scatter3A_613 = tpu.memref_slice %arg8[%shift_right_arithmetic3A_577, %mul3A_581, %scatter3A_612] : memref<8x32x30xf32, #tpu.memory_space<vmem>> -> memref<1x16x30xf32, #tpu.memory_space<vmem>>
      %scatter3A_614 = tpu.memref_squeeze %scatter3A_613 : memref<1x16x30xf32, #tpu.memory_space<vmem>> -> memref<16x30xf32, #tpu.memory_space<vmem>>
      tpu.vector_store_idx %scatter3A_614[%iota3A, %and3A_368], %gather3A_611 : memref<16x30xf32, #tpu.memory_space<vmem>>[vector<16xi32>, vector<16xi32>], vector<16xf32>,
      %gather3A_615 = tpu.memref_slice %arg7[%mul3A_576] : memref<16384xf32, #tpu.memory_space<vmem>> -> memref<1024xf32, #tpu.memory_space<vmem>>
      %gather3A_616 = tpu.vector_load_idx %gather3A_615[%add3A_246] : memref<1024xf32, #tpu.memory_space<vmem>>[vector<16xi32>], vector<16xf32>,
      %scatter3A_617 = arith.constant 0 : i32
      %scatter3A_618 = tpu.memref_slice %arg8[%shift_right_arithmetic3A_577, %mul3A_581, %scatter3A_617] : memref<8x32x30xf32, #tpu.memory_space<vmem>> -> memref<1x16x30xf32, #tpu.memory_space<vmem>>
      %scatter3A_619 = tpu.memref_squeeze %scatter3A_618 : memref<1x16x30xf32, #tpu.memory_space<vmem>> -> memref<16x30xf32, #tpu.memory_space<vmem>>
      tpu.vector_store_idx %scatter3A_619[%iota3A, %and3A_374], %gather3A_616 : memref<16x30xf32, #tpu.memory_space<vmem>>[vector<16xi32>, vector<16xi32>], vector<16xf32>,
      %gather3A_620 = tpu.memref_slice %arg7[%mul3A_576] : memref<16384xf32, #tpu.memory_space<vmem>> -> memref<1024xf32, #tpu.memory_space<vmem>>
      %gather3A_621 = tpu.vector_load_idx %gather3A_620[%add3A_256] : memref<1024xf32, #tpu.memory_space<vmem>>[vector<16xi32>], vector<16xf32>,
      %scatter3A_622 = arith.constant 0 : i32
      %scatter3A_623 = tpu.memref_slice %arg8[%shift_right_arithmetic3A_577, %mul3A_581, %scatter3A_622] : memref<8x32x30xf32, #tpu.memory_space<vmem>> -> memref<1x16x30xf32, #tpu.memory_space<vmem>>
      %scatter3A_624 = tpu.memref_squeeze %scatter3A_623 : memref<1x16x30xf32, #tpu.memory_space<vmem>> -> memref<16x30xf32, #tpu.memory_space<vmem>>
      tpu.vector_store_idx %scatter3A_624[%iota3A, %and3A_380], %gather3A_621 : memref<16x30xf32, #tpu.memory_space<vmem>>[vector<16xi32>, vector<16xi32>], vector<16xf32>,
      %gather3A_625 = tpu.memref_slice %arg7[%mul3A_576] : memref<16384xf32, #tpu.memory_space<vmem>> -> memref<1024xf32, #tpu.memory_space<vmem>>
      %gather3A_626 = tpu.vector_load_idx %gather3A_625[%add3A_266] : memref<1024xf32, #tpu.memory_space<vmem>>[vector<16xi32>], vector<16xf32>,
      %scatter3A_627 = arith.constant 0 : i32
      %scatter3A_628 = tpu.memref_slice %arg8[%shift_right_arithmetic3A_577, %mul3A_581, %scatter3A_627] : memref<8x32x30xf32, #tpu.memory_space<vmem>> -> memref<1x16x30xf32, #tpu.memory_space<vmem>>
      %scatter3A_629 = tpu.memref_squeeze %scatter3A_628 : memref<1x16x30xf32, #tpu.memory_space<vmem>> -> memref<16x30xf32, #tpu.memory_space<vmem>>
      tpu.vector_store_idx %scatter3A_629[%iota3A, %and3A_386], %gather3A_626 : memref<16x30xf32, #tpu.memory_space<vmem>>[vector<16xi32>, vector<16xi32>], vector<16xf32>,
      %gather3A_630 = tpu.memref_slice %arg7[%mul3A_576] : memref<16384xf32, #tpu.memory_space<vmem>> -> memref<1024xf32, #tpu.memory_space<vmem>>
      %gather3A_631 = tpu.vector_load_idx %gather3A_630[%add3A_276] : memref<1024xf32, #tpu.memory_space<vmem>>[vector<16xi32>], vector<16xf32>,
      %scatter3A_632 = arith.constant 0 : i32
      %scatter3A_633 = tpu.memref_slice %arg8[%shift_right_arithmetic3A_577, %mul3A_581, %scatter3A_632] : memref<8x32x30xf32, #tpu.memory_space<vmem>> -> memref<1x16x30xf32, #tpu.memory_space<vmem>>
      %scatter3A_634 = tpu.memref_squeeze %scatter3A_633 : memref<1x16x30xf32, #tpu.memory_space<vmem>> -> memref<16x30xf32, #tpu.memory_space<vmem>>
      tpu.vector_store_idx %scatter3A_634[%iota3A, %and3A_392], %gather3A_631 : memref<16x30xf32, #tpu.memory_space<vmem>>[vector<16xi32>, vector<16xi32>], vector<16xf32>,
      %gather3A_635 = tpu.memref_slice %arg7[%mul3A_576] : memref<16384xf32, #tpu.memory_space<vmem>> -> memref<1024xf32, #tpu.memory_space<vmem>>
      %gather3A_636 = tpu.vector_load_idx %gather3A_635[%add3A_286] : memref<1024xf32, #tpu.memory_space<vmem>>[vector<16xi32>], vector<16xf32>,
      %scatter3A_637 = arith.constant 0 : i32
      %scatter3A_638 = tpu.memref_slice %arg8[%shift_right_arithmetic3A_577, %mul3A_581, %scatter3A_637] : memref<8x32x30xf32, #tpu.memory_space<vmem>> -> memref<1x16x30xf32, #tpu.memory_space<vmem>>
      %scatter3A_639 = tpu.memref_squeeze %scatter3A_638 : memref<1x16x30xf32, #tpu.memory_space<vmem>> -> memref<16x30xf32, #tpu.memory_space<vmem>>
      tpu.vector_store_idx %scatter3A_639[%iota3A, %and3A_398], %gather3A_636 : memref<16x30xf32, #tpu.memory_space<vmem>>[vector<16xi32>, vector<16xi32>], vector<16xf32>,
      %gather3A_640 = tpu.memref_slice %arg7[%mul3A_576] : memref<16384xf32, #tpu.memory_space<vmem>> -> memref<1024xf32, #tpu.memory_space<vmem>>
      %gather3A_641 = tpu.vector_load_idx %gather3A_640[%add3A_296] : memref<1024xf32, #tpu.memory_space<vmem>>[vector<16xi32>], vector<16xf32>,
      %scatter3A_642 = arith.constant 0 : i32
      %scatter3A_643 = tpu.memref_slice %arg8[%shift_right_arithmetic3A_577, %mul3A_581, %scatter3A_642] : memref<8x32x30xf32, #tpu.memory_space<vmem>> -> memref<1x16x30xf32, #tpu.memory_space<vmem>>
      %scatter3A_644 = tpu.memref_squeeze %scatter3A_643 : memref<1x16x30xf32, #tpu.memory_space<vmem>> -> memref<16x30xf32, #tpu.memory_space<vmem>>
      tpu.vector_store_idx %scatter3A_644[%iota3A, %and3A_404], %gather3A_641 : memref<16x30xf32, #tpu.memory_space<vmem>>[vector<16xi32>, vector<16xi32>], vector<16xf32>,
      %gather3A_645 = tpu.memref_slice %arg7[%mul3A_576] : memref<16384xf32, #tpu.memory_space<vmem>> -> memref<1024xf32, #tpu.memory_space<vmem>>
      %gather3A_646 = tpu.vector_load_idx %gather3A_645[%add3A_306] : memref<1024xf32, #tpu.memory_space<vmem>>[vector<16xi32>], vector<16xf32>,
      %scatter3A_647 = arith.constant 0 : i32
      %scatter3A_648 = tpu.memref_slice %arg8[%shift_right_arithmetic3A_577, %mul3A_581, %scatter3A_647] : memref<8x32x30xf32, #tpu.memory_space<vmem>> -> memref<1x16x30xf32, #tpu.memory_space<vmem>>
      %scatter3A_649 = tpu.memref_squeeze %scatter3A_648 : memref<1x16x30xf32, #tpu.memory_space<vmem>> -> memref<16x30xf32, #tpu.memory_space<vmem>>
      tpu.vector_store_idx %scatter3A_649[%iota3A, %and3A_410], %gather3A_646 : memref<16x30xf32, #tpu.memory_space<vmem>>[vector<16xi32>, vector<16xi32>], vector<16xf32>,
      %gather3A_650 = tpu.memref_slice %arg7[%mul3A_576] : memref<16384xf32, #tpu.memory_space<vmem>> -> memref<1024xf32, #tpu.memory_space<vmem>>
      %gather3A_651 = tpu.vector_load_idx %gather3A_650[%add3A_316] : memref<1024xf32, #tpu.memory_space<vmem>>[vector<16xi32>], vector<16xf32>,
      %scatter3A_652 = arith.constant 0 : i32
      %scatter3A_653 = tpu.memref_slice %arg8[%shift_right_arithmetic3A_577, %mul3A_581, %scatter3A_652] : memref<8x32x30xf32, #tpu.memory_space<vmem>> -> memref<1x16x30xf32, #tpu.memory_space<vmem>>
      %scatter3A_654 = tpu.memref_squeeze %scatter3A_653 : memref<1x16x30xf32, #tpu.memory_space<vmem>> -> memref<16x30xf32, #tpu.memory_space<vmem>>
      tpu.vector_store_idx %scatter3A_654[%iota3A, %and3A_416], %gather3A_651 : memref<16x30xf32, #tpu.memory_space<vmem>>[vector<16xi32>, vector<16xi32>], vector<16xf32>,
      %gather3A_655 = tpu.memref_slice %arg7[%mul3A_576] : memref<16384xf32, #tpu.memory_space<vmem>> -> memref<1024xf32, #tpu.memory_space<vmem>>
      %gather3A_656 = tpu.vector_load_idx %gather3A_655[%add3A_326] : memref<1024xf32, #tpu.memory_space<vmem>>[vector<16xi32>], vector<16xf32>,
      %scatter3A_657 = arith.constant 0 : i32
      %scatter3A_658 = tpu.memref_slice %arg8[%shift_right_arithmetic3A_577, %mul3A_581, %scatter3A_657] : memref<8x32x30xf32, #tpu.memory_space<vmem>> -> memref<1x16x30xf32, #tpu.memory_space<vmem>>
      %scatter3A_659 = tpu.memref_squeeze %scatter3A_658 : memref<1x16x30xf32, #tpu.memory_space<vmem>> -> memref<16x30xf32, #tpu.memory_space<vmem>>
      tpu.vector_store_idx %scatter3A_659[%iota3A, %and3A_422], %gather3A_656 : memref<16x30xf32, #tpu.memory_space<vmem>>[vector<16xi32>, vector<16xi32>], vector<16xf32>,
      %add3A_660 = arith.constant 256 : i32
      %add3A_661 = vector.broadcast %add3A_660 : i32 to vector<16xi32>
      %add3A_662 = arith.addi %add3A_176, %add3A_661 : vector<16xi32>
      %gather3A_663 = tpu.memref_slice %arg7[%mul3A_576] : memref<16384xf32, #tpu.memory_space<vmem>> -> memref<1024xf32, #tpu.memory_space<vmem>>
      %gather3A_664 = tpu.vector_load_idx %gather3A_663[%add3A_662] : memref<1024xf32, #tpu.memory_space<vmem>>[vector<16xi32>], vector<16xf32>,
      %add3A_665 = arith.constant 16 : i32
      %add3A_666 = vector.broadcast %add3A_665 : i32 to vector<16xi32>
      %add3A_667 = arith.addi %and3A_332, %add3A_666 : vector<16xi32>
      %scatter3A_668 = arith.constant 0 : i32
      %scatter3A_669 = tpu.memref_slice %arg8[%shift_right_arithmetic3A_577, %mul3A_581, %scatter3A_668] : memref<8x32x30xf32, #tpu.memory_space<vmem>> -> memref<1x16x30xf32, #tpu.memory_space<vmem>>
      %scatter3A_670 = tpu.memref_squeeze %scatter3A_669 : memref<1x16x30xf32, #tpu.memory_space<vmem>> -> memref<16x30xf32, #tpu.memory_space<vmem>>
      tpu.vector_store_idx %scatter3A_670[%iota3A, %add3A_667], %gather3A_664 masked %le3A_430 : memref<16x30xf32, #tpu.memory_space<vmem>>[vector<16xi32>, vector<16xi32>], vector<16xf32>, vector<16xi1>
      %add3A_671 = arith.constant 256 : i32
      %add3A_672 = vector.broadcast %add3A_671 : i32 to vector<16xi32>
      %add3A_673 = arith.addi %add3A_186, %add3A_672 : vector<16xi32>
      %gather3A_674 = tpu.memref_slice %arg7[%mul3A_576] : memref<16384xf32, #tpu.memory_space<vmem>> -> memref<1024xf32, #tpu.memory_space<vmem>>
      %gather3A_675 = tpu.vector_load_idx %gather3A_674[%add3A_673] : memref<1024xf32, #tpu.memory_space<vmem>>[vector<16xi32>], vector<16xf32>,
      %add3A_676 = arith.constant 16 : i32
      %add3A_677 = vector.broadcast %add3A_676 : i32 to vector<16xi32>
      %add3A_678 = arith.addi %and3A_338, %add3A_677 : vector<16xi32>
      %scatter3A_679 = arith.constant 0 : i32
      %scatter3A_680 = tpu.memref_slice %arg8[%shift_right_arithmetic3A_577, %mul3A_581, %scatter3A_679] : memref<8x32x30xf32, #tpu.memory_space<vmem>> -> memref<1x16x30xf32, #tpu.memory_space<vmem>>
      %scatter3A_681 = tpu.memref_squeeze %scatter3A_680 : memref<1x16x30xf32, #tpu.memory_space<vmem>> -> memref<16x30xf32, #tpu.memory_space<vmem>>
      tpu.vector_store_idx %scatter3A_681[%iota3A, %add3A_678], %gather3A_675 masked %le3A_439 : memref<16x30xf32, #tpu.memory_space<vmem>>[vector<16xi32>, vector<16xi32>], vector<16xf32>, vector<16xi1>
      %add3A_682 = arith.constant 256 : i32
      %add3A_683 = vector.broadcast %add3A_682 : i32 to vector<16xi32>
      %add3A_684 = arith.addi %add3A_196, %add3A_683 : vector<16xi32>
      %gather3A_685 = tpu.memref_slice %arg7[%mul3A_576] : memref<16384xf32, #tpu.memory_space<vmem>> -> memref<1024xf32, #tpu.memory_space<vmem>>
      %gather3A_686 = tpu.vector_load_idx %gather3A_685[%add3A_684] : memref<1024xf32, #tpu.memory_space<vmem>>[vector<16xi32>], vector<16xf32>,
      %add3A_687 = arith.constant 16 : i32
      %add3A_688 = vector.broadcast %add3A_687 : i32 to vector<16xi32>
      %add3A_689 = arith.addi %and3A_344, %add3A_688 : vector<16xi32>
      %scatter3A_690 = arith.constant 0 : i32
      %scatter3A_691 = tpu.memref_slice %arg8[%shift_right_arithmetic3A_577, %mul3A_581, %scatter3A_690] : memref<8x32x30xf32, #tpu.memory_space<vmem>> -> memref<1x16x30xf32, #tpu.memory_space<vmem>>
      %scatter3A_692 = tpu.memref_squeeze %scatter3A_691 : memref<1x16x30xf32, #tpu.memory_space<vmem>> -> memref<16x30xf32, #tpu.memory_space<vmem>>
      tpu.vector_store_idx %scatter3A_692[%iota3A, %add3A_689], %gather3A_686 masked %le3A_448 : memref<16x30xf32, #tpu.memory_space<vmem>>[vector<16xi32>, vector<16xi32>], vector<16xf32>, vector<16xi1>
      %add3A_693 = arith.constant 256 : i32
      %add3A_694 = vector.broadcast %add3A_693 : i32 to vector<16xi32>
      %add3A_695 = arith.addi %add3A_206, %add3A_694 : vector<16xi32>
      %gather3A_696 = tpu.memref_slice %arg7[%mul3A_576] : memref<16384xf32, #tpu.memory_space<vmem>> -> memref<1024xf32, #tpu.memory_space<vmem>>
      %gather3A_697 = tpu.vector_load_idx %gather3A_696[%add3A_695] : memref<1024xf32, #tpu.memory_space<vmem>>[vector<16xi32>], vector<16xf32>,
      %add3A_698 = arith.constant 16 : i32
      %add3A_699 = vector.broadcast %add3A_698 : i32 to vector<16xi32>
      %add3A_700 = arith.addi %and3A_350, %add3A_699 : vector<16xi32>
      %scatter3A_701 = arith.constant 0 : i32
      %scatter3A_702 = tpu.memref_slice %arg8[%shift_right_arithmetic3A_577, %mul3A_581, %scatter3A_701] : memref<8x32x30xf32, #tpu.memory_space<vmem>> -> memref<1x16x30xf32, #tpu.memory_space<vmem>>
      %scatter3A_703 = tpu.memref_squeeze %scatter3A_702 : memref<1x16x30xf32, #tpu.memory_space<vmem>> -> memref<16x30xf32, #tpu.memory_space<vmem>>
      tpu.vector_store_idx %scatter3A_703[%iota3A, %add3A_700], %gather3A_697 masked %le3A_457 : memref<16x30xf32, #tpu.memory_space<vmem>>[vector<16xi32>, vector<16xi32>], vector<16xf32>, vector<16xi1>
      %add3A_704 = arith.constant 256 : i32
      %add3A_705 = vector.broadcast %add3A_704 : i32 to vector<16xi32>
      %add3A_706 = arith.addi %add3A_216, %add3A_705 : vector<16xi32>
      %gather3A_707 = tpu.memref_slice %arg7[%mul3A_576] : memref<16384xf32, #tpu.memory_space<vmem>> -> memref<1024xf32, #tpu.memory_space<vmem>>
      %gather3A_708 = tpu.vector_load_idx %gather3A_707[%add3A_706] : memref<1024xf32, #tpu.memory_space<vmem>>[vector<16xi32>], vector<16xf32>,
      %add3A_709 = arith.constant 16 : i32
      %add3A_710 = vector.broadcast %add3A_709 : i32 to vector<16xi32>
      %add3A_711 = arith.addi %and3A_356, %add3A_710 : vector<16xi32>
      %scatter3A_712 = arith.constant 0 : i32
      %scatter3A_713 = tpu.memref_slice %arg8[%shift_right_arithmetic3A_577, %mul3A_581, %scatter3A_712] : memref<8x32x30xf32, #tpu.memory_space<vmem>> -> memref<1x16x30xf32, #tpu.memory_space<vmem>>
      %scatter3A_714 = tpu.memref_squeeze %scatter3A_713 : memref<1x16x30xf32, #tpu.memory_space<vmem>> -> memref<16x30xf32, #tpu.memory_space<vmem>>
      tpu.vector_store_idx %scatter3A_714[%iota3A, %add3A_711], %gather3A_708 masked %le3A_466 : memref<16x30xf32, #tpu.memory_space<vmem>>[vector<16xi32>, vector<16xi32>], vector<16xf32>, vector<16xi1>
      %add3A_715 = arith.constant 256 : i32
      %add3A_716 = vector.broadcast %add3A_715 : i32 to vector<16xi32>
      %add3A_717 = arith.addi %add3A_226, %add3A_716 : vector<16xi32>
      %gather3A_718 = tpu.memref_slice %arg7[%mul3A_576] : memref<16384xf32, #tpu.memory_space<vmem>> -> memref<1024xf32, #tpu.memory_space<vmem>>
      %gather3A_719 = tpu.vector_load_idx %gather3A_718[%add3A_717] : memref<1024xf32, #tpu.memory_space<vmem>>[vector<16xi32>], vector<16xf32>,
      %add3A_720 = arith.constant 16 : i32
      %add3A_721 = vector.broadcast %add3A_720 : i32 to vector<16xi32>
      %add3A_722 = arith.addi %and3A_362, %add3A_721 : vector<16xi32>
      %scatter3A_723 = arith.constant 0 : i32
      %scatter3A_724 = tpu.memref_slice %arg8[%shift_right_arithmetic3A_577, %mul3A_581, %scatter3A_723] : memref<8x32x30xf32, #tpu.memory_space<vmem>> -> memref<1x16x30xf32, #tpu.memory_space<vmem>>
      %scatter3A_725 = tpu.memref_squeeze %scatter3A_724 : memref<1x16x30xf32, #tpu.memory_space<vmem>> -> memref<16x30xf32, #tpu.memory_space<vmem>>
      tpu.vector_store_idx %scatter3A_725[%iota3A, %add3A_722], %gather3A_719 masked %le3A_475 : memref<16x30xf32, #tpu.memory_space<vmem>>[vector<16xi32>, vector<16xi32>], vector<16xf32>, vector<16xi1>
      %add3A_726 = arith.constant 256 : i32
      %add3A_727 = vector.broadcast %add3A_726 : i32 to vector<16xi32>
      %add3A_728 = arith.addi %add3A_236, %add3A_727 : vector<16xi32>
      %gather3A_729 = tpu.memref_slice %arg7[%mul3A_576] : memref<16384xf32, #tpu.memory_space<vmem>> -> memref<1024xf32, #tpu.memory_space<vmem>>
      %gather3A_730 = tpu.vector_load_idx %gather3A_729[%add3A_728] : memref<1024xf32, #tpu.memory_space<vmem>>[vector<16xi32>], vector<16xf32>,
      %add3A_731 = arith.constant 16 : i32
      %add3A_732 = vector.broadcast %add3A_731 : i32 to vector<16xi32>
      %add3A_733 = arith.addi %and3A_368, %add3A_732 : vector<16xi32>
      %scatter3A_734 = arith.constant 0 : i32
      %scatter3A_735 = tpu.memref_slice %arg8[%shift_right_arithmetic3A_577, %mul3A_581, %scatter3A_734] : memref<8x32x30xf32, #tpu.memory_space<vmem>> -> memref<1x16x30xf32, #tpu.memory_space<vmem>>
      %scatter3A_736 = tpu.memref_squeeze %scatter3A_735 : memref<1x16x30xf32, #tpu.memory_space<vmem>> -> memref<16x30xf32, #tpu.memory_space<vmem>>
      tpu.vector_store_idx %scatter3A_736[%iota3A, %add3A_733], %gather3A_730 masked %le3A_484 : memref<16x30xf32, #tpu.memory_space<vmem>>[vector<16xi32>, vector<16xi32>], vector<16xf32>, vector<16xi1>
      %add3A_737 = arith.constant 256 : i32
      %add3A_738 = vector.broadcast %add3A_737 : i32 to vector<16xi32>
      %add3A_739 = arith.addi %add3A_246, %add3A_738 : vector<16xi32>
      %gather3A_740 = tpu.memref_slice %arg7[%mul3A_576] : memref<16384xf32, #tpu.memory_space<vmem>> -> memref<1024xf32, #tpu.memory_space<vmem>>
      %gather3A_741 = tpu.vector_load_idx %gather3A_740[%add3A_739] : memref<1024xf32, #tpu.memory_space<vmem>>[vector<16xi32>], vector<16xf32>,
      %add3A_742 = arith.constant 16 : i32
      %add3A_743 = vector.broadcast %add3A_742 : i32 to vector<16xi32>
      %add3A_744 = arith.addi %and3A_374, %add3A_743 : vector<16xi32>
      %scatter3A_745 = arith.constant 0 : i32
      %scatter3A_746 = tpu.memref_slice %arg8[%shift_right_arithmetic3A_577, %mul3A_581, %scatter3A_745] : memref<8x32x30xf32, #tpu.memory_space<vmem>> -> memref<1x16x30xf32, #tpu.memory_space<vmem>>
      %scatter3A_747 = tpu.memref_squeeze %scatter3A_746 : memref<1x16x30xf32, #tpu.memory_space<vmem>> -> memref<16x30xf32, #tpu.memory_space<vmem>>
      tpu.vector_store_idx %scatter3A_747[%iota3A, %add3A_744], %gather3A_741 masked %le3A_493 : memref<16x30xf32, #tpu.memory_space<vmem>>[vector<16xi32>, vector<16xi32>], vector<16xf32>, vector<16xi1>
      %add3A_748 = arith.constant 256 : i32
      %add3A_749 = vector.broadcast %add3A_748 : i32 to vector<16xi32>
      %add3A_750 = arith.addi %add3A_256, %add3A_749 : vector<16xi32>
      %gather3A_751 = tpu.memref_slice %arg7[%mul3A_576] : memref<16384xf32, #tpu.memory_space<vmem>> -> memref<1024xf32, #tpu.memory_space<vmem>>
      %gather3A_752 = tpu.vector_load_idx %gather3A_751[%add3A_750] : memref<1024xf32, #tpu.memory_space<vmem>>[vector<16xi32>], vector<16xf32>,
      %add3A_753 = arith.constant 16 : i32
      %add3A_754 = vector.broadcast %add3A_753 : i32 to vector<16xi32>
      %add3A_755 = arith.addi %and3A_380, %add3A_754 : vector<16xi32>
      %scatter3A_756 = arith.constant 0 : i32
      %scatter3A_757 = tpu.memref_slice %arg8[%shift_right_arithmetic3A_577, %mul3A_581, %scatter3A_756] : memref<8x32x30xf32, #tpu.memory_space<vmem>> -> memref<1x16x30xf32, #tpu.memory_space<vmem>>
      %scatter3A_758 = tpu.memref_squeeze %scatter3A_757 : memref<1x16x30xf32, #tpu.memory_space<vmem>> -> memref<16x30xf32, #tpu.memory_space<vmem>>
      tpu.vector_store_idx %scatter3A_758[%iota3A, %add3A_755], %gather3A_752 masked %le3A_502 : memref<16x30xf32, #tpu.memory_space<vmem>>[vector<16xi32>, vector<16xi32>], vector<16xf32>, vector<16xi1>
      %add3A_759 = arith.constant 256 : i32
      %add3A_760 = vector.broadcast %add3A_759 : i32 to vector<16xi32>
      %add3A_761 = arith.addi %add3A_266, %add3A_760 : vector<16xi32>
      %gather3A_762 = tpu.memref_slice %arg7[%mul3A_576] : memref<16384xf32, #tpu.memory_space<vmem>> -> memref<1024xf32, #tpu.memory_space<vmem>>
      %gather3A_763 = tpu.vector_load_idx %gather3A_762[%add3A_761] : memref<1024xf32, #tpu.memory_space<vmem>>[vector<16xi32>], vector<16xf32>,
      %add3A_764 = arith.constant 16 : i32
      %add3A_765 = vector.broadcast %add3A_764 : i32 to vector<16xi32>
      %add3A_766 = arith.addi %and3A_386, %add3A_765 : vector<16xi32>
      %scatter3A_767 = arith.constant 0 : i32
      %scatter3A_768 = tpu.memref_slice %arg8[%shift_right_arithmetic3A_577, %mul3A_581, %scatter3A_767] : memref<8x32x30xf32, #tpu.memory_space<vmem>> -> memref<1x16x30xf32, #tpu.memory_space<vmem>>
      %scatter3A_769 = tpu.memref_squeeze %scatter3A_768 : memref<1x16x30xf32, #tpu.memory_space<vmem>> -> memref<16x30xf32, #tpu.memory_space<vmem>>
      tpu.vector_store_idx %scatter3A_769[%iota3A, %add3A_766], %gather3A_763 masked %le3A_511 : memref<16x30xf32, #tpu.memory_space<vmem>>[vector<16xi32>, vector<16xi32>], vector<16xf32>, vector<16xi1>
      %add3A_770 = arith.constant 256 : i32
      %add3A_771 = vector.broadcast %add3A_770 : i32 to vector<16xi32>
      %add3A_772 = arith.addi %add3A_276, %add3A_771 : vector<16xi32>
      %gather3A_773 = tpu.memref_slice %arg7[%mul3A_576] : memref<16384xf32, #tpu.memory_space<vmem>> -> memref<1024xf32, #tpu.memory_space<vmem>>
      %gather3A_774 = tpu.vector_load_idx %gather3A_773[%add3A_772] : memref<1024xf32, #tpu.memory_space<vmem>>[vector<16xi32>], vector<16xf32>,
      %add3A_775 = arith.constant 16 : i32
      %add3A_776 = vector.broadcast %add3A_775 : i32 to vector<16xi32>
      %add3A_777 = arith.addi %and3A_392, %add3A_776 : vector<16xi32>
      %scatter3A_778 = arith.constant 0 : i32
      %scatter3A_779 = tpu.memref_slice %arg8[%shift_right_arithmetic3A_577, %mul3A_581, %scatter3A_778] : memref<8x32x30xf32, #tpu.memory_space<vmem>> -> memref<1x16x30xf32, #tpu.memory_space<vmem>>
      %scatter3A_780 = tpu.memref_squeeze %scatter3A_779 : memref<1x16x30xf32, #tpu.memory_space<vmem>> -> memref<16x30xf32, #tpu.memory_space<vmem>>
      tpu.vector_store_idx %scatter3A_780[%iota3A, %add3A_777], %gather3A_774 masked %le3A_520 : memref<16x30xf32, #tpu.memory_space<vmem>>[vector<16xi32>, vector<16xi32>], vector<16xf32>, vector<16xi1>
      %add3A_781 = arith.constant 256 : i32
      %add3A_782 = vector.broadcast %add3A_781 : i32 to vector<16xi32>
      %add3A_783 = arith.addi %add3A_286, %add3A_782 : vector<16xi32>
      %gather3A_784 = tpu.memref_slice %arg7[%mul3A_576] : memref<16384xf32, #tpu.memory_space<vmem>> -> memref<1024xf32, #tpu.memory_space<vmem>>
      %gather3A_785 = tpu.vector_load_idx %gather3A_784[%add3A_783] : memref<1024xf32, #tpu.memory_space<vmem>>[vector<16xi32>], vector<16xf32>,
      %add3A_786 = arith.constant 16 : i32
      %add3A_787 = vector.broadcast %add3A_786 : i32 to vector<16xi32>
      %add3A_788 = arith.addi %and3A_398, %add3A_787 : vector<16xi32>
      %scatter3A_789 = arith.constant 0 : i32
      %scatter3A_790 = tpu.memref_slice %arg8[%shift_right_arithmetic3A_577, %mul3A_581, %scatter3A_789] : memref<8x32x30xf32, #tpu.memory_space<vmem>> -> memref<1x16x30xf32, #tpu.memory_space<vmem>>
      %scatter3A_791 = tpu.memref_squeeze %scatter3A_790 : memref<1x16x30xf32, #tpu.memory_space<vmem>> -> memref<16x30xf32, #tpu.memory_space<vmem>>
      tpu.vector_store_idx %scatter3A_791[%iota3A, %add3A_788], %gather3A_785 masked %le3A_529 : memref<16x30xf32, #tpu.memory_space<vmem>>[vector<16xi32>, vector<16xi32>], vector<16xf32>, vector<16xi1>
      %add3A_792 = arith.constant 256 : i32
      %add3A_793 = vector.broadcast %add3A_792 : i32 to vector<16xi32>
      %add3A_794 = arith.addi %add3A_296, %add3A_793 : vector<16xi32>
      %gather3A_795 = tpu.memref_slice %arg7[%mul3A_576] : memref<16384xf32, #tpu.memory_space<vmem>> -> memref<1024xf32, #tpu.memory_space<vmem>>
      %gather3A_796 = tpu.vector_load_idx %gather3A_795[%add3A_794] : memref<1024xf32, #tpu.memory_space<vmem>>[vector<16xi32>], vector<16xf32>,
      %add3A_797 = arith.constant 16 : i32
      %add3A_798 = vector.broadcast %add3A_797 : i32 to vector<16xi32>
      %add3A_799 = arith.addi %and3A_404, %add3A_798 : vector<16xi32>
      %scatter3A_800 = arith.constant 0 : i32
      %scatter3A_801 = tpu.memref_slice %arg8[%shift_right_arithmetic3A_577, %mul3A_581, %scatter3A_800] : memref<8x32x30xf32, #tpu.memory_space<vmem>> -> memref<1x16x30xf32, #tpu.memory_space<vmem>>
      %scatter3A_802 = tpu.memref_squeeze %scatter3A_801 : memref<1x16x30xf32, #tpu.memory_space<vmem>> -> memref<16x30xf32, #tpu.memory_space<vmem>>
      tpu.vector_store_idx %scatter3A_802[%iota3A, %add3A_799], %gather3A_796 masked %le3A_538 : memref<16x30xf32, #tpu.memory_space<vmem>>[vector<16xi32>, vector<16xi32>], vector<16xf32>, vector<16xi1>
      %add3A_803 = arith.constant 256 : i32
      %add3A_804 = vector.broadcast %add3A_803 : i32 to vector<16xi32>
      %add3A_805 = arith.addi %add3A_306, %add3A_804 : vector<16xi32>
      %gather3A_806 = tpu.memref_slice %arg7[%mul3A_576] : memref<16384xf32, #tpu.memory_space<vmem>> -> memref<1024xf32, #tpu.memory_space<vmem>>
      %gather3A_807 = tpu.vector_load_idx %gather3A_806[%add3A_805] : memref<1024xf32, #tpu.memory_space<vmem>>[vector<16xi32>], vector<16xf32>,
      %add3A_808 = arith.constant 16 : i32
      %add3A_809 = vector.broadcast %add3A_808 : i32 to vector<16xi32>
      %add3A_810 = arith.addi %and3A_410, %add3A_809 : vector<16xi32>
      %scatter3A_811 = arith.constant 0 : i32
      %scatter3A_812 = tpu.memref_slice %arg8[%shift_right_arithmetic3A_577, %mul3A_581, %scatter3A_811] : memref<8x32x30xf32, #tpu.memory_space<vmem>> -> memref<1x16x30xf32, #tpu.memory_space<vmem>>
      %scatter3A_813 = tpu.memref_squeeze %scatter3A_812 : memref<1x16x30xf32, #tpu.memory_space<vmem>> -> memref<16x30xf32, #tpu.memory_space<vmem>>
      tpu.vector_store_idx %scatter3A_813[%iota3A, %add3A_810], %gather3A_807 masked %le3A_547 : memref<16x30xf32, #tpu.memory_space<vmem>>[vector<16xi32>, vector<16xi32>], vector<16xf32>, vector<16xi1>
      %add3A_814 = arith.constant 256 : i32
      %add3A_815 = vector.broadcast %add3A_814 : i32 to vector<16xi32>
      %add3A_816 = arith.addi %add3A_316, %add3A_815 : vector<16xi32>
      %gather3A_817 = tpu.memref_slice %arg7[%mul3A_576] : memref<16384xf32, #tpu.memory_space<vmem>> -> memref<1024xf32, #tpu.memory_space<vmem>>
      %gather3A_818 = tpu.vector_load_idx %gather3A_817[%add3A_816] : memref<1024xf32, #tpu.memory_space<vmem>>[vector<16xi32>], vector<16xf32>,
      %add3A_819 = arith.constant 16 : i32
      %add3A_820 = vector.broadcast %add3A_819 : i32 to vector<16xi32>
      %add3A_821 = arith.addi %and3A_416, %add3A_820 : vector<16xi32>
      %scatter3A_822 = arith.constant 0 : i32
      %scatter3A_823 = tpu.memref_slice %arg8[%shift_right_arithmetic3A_577, %mul3A_581, %scatter3A_822] : memref<8x32x30xf32, #tpu.memory_space<vmem>> -> memref<1x16x30xf32, #tpu.memory_space<vmem>>
      %scatter3A_824 = tpu.memref_squeeze %scatter3A_823 : memref<1x16x30xf32, #tpu.memory_space<vmem>> -> memref<16x30xf32, #tpu.memory_space<vmem>>
      tpu.vector_store_idx %scatter3A_824[%iota3A, %add3A_821], %gather3A_818 masked %le3A_556 : memref<16x30xf32, #tpu.memory_space<vmem>>[vector<16xi32>, vector<16xi32>], vector<16xf32>, vector<16xi1>
      %add3A_825 = arith.constant 256 : i32
      %add3A_826 = vector.broadcast %add3A_825 : i32 to vector<16xi32>
      %add3A_827 = arith.addi %add3A_326, %add3A_826 : vector<16xi32>
      %gather3A_828 = tpu.memref_slice %arg7[%mul3A_576] : memref<16384xf32, #tpu.memory_space<vmem>> -> memref<1024xf32, #tpu.memory_space<vmem>>
      %gather3A_829 = tpu.vector_load_idx %gather3A_828[%add3A_827] : memref<1024xf32, #tpu.memory_space<vmem>>[vector<16xi32>], vector<16xf32>,
      %add3A_830 = arith.constant 16 : i32
      %add3A_831 = vector.broadcast %add3A_830 : i32 to vector<16xi32>
      %add3A_832 = arith.addi %and3A_422, %add3A_831 : vector<16xi32>
      %scatter3A_833 = arith.constant 0 : i32
      %scatter3A_834 = tpu.memref_slice %arg8[%shift_right_arithmetic3A_577, %mul3A_581, %scatter3A_833] : memref<8x32x30xf32, #tpu.memory_space<vmem>> -> memref<1x16x30xf32, #tpu.memory_space<vmem>>
      %scatter3A_835 = tpu.memref_squeeze %scatter3A_834 : memref<1x16x30xf32, #tpu.memory_space<vmem>> -> memref<16x30xf32, #tpu.memory_space<vmem>>
      tpu.vector_store_idx %scatter3A_835[%iota3A, %add3A_832], %gather3A_829 masked %le3A_565 : memref<16x30xf32, #tpu.memory_space<vmem>>[vector<16xi32>, vector<16xi32>], vector<16xf32>, vector<16xi1>
      %scan3A_836 = arith.constant 0 : i32
      scf.yield %scan3A_836 : i32
    }
    %scan3A_572 = arith.constant 16 : i32
    "tpu.region"() ({
      %run_scoped3A = tpu.sem_alloc : memref<!tpu.dma_semaphore, #tpu.memory_space<semaphore_mem>>
      %dma_start3A_573 = arith.constant 0 : i32
      %dma_start3A_574 = arith.constant 0 : i32
      %dma_start3A_575 = arith.constant 0 : i32
      %dma_start3A_576 = tpu.memref_slice %arg5[%add3A, %dma_start3A_573, %dma_start3A_574, %dma_start3A_575] : memref<32x8x32x30xf32, #tpu.memory_space<hbm>> -> memref<1x8x32x30xf32, #tpu.memory_space<hbm>>
      %dma_start3A_577 = tpu.memref_squeeze %dma_start3A_576 : memref<1x8x32x30xf32, #tpu.memory_space<hbm>> -> memref<8x32x30xf32, #tpu.memory_space<hbm>>
      %dma_start3A_578 = arith.constant 0 : i32
      %dma_start3A_579 = arith.constant 0 : i32
      %dma_start3A_580 = arith.constant 0 : i32
      %dma_start3A_581 = tpu.memref_slice %arg5[%add3A, %dma_start3A_578, %dma_start3A_579, %dma_start3A_580] : memref<32x8x32x30xf32, #tpu.memory_space<hbm>> -> memref<1x8x32x30xf32, #tpu.memory_space<hbm>>
      %dma_start3A_582 = tpu.memref_squeeze %dma_start3A_581 : memref<1x8x32x30xf32, #tpu.memory_space<hbm>> -> memref<8x32x30xf32, #tpu.memory_space<hbm>>
      tpu.enqueue_dma source(%arg8 : memref<8x32x30xf32, #tpu.memory_space<vmem>>) target(%dma_start3A_582 : memref<8x32x30xf32, #tpu.memory_space<hbm>>) target_semaphore(%run_scoped3A : memref<!tpu.dma_semaphore, #tpu.memory_space<semaphore_mem>>)
      %dma_wait3A = arith.constant 0 : i32
      %dma_wait3A_583 = arith.constant 0 : i32
      %dma_wait3A_584 = arith.constant 0 : i32
      %dma_wait3A_585 = tpu.memref_slice %arg5[%add3A, %dma_wait3A, %dma_wait3A_583, %dma_wait3A_584] : memref<32x8x32x30xf32, #tpu.memory_space<hbm>> -> memref<1x8x32x30xf32, #tpu.memory_space<hbm>>
      %dma_wait3A_586 = tpu.memref_squeeze %dma_wait3A_585 : memref<1x8x32x30xf32, #tpu.memory_space<hbm>> -> memref<8x32x30xf32, #tpu.memory_space<hbm>>
      %dma_wait3A_587 = arith.constant 0 : i32
      %dma_wait3A_588 = arith.constant 0 : i32
      %dma_wait3A_589 = arith.constant 0 : i32
      %dma_wait3A_590 = tpu.memref_slice %arg5[%add3A, %dma_wait3A_587, %dma_wait3A_588, %dma_wait3A_589] : memref<32x8x32x30xf32, #tpu.memory_space<hbm>> -> memref<1x8x32x30xf32, #tpu.memory_space<hbm>>
      %dma_wait3A_591 = tpu.memref_squeeze %dma_wait3A_590 : memref<1x8x32x30xf32, #tpu.memory_space<hbm>> -> memref<8x32x30xf32, #tpu.memory_space<hbm>>
      tpu.wait_dma2 semaphore(%run_scoped3A : memref<!tpu.dma_semaphore, #tpu.memory_space<semaphore_mem>>) src(%arg8 : memref<8x32x30xf32, #tpu.memory_space<vmem>>) dst(%dma_wait3A_591 : memref<8x32x30xf32, #tpu.memory_space<hbm>>)
      tpu.yield
    }) : () -> ()
    return
  }
}

</mosaic_0001>

<sc_bundles>
// kernel: kernel.3.cloned.1.call-start
scs
__scs_entry_jumppad:
0x0: {  	(pc) =	sbr.rel $0x88, $3  }
0x1: {  	(tag) =	ssettag $0x0;
	lr =	simm.s32 $0x1  }
0x2: {  	[smem:$0x3F9E] =	sst lr;
	_ =	strace $0xD0000000  }
0x3: {  	_ = 	snop  }
0x4: {  	_ = 	snop  }
0x5: {  	_ = 	snop  }
0x6: {  	_ = 	snop  }
0x7: {  	_ = 	snop  }
__scs_overlays_trampoline_lowered:
0x8: {  	[smem:$0x3FAD] =	sst s0  }
0x9: {  	[smem:$0x3FAE] =	sst s1  }
0xa: {  	[smem:$0x3FAF] =	sst s2  }
0xb: {  	[smem:$0x3FB0] =	sst s3  }
0xc: {  	[smem:$0x3FB1] =	sst s4  }
0xd: {  	[smem:$0x3FB2] =	sst s5  }
0xe: {  	[smem:$0x3FB3] =	sst s6  }
0xf: {  	[smem:$0x3FB4] =	sst s7  }
0x10: {  	[smem:$0x3FB5] =	sst s8  }
0x11: {  	[smem:$0x3FB6] =	sst s9;
	s0 =	simm.s32 @!p0 $0x0  }
0x12: {  	s1 =	sld [smem:$0x3F9C];
	s0 =	simm.s32 @p0 $0x1  }
0x13: {  	[smem:$0x3FB7] =	sst s0;
	s0 =	simm.s32 @!p1 $0x0  }
0x14: {  	s2 =	sld [smem:$0x3F9B];
	s0 =	simm.s32 @p1 $0x1  }
0x15: {  	[smem:$0x3FB8] =	sst s0;
	s0 =	simm.s32 @!p2 $0x0  }
0x16: {  	s3 =	sld [smem:$0x3FDB];
	s0 =	simm.s32 @p2 $0x1  }
0x17: {  	s4 =	simm.s32 $0x1BF5;
	[smem:$0x3FBA] =	sst s0  }
0x18: {  	s0 =	sld [smem:$0x3F9D];
	_ =	swait.ge [sflag:s4], $0x0  }
0x19: {  	s7 =	sld [smem:$0x3F9E]  }
0x1a: {  	s8 =	sadd.s32 $0xFFFFE003, lr  }
0x1b: {  	s9 =	sadd.s32 $0xFFFFFEF7, lr;
	s5 =	simm.s32 $0xFFFFFFFF;
	p2 =	slt.u32 s8, $0xFFFFF086  }
0x1c: {  	p1 =	slt.u32 s9, $0xF7A;
	s5 =	simm.s32 @!p2 $0x0  }
0x1d: {  	s5 =	simm.s32 @p1 $0x1;
	p0 =	seq.s32 s7, s2  }
0x1e: {  	s7 =	smul.u32 @!p0 $0xF7A, s2;
	p2 =	seq.s32 @!p0 s5, $0x0  }
0x1f: {  	s9 =	smul.u32 $0xF7A, s1;
	s8 =	simm.s32 @!p0 $0x1BF5;
	p2 =	por !p2, p0  }
0x20: {  	[sflag:s8] =	ssyncset.s32 @!p0 $0xFFFFF086;
	s6 =	sadd.s32 @!p0 s3, s7;
	s7 =	simm.s32 @!p0 $0x108  }
0x21: {  	s3 =	sadd.s32 s3, s9;
	s6 =	sadd.s32 @!p0 $0x88, s6;
	s7 =	simm.s32 @p2 $0x1082  }
0x22: {  	[simem:s7], [sflag:s8] =	dma.local @!p0 [hbm:s6], $0xF7A  }
0x23: {  	s9 =	sor.u32 $0xD0000000, s2;
	s6 =	simm.s32 $0x108;
	_ =	swait.ge @!p0 [sflag:s8], $0x0  }
0x24: {  	s3 =	sadd.s32 $0x88, s3;
	s6 =	simm.s32 @!p1 $0x1082;
	[sflag:s4] =	ssyncset.s32 $0xFFFFF086  }
0x25: {  	[simem:s6], [sflag:s4] =	dma.local [hbm:s3], $0xF7A  }
0x26: {  	[smem:$0x3F9E] =	sst s1;
	(tag) =	ssettag s2;
	_ =	strace s9  }
0x27: {  	s1 =	sld [smem:$0x3FAE]  }
0x28: {  	s2 =	sld [smem:$0x3FAF]  }
0x29: {  	s4 =	sld [smem:$0x3FB1]  }
0x2a: {  	p0 =	seq.s32 s5, $0x0;
	s5 =	sld [smem:$0x3FB2]  }
0x2b: {  	s6 =	sld [smem:$0x3FB3]  }
0x2c: {  	s7 =	sld [smem:$0x3FB4]  }
0x2d: {  	s3 =	simm.s32 $0x108;
	s8 =	sld [smem:$0x3FB5]  }
0x2e: {  	s3 =	simm.s32 @!p0 $0x1082;
	s9 =	sld [smem:$0x3FB6]  }
0x2f: {  	lr =	sadd.s32 s0, s3;
	s0 =	sld [smem:$0x3FAD]  }
0x30: {  	s3 =	sld [smem:$0x3FB0]  }
0x31: {  	[smem:$0x3FB9] =	sst s10  }
0x32: {  	s10 =	sld [smem:$0x3FB7];
	_ =	sdelay $0x3  }
0x33: {  	p0 =	seq.s32 s10, $0x1;
	s10 =	sld [smem:$0x3FB9];
	_ =	sdelay $0x3  }
0x34: {  	[smem:$0x3FB9] =	sst s10  }
0x35: {  	s10 =	sld [smem:$0x3FB8];
	_ =	sdelay $0x3  }
0x36: {  	p1 =	seq.s32 s10, $0x1;
	s10 =	sld [smem:$0x3FB9];
	_ =	sdelay $0x3  }
0x37: {  	[smem:$0x3FB9] =	sst s10  }
0x38: {  	s10 =	sld [smem:$0x3FBA]  }
0x39: {  	_ = 	snop;
	(pc) =	sbr.ind lr, $3  }
0x3a: {  	_ = 	snop  }
0x3b: {  	_ = 	snop  }
0x3c: {  	p2 =	seq.s32 s10, $0x1;
	s10 =	sld [smem:$0x3FB9]  }
0x3d: {  	_ =	shalt  }
0x3e: {  	_ =	shalt  }
0x3f: {  	_ =	shalt  }
0x40: {  	_ =	shalt  }
0x41: {  	_ =	shalt  }
0x42: {  	_ =	shalt  }
0x43: {  	_ =	shalt  }
0x44: {  	_ =	shalt  }
0x45: {  	_ =	shalt  }
0x46: {  	_ =	shalt  }
0x47: {  	_ =	shalt  }
0x48: {  	_ =	shalt  }
0x49: {  	_ =	shalt  }
0x4a: {  	_ =	shalt  }
0x4b: {  	_ =	shalt  }
0x4c: {  	_ =	shalt  }
0x4d: {  	_ =	shalt  }
0x4e: {  	_ =	shalt  }
0x4f: {  	_ =	shalt  }
0x50: {  	_ =	shalt  }
0x51: {  	_ =	shalt  }
0x52: {  	_ =	shalt  }
0x53: {  	_ =	shalt  }
0x54: {  	_ =	shalt  }
0x55: {  	_ =	shalt  }
0x56: {  	_ =	shalt  }
0x57: {  	_ =	shalt  }
0x58: {  	_ =	shalt  }
0x59: {  	_ =	shalt  }
0x5a: {  	_ =	shalt  }
0x5b: {  	_ =	shalt  }
0x5c: {  	_ =	shalt  }
0x5d: {  	_ =	shalt  }
0x5e: {  	_ =	shalt  }
0x5f: {  	_ =	shalt  }
0x60: {  	_ =	shalt  }
0x61: {  	_ =	shalt  }
0x62: {  	_ =	shalt  }
0x63: {  	_ =	shalt  }
0x64: {  	_ =	shalt  }
0x65: {  	_ =	shalt  }
0x66: {  	_ =	shalt  }
0x67: {  	_ =	shalt  }
0x68: {  	_ =	shalt  }
0x69: {  	_ =	shalt  }
0x6a: {  	_ =	shalt  }
0x6b: {  	_ =	shalt  }
0x6c: {  	_ =	shalt  }
0x6d: {  	_ =	shalt  }
0x6e: {  	_ =	shalt  }
0x6f: {  	_ =	shalt  }
0x70: {  	_ =	shalt  }
0x71: {  	_ =	shalt  }
0x72: {  	_ =	shalt  }
0x73: {  	_ =	shalt  }
0x74: {  	_ =	shalt  }
0x75: {  	_ =	shalt  }
0x76: {  	_ =	shalt  }
0x77: {  	_ =	shalt  }
0x78: {  	_ =	shalt  }
0x79: {  	_ =	shalt  }
0x7a: {  	_ =	shalt  }
0x7b: {  	_ =	shalt  }
0x7c: {  	_ =	shalt  }
0x7d: {  	_ =	shalt  }
0x7e: {  	_ =	shalt  }
0x7f: {  	_ =	shalt  }
0x80: {  	_ =	shalt  }
0x81: {  	_ =	shalt  }
0x82: {  	_ =	shalt  }
0x83: {  	_ =	shalt  }
0x84: {  	_ =	shalt  }
0x85: {  	_ =	shalt  }
0x86: {  	_ =	shalt  }
0x87: {  	_ =	shalt  }
.Lfunc_end0:
.L_simem_size_0:
called_computation_lowered:
.L_overlay_start_0:
0x88: {  	s2 =	sld [smem:$0x3FD9]  }
0x89: {  	s3 =	sld [smem:$0x3FFE];
	_ =	sdelay $0x1  }
0x8a: {  	s1 =	srdreg.scid  }
0x8b: {  	s0 =	sand.u32 $0x1, s1  }
0x8c: {  	s17 =	sshll.u32 s0, $0xA;
	s2 =	sadd.s32 s3, s2  }
0x8d: {  	s2 =	sadd.s32 s2, s17  }
0x8e: {  	[smem:$0x3FC5] =	sst s2  }
0x8f: {  	_ = 	snop  }
0x90: {  	s2 =	sld [smem:$0x3FC9]  }
0x91: {  	s18 =	sld [smem:$0x3FC8]  }
0x92: {  	s4 =	sld [smem:$0x3FC7];
	(tm) =	ssettm $0x1  }
0x93: {  	s5 =	sld [smem:$0x3FFB];
	_ =	sdelay $0x3  }
0x94: {  	_ =	strace s5  }
0x95: {  	s5 =	sld [smem:$0x3FFC];
	_ =	sdelay $0x3  }
0x96: {  	_ =	strace s5  }
0x97: {  	s5 =	sld [smem:$0x3FFD];
	_ =	sdelay $0x3  }
0x98: {  	_ =	strace s5  }
0x99: {  	_ =	strace $0x8FFFFFFF  }
0x9a: {  	s19 =	sld [smem:$0x3FDB];
	_ =	sdelay $0x1  }
0x9b: {  	s6 =	simm.s32 $_scs_section_size  }
0x9c: {  	s7 =	simm.s32 $_size__tile_overlayer_lowered;
	s8 =	simm.s32 $_tile_overlayer_lowered  }
0x9d: {  	s22 =	simm.s32 $0x1BFF;
	s21 =	sshll.u32 s8, $0x1;
	s5 =	sadd.s32 s6, s19  }
0x9e: {  	s9 =	simm.s32 $0x0;
	s20 =	sshll.u32 s7, $0x1;
	s7 =	sadd.s32 s21, s5  }
0x9f: {  	[timem:s9], [sflag:s22] =	dma.local [hbm:s7], s20  }
0xa0: {  	_ =	swait.ge [sflag:s22], s20  }
0xa1: {  	s6 =	ssub.s32 $0x0, s20;
	[sflag:s22] =	ssyncset.done $0x0  }
0xa2: {  	[sflag:s22] =	ssyncadd.s32 s6;
	_ =	sdelay $0x1  }
0xa3: {  	s23 =	simm.s32 $0x1B8B  }
0xa4: {  	_ =	swait.ge [sflag:s23], $0x1  }
0xa5: {  	[sflag:s23] =	ssyncset.done $0x0  }
0xa6: {  	s25 =	simm.s32 $0x1B8E;
	s24 =	sld [smem:$0x3FFE];
	[sflag:s23] =	ssyncadd.s32 $0xFFFFFFFF  }
0xa7: {  	s26 =	simm.s32 $execute0_lowered;
	[smem:$0x3FD2] =	sst s25  }
0xa8: {  	s7 =	sshll.u32 s26, $0x1;
	_ =	strace $0x80000046;
	[dreg:$0x1] =	wrdreg $0xFFFFFFFF  }
0xa9: {  	s28 =	simm.s32 $_size_execute0_lowered;
	s5 =	sadd.s32 s5, s7;
	[dreg:$0x0] =	wrdreg $0x0  }
0xaa: {  	s7 =	sshll.u32 s28, $0x1;
	[dreg:$0x2] =	wrdreg s5  }
0xab: {  	[dreg:$0x3] =	wrdreg s7  }
0xac: {  	[dreg:$0x4] =	wrdreg $0xC0  }
0xad: {  	_ =	task [dreg:s9], $0x5FFFF  }
0xae: {  	[dreg:$0x1] =	wrdreg $0xFFFFFFFF  }
0xaf: {  	[dreg:$0x0] =	wrdreg $0x60  }
0xb0: {  	[dreg:$0x2] =	wrdreg s2  }
0xb1: {  	[dreg:$0x3] =	wrdreg s18  }
0xb2: {  	[dreg:$0x4] =	wrdreg s4  }
0xb3: {  	[dreg:$0x5] =	wrdreg s24  }
0xb4: {  	[dreg:$0x6] =	wrdreg $0x9  }
0xb5: {  	_ =	task.clear_ibuf [dreg:s9], $0x7FFFF;
	_ =	strace $0x90000046  }
0xb6: {  	s29 =	simm.s32 $0x9;
	_ =	strace $0x80000048  }
0xb7: {  	_ =	swait.ge [sflag:s29], $0x1  }
0xb8: {  	[sflag:s29] =	ssyncadd.s32 $0xFFFFFFFF  }
0xb9: {  	_ =	strace $0x90000048  }
0xba: {  	_ =	sfence  }
0xbb: {  	s30 =	sld [smem:$0x0];
	_ =	sdelay $0x2  }
0xbc: {  	s31 =	sshll.u32 s1, $0xD;
	s1 =	sshrl.u32 s1, $0x2  }
0xbd: {  	s3 =	sand.u32 $0x4000, s31;
	s1 =	sadd.s32 s1, s30  }
0xbe: {  	s0 =	sor.u32 s3, s0;
	s1 =	sshll.u32 s1, $0x11  }
0xbf: {  	s0 =	sor.u32 s1, s0  }
0xc0: {  	s0 =	sadd.s32 $0x8F2B, s0  }
0xc1: {  	[sflag:s0] =	ssyncadd.remote.s32 $0x1  }
0xc2: {  	_ =	sfence.sel $0xFFFF  }
0xc3: {  	[dreg:$0x0] =	wrdreg $0xFFFFFFFF;
	(pc) =	sbr.abs _section_cstart, $3  }
0xc4: {  	[dreg:$0x1] =	wrdreg $0xFFFFFFFF  }
0xc5: {  	_ =	task.clear_ibuf [dreg:s9], $0x2FFFF;
	_ =	strace $0x9FFFFFFF  }
0xc6: {  	(tm) =	ssettm $0x7FFFFFFF  }
0xc7: {  	_ =	shalt  }
tec
execute0_lowered:
.L_overlay_start_1:
0x0: {  	(tag) =	ssettag $0x1  }
0x1: {  	v0 =	vimm.s32 $0x1380  }
0x2: {  	vm0 =	vcmask $0x300;
	vm1 =	vcmask $0x704;
	vm2 =	vcmask $0xB08  }
0x3: {  	vm3 =	vcmask $0xF0C;
	vm4 =	vcmask $0x1310;
	vm5 =	vcmask $0x1714  }
0x4: {  	vm6 =	vcmask $0x1B18;
	vm7 =	vcmask $0x1F1C;
	vm8 =	vcmask $0x2320  }
0x5: {  	vm9 =	vcmask $0x2724;
	vm10 =	vcmask $0x2B28;
	vm11 =	vcmask $0x2F2C  }
0x6: {  	v1 =	vimm.s32 $0xFEDCBA9;
	vm12 =	vcmask $0x3330;
	v2 =	vimm.s32 $0x87654321  }
0x7: {  	vm13 =	vcmask $0x3734;
	v4 =	vimm.s32 $0x43322110;
	v9 =	vimm.s32 $0x1F0EFDEC  }
0x8: {  	vm14 =	vcmask $0x1F10;
	v11 =	vimm.s32 $0xFBEAD9C8;
	v12 =	vimm.s32 $0x3F2E1D0C  }
0x9: {  	v13 =	vimm.s32 $0x93827160;
	v14 =	vimm.s32 $0xD7C6B5A4;
	v48 =	vimm.s32 $0x6543210F  }
0xa: {  	v49 =	vimm.s32 $0xEDCBA987;
	v50 =	vimm.s32 $0xFEDCBA98;
	v57 =	vimm.s32 $0x781  }
0xb: {  	v61 =	vimm.s32 $0x782;
	v0 =	vsel vm0, $0x0, v0;
	v1 =	vunpack.c.l.s4.s8 v1  }
0xc: {  	v2 =	vunpack.c.l.s4.s8 v2;
	v4 =	vunpack.c.0.s8.s32 v4;
	v9 =	vunpack.c.0.s8.s32 v9  }
0xd: {  	v48 =	vunpack.c.l.s4.s8 v48;
	v49 =	vunpack.c.l.s4.s8 v49;
	v50 =	vunpack.c.l.s4.s8 v50  }
0xe: {  	v58 =	vsel vm0, $0x2, v57;
	v57 =	vimm.s32 $0x784;
	v0 =	vsel vm1, $0x80, v0  }
0xf: {  	v60 =	vsel vm1, $0x83, v58;
	v0 =	vsel vm2, $0x100, v0;
	v6 =	vunpack.c.0.s8.s32 v1  }
0x10: {  	v1 =	vimm.s32 $0x10FEDCBA;
	v7 =	vunpack.c.0.s8.s32 v2;
	v2 =	vimm.s32 $0xCBBAA998  }
0x11: {  	v48 =	vunpack.c.0.s8.s32 v48;
	v49 =	vunpack.c.0.s8.s32 v49;
	v0 =	vsel vm3, $0x180, v0  }
0x12: {  	v1 =	vunpack.c.l.s4.s8 v1;
	v3 =	vunpack.c.0.s8.s32 v2;
	v2 =	vimm.s32 $0xFFEEDDC  }
0x13: {  	v0 =	vsel vm4, $0x200, v0;
	v5 =	vunpack.c.0.s8.s32 v2;
	v53 =	vcombine.low v49, v48  }
0x14: {  	v2 =	vimm.s32 $0x87766554;
	v54 =	vcombine.low v6, v7;
	v56 =	vcombine.low v48, v49  }
0x15: {  	v0 =	vsel vm5, $0x280, v0;
	v8 =	vunpack.c.0.s8.s32 v2;
	v2 =	vimm.s32 $0xDBCAB9A8  }
0x16: {  	v0 =	vsel vm6, $0x300, v0;
	v10 =	vunpack.c.0.s8.s32 v2;
	v2 =	vimm.s32 $0x98765432  }
0x17: {  	v15 =	vsel vm14, v5, v3;
	v3 =	vimm.s32 $0x53423120;
	v5 =	vimm.s32 $0xEBDAC9B8  }
0x18: {  	v0 =	vsel vm7, $0x380, v0;
	v44 =	vsel vm14, v8, v4;
	v4 =	vimm.s32 $0x97867564  }
0x19: {  	v3 =	vunpack.c.0.s8.s32 v3;
	v5 =	vunpack.c.0.s8.s32 v5;
	v8 =	vimm.s32 $0x2F1E0DFC  }
0x1a: {  	v2 =	vunpack.c.l.s4.s8 v2;
	v0 =	vsel vm8, $0x1000, v0;
	v38 =	vsel vm14, v9, v10  }
0x1b: {  	v4 =	vunpack.c.0.s8.s32 v4;
	v9 =	vimm.s32 $0x63524130;
	v8 =	vunpack.c.0.s8.s32 v8  }
0x1c: {  	v10 =	vimm.s32 $0xA7968574;
	v44 =	vcombine.low v44, v15;
	v15 =	vand.u32 $0xF, v56  }
0x1d: {  	v0 =	vsel vm9, $0x1080, v0;
	v9 =	vunpack.c.0.s8.s32 v9;
	v10 =	vunpack.c.0.s8.s32 v10  }
0x1e: {  	v0 =	vsel vm10, $0x1100, v0;
	v42 =	vsel vm14, v4, v3;
	v3 =	vunpack.c.0.s8.s32 v11  }
0x1f: {  	v4 =	vunpack.c.0.s8.s32 v12;
	v40 =	vsel vm14, v8, v5;
	v5 =	vimm.s32 $0x73625140  }
0x20: {  	v8 =	vimm.s32 $0x4F3E2D1C;
	v11 =	vimm.s32 $0x1B0AF9E8;
	v12 =	vimm.s32 $0x5F4E3D2C  }
0x21: {  	v44 =	vand.u32 $0xFF, v44;
	v0 =	vsel vm11, $0x1180, v0;
	v41 =	vsel vm14, v10, v9  }
0x22: {  	v8 =	vunpack.c.0.s8.s32 v8;
	v9 =	vimm.s32 $0x83726150;
	v10 =	vimm.s32 $0xC7B6A594  }
0x23: {  	v11 =	vunpack.c.0.s8.s32 v11;
	v12 =	vunpack.c.0.s8.s32 v12;
	v38 =	vcombine.low v42, v38  }
0x24: {  	v0 =	vsel vm12, $0x1200, v0;
	v39 =	vsel vm14, v4, v3;
	v3 =	vunpack.c.0.s8.s32 v5  }
0x25: {  	v4 =	vimm.s32 $0xB7A69584;
	v5 =	vimm.s32 $0xBFAE9D8;
	v9 =	vunpack.c.0.s8.s32 v9  }
0x26: {  	v10 =	vunpack.c.0.s8.s32 v10;
	v40 =	vcombine.low v41, v40;
	v0 =	vsel vm13, $0x1280, v0  }
0x27: {  	v4 =	vunpack.c.0.s8.s32 v4;
	v5 =	vunpack.c.0.s8.s32 v5;
	v32 =	vsel vm14, v12, v11  }
0x28: {  	v11 =	vimm.s32 $0xB3A29180;
	v12 =	vimm.s32 $0xF7E6D5C4;
	v38 =	vand.u32 $0xFF, v38  }
0x29: {  	v37 =	vsel vm14, v10, v9;
	v9 =	vimm.s32 $0x3B2A1908;
	v10 =	vimm.s32 $0x7F6E5D4C  }
0x2a: {  	v40 =	vand.u32 $0xFF, v40;
	v43 =	vsel vm14, v4, v3;
	v3 =	vunpack.c.0.s8.s32 v13  }
0x2b: {  	v4 =	vunpack.c.0.s8.s32 v14;
	v35 =	vsel vm14, v8, v5;
	v5 =	vimm.s32 $0xA3928170  }
0x2c: {  	v8 =	vimm.s32 $0xE7D6C5B4;
	v9 =	vunpack.c.0.s8.s32 v9;
	v10 =	vunpack.c.0.s8.s32 v10  }
0x2d: {  	v13 =	vimm.s32 $0x6B5A4938;
	v14 =	vimm.s32 $0xAF9E8D7C;
	v5 =	vunpack.c.0.s8.s32 v5  }
0x2e: {  	v8 =	vunpack.c.0.s8.s32 v8;
	v39 =	vcombine.low v43, v39;
	v35 =	vcombine.low v37, v35  }
0x2f: {  	v33 =	vsel vm14, v4, v3;
	v3 =	vimm.s32 $0x2B1A09F8;
	v4 =	vimm.s32 $0x6F5E4D3C  }
0x30: {  	v26 =	vsel vm14, v10, v9;
	v9 =	vimm.s32 $0x5B4A3928;
	v10 =	vimm.s32 $0x9F8E7D6C  }
0x31: {  	v3 =	vunpack.c.0.s8.s32 v3;
	v4 =	vunpack.c.0.s8.s32 v4;
	v36 =	vsel vm14, v8, v5  }
0x32: {  	v5 =	vimm.s32 $0x4B3A2918;
	v8 =	vimm.s32 $0x7F6E5D4;
	v9 =	vunpack.c.0.s8.s32 v9  }
0x33: {  	v10 =	vunpack.c.0.s8.s32 v10;
	v39 =	vand.u32 $0xFF, v39;
	v32 =	vcombine.low v33, v32  }
0x34: {  	v8 =	vunpack.c.0.s8.s32 v8;
	v34 =	vsel vm14, v4, v3;
	v3 =	vunpack.c.0.s8.s32 v11  }
0x35: {  	v4 =	vunpack.c.0.s8.s32 v12;
	v11 =	vimm.s32 $0xD3C2B1A0;
	v12 =	vimm.s32 $0x1706F5E4  }
0x36: {  	v28 =	vsel vm14, v10, v9;
	v9 =	vimm.s32 $0xF3E2D1C0;
	v10 =	vimm.s32 $0x37261504  }
0x37: {  	v11 =	vunpack.c.0.s8.s32 v11;
	v12 =	vunpack.c.0.s8.s32 v12;
	v9 =	vunpack.c.0.s8.s32 v9  }
0x38: {  	v10 =	vunpack.c.0.s8.s32 v10;
	v34 =	vcombine.low v36, v34;
	v27 =	vsel vm14, v4, v3  }
0x39: {  	v3 =	vunpack.c.0.s8.s32 v5;
	v4 =	vimm.s32 $0x8F7E6D5C;
	v5 =	vimm.s32 $0xC3B2A190  }
0x3a: {  	v36 =	vimm.s32 $0x78D;
	v4 =	vunpack.c.0.s8.s32 v4;
	v5 =	vunpack.c.0.s8.s32 v5  }
0x3b: {  	v29 =	vsel vm14, v12, v11;
	v11 =	vimm.s32 $0x8B7A6958;
	v12 =	vimm.s32 $0xCFBEAD9C  }
0x3c: {  	v23 =	vsel vm14, v10, v9;
	v9 =	vimm.s32 $0x1302F1E0;
	v10 =	vimm.s32 $0x57463524  }
0x3d: {  	v34 =	vand.u32 $0xFF, v34;
	v26 =	vcombine.low v27, v26;
	v9 =	vunpack.c.0.s8.s32 v9  }
0x3e: {  	v10 =	vunpack.c.0.s8.s32 v10;
	v28 =	vcombine.low v29, v28;
	v29 =	vimm.s32 $0x78A  }
0x3f: {  	v30 =	vsel vm14, v4, v3;
	v3 =	vunpack.c.0.s8.s32 v13;
	v4 =	vunpack.c.0.s8.s32 v14  }
0x40: {  	v31 =	vsel vm14, v8, v5;
	v5 =	vimm.s32 $0x7B6A5948;
	v8 =	vimm.s32 $0xBFAE9D8C  }
0x41: {  	v13 =	vimm.s32 $0x231201F0;
	v14 =	vimm.s32 $0x67564534;
	v26 =	vand.u32 $0xFF, v26  }
0x42: {  	v5 =	vunpack.c.0.s8.s32 v5;
	v8 =	vunpack.c.0.s8.s32 v8;
	v19 =	vsel vm14, v10, v9  }
0x43: {  	v9 =	vunpack.c.0.s8.s32 v2;
	v10 =	vimm.s32 $0xCBA98765;
	v30 =	vcombine.low v31, v30  }
0x44: {  	v28 =	vand.u32 $0xFF, v28;
	v20 =	vsel vm14, v4, v3;
	v3 =	vimm.s32 $0xE3D2C1B0  }
0x45: {  	v4 =	vimm.s32 $0x271605F4;
	v10 =	vunpack.c.l.s4.s8 v10;
	[tilespmem:$0x1FD10] =	vst v28;
	v28 =	vimm.s32 $0x78B  }
0x46: {  	v3 =	vunpack.c.0.s8.s32 v3;
	v4 =	vunpack.c.0.s8.s32 v4;
	v22 =	vsel vm14, v8, v5  }
0x47: {  	v5 =	vimm.s32 $0x3F2E1D0;
	v8 =	vimm.s32 $0xDFCEBDAC;
	v30 =	vand.u32 $0xFF, v30  }
0x48: {  	v28 =	vsel vm0, $0xC, v28;
	v8 =	vunpack.c.0.s8.s32 v8;
	v47 =	vunpack.c.0.s8.s32 v10  }
0x49: {  	[tilespmem:$0x1FD00] =	vst v30;
	v28 =	vsel vm1, $0x8D, v28;
	v22 =	vcombine.low v23, v22;
	v30 =	vimm.s32 $0x18F  }
0x4a: {  	v24 =	vsel vm14, v4, v3;
	v3 =	vunpack.c.0.s8.s32 v11;
	v4 =	vunpack.c.0.s8.s32 v12  }
0x4b: {  	v11 =	vimm.s32 $0xAB9A8978;
	v12 =	vimm.s32 $0xEFDECDBC;
	v28 =	vsel vm2, $0x10E, v28  }
0x4c: {  	v30 =	vsel vm0, $0x190, v30;
	v11 =	vunpack.c.0.s8.s32 v11;
	v12 =	vunpack.c.0.s8.s32 v12  }
0x4d: {  	v28 =	vsel vm3, $0x18F, v28;
	v20 =	vcombine.low v24, v20;
	v22 =	vand.u32 $0xFF, v22  }
0x4e: {  	v21 =	vsel vm14, v4, v3;
	v3 =	vunpack.c.0.s8.s32 v5;
	v4 =	vimm.s32 $0x47362514  }
0x4f: {  	v5 =	vimm.s32 $0x9B8A7968;
	v28 =	vsel vm4, $0x200, v28;
	v4 =	vunpack.c.0.s8.s32 v4  }
0x50: {  	v5 =	vunpack.c.0.s8.s32 v5;
	v16 =	vsel vm14, v12, v11;
	v28 =	vsel vm5, $0x281, v28  }
0x51: {  	v20 =	vand.u32 $0xFF, v20;
	v28 =	vsel vm6, $0x302, v28;
	v25 =	vsel vm14, v4, v3  }
0x52: {  	v3 =	vunpack.c.0.s8.s32 v13;
	v4 =	vunpack.c.0.s8.s32 v14;
	v18 =	vsel vm14, v8, v5  }
0x53: {  	v8 =	vunpack.c.0.s8.s32 v1;
	v1 =	vimm.s32 $0x210FEDCB;
	v5 =	vimm.s32 $0x43210FED  }
0x54: {  	v2 =	vunpack.c.l.s4.s8 v1;
	v5 =	vunpack.c.l.s4.s8 v5;
	v21 =	vcombine.low v25, v21  }
0x55: {  	v18 =	vcombine.low v19, v18;
	v25 =	vimm.s32 $0x795;
	v17 =	vsel vm14, v4, v3  }
0x56: {  	vm14 =	vcmask $0x3B38;
	v3 =	vcombine.low v7, v6;
	v4 =	vimm.s32 $0xA9876543  }
0x57: {  	v55 =	vcombine.low v8, v9;
	v7 =	vand.u32 $0xF, v53;
	v25 =	vsel vm0, $0x16, v25  }
0x58: {  	v0 =	vsel vm14, $0x1300, v0;
	v11 =	vunpack.c.0.s8.s32 v2;
	v2 =	vimm.s32 $0x3210FEDC  }
0x59: {  	v46 =	vunpack.c.0.s8.s32 v5;
	v21 =	vand.u32 $0xFF, v21;
	v16 =	vcombine.low v17, v16  }
0x5a: {  	v18 =	vand.u32 $0xFF, v18;
	v1 =	vand.u32 $0xF, v3;
	v3 =	vunpack.c.l.s4.s8 v4  }
0x5b: {  	v4 =	vcombine.low v9, v8;
	v2 =	vunpack.c.l.s4.s8 v2;
	v9 =	vand.u32 $0xF, v54  }
0x5c: {  	v54 =	vimm.s32 $0x780;
	v12 =	vunpack.c.0.s8.s32 v3;
	v3 =	vimm.s32 $0xBA987654  }
0x5d: {  	v14 =	vunpack.c.0.s8.s32 v2;
	v2 =	vimm.s32 $0x543210FE;
	v3 =	vunpack.c.l.s4.s8 v3  }
0x5e: {  	v10 =	vcombine.low v47, v46;
	v5 =	vunpack.c.l.s4.s8 v2;
	v13 =	vcombine.low v12, v11  }
0x5f: {  	v16 =	vand.u32 $0xFF, v16;
	v11 =	vcombine.low v11, v12;
	v45 =	vunpack.c.0.s8.s32 v3  }
0x60: {  	v2 =	vand.u32 $0xF, v4;
	v3 =	vand.u32 $0xF, v13;
	v13 =	vunpack.c.0.s8.s32 v5  }
0x61: {  	v5 =	vimm.s32 $0xDCBA9876;
	v11 =	vand.u32 $0xF, v11;
	v4 =	vcombine.low v45, v14  }
0x62: {  	v5 =	vunpack.c.l.s4.s8 v5;
	v12 =	vcombine.low v14, v45;
	v14 =	vcombine.low v46, v47  }
0x63: {  	v45 =	vsel vm0, $0x1, v54;
	v46 =	vsel vm0, $0x3, v61;
	v61 =	vimm.s32 $0x785  }
0x64: {  	v45 =	vsel vm1, $0x82, v45;
	v46 =	vsel vm1, $0x84, v46;
	v51 =	vunpack.c.0.s8.s32 v5  }
0x65: {  	v5 =	vimm.s32 $0x76543210;
	v4 =	vand.u32 $0xF, v4;
	v12 =	vand.u32 $0xF, v12  }
0x66: {  	v45 =	vsel vm2, $0x103, v45;
	v46 =	vsel vm2, $0x105, v46;
	v52 =	vunpack.c.l.s4.s8 v5  }
0x67: {  	v5 =	vand.u32 $0xF, v10;
	v10 =	vunpack.c.0.s8.s32 v50;
	v45 =	vsel vm3, $0x184, v45  }
0x68: {  	v46 =	vsel vm3, $0x186, v46;
	v63 =	vcombine.low v51, v13;
	v45 =	vsel vm4, $0x205, v45  }
0x69: {  	v46 =	vsel vm4, $0x207, v46;
	v52 =	vunpack.c.0.s8.s32 v52;
	v10 =	vand.u32 $0xF, v10  }
0x6a: {  	v59 =	vsel vm5, $0x286, v45;
	v45 =	vsel vm2, $0x104, v60;
	v46 =	vsel vm5, $0x288, v46  }
0x6b: {  	[tilespmem:$0x1FC30] =	vst v44;
	v6 =	vand.u32 $0xF, v63;
	v44 =	vsel vm6, $0x307, v59;
	v45 =	vsel vm3, $0x185, v45  }
0x6c: {  	v46 =	vsel vm6, $0x309, v46;
	v59 =	vsel vm0, $0x5, v57;
	v8 =	vcombine.low v10, v52  }
0x6d: {  	v10 =	vand.u32 $0xF, v55;
	v55 =	vcombine.low v13, v51;
	v13 =	vand.u32 $0xF, v14  }
0x6e: {  	v44 =	vsel vm7, $0x388, v44;
	v45 =	vsel vm4, $0x206, v45;
	v63 =	vsel vm7, $0x38A, v46  }
0x6f: {  	v51 =	vimm.s32 $0x783;
	v60 =	vsel vm1, $0x86, v59;
	v44 =	vsel vm8, $0x409, v44  }
0x70: {  	v45 =	vsel vm5, $0x287, v45;
	v48 =	vsel vm8, $0x40B, v63;
	v53 =	vsel vm0, $0x4, v51  }
0x71: {  	[tilespmem:$0x1FC90] =	vst v39;
	v39 =	vsel vm2, $0x107, v60;
	v51 =	vimm.s32 $0x787;
	v60 =	vimm.s32 $0x789  }
0x72: {  	v14 =	vand.u32 $0xF, v55;
	v44 =	vsel vm9, $0x48A, v44;
	v45 =	vsel vm6, $0x308, v45  }
0x73: {  	v50 =	vsel vm9, $0x48C, v48;
	v55 =	vsel vm1, $0x85, v53;
	v39 =	vsel vm3, $0x188, v39  }
0x74: {  	v53 =	vsel vm0, $0x8, v51;
	v31 =	vsel vm0, $0xA, v60;
	v51 =	vimm.s32 $0x14F  }
0x75: {  	v60 =	vimm.s32 $0x1CF;
	v44 =	vsel vm10, $0x50B, v44;
	v45 =	vsel vm7, $0x389, v45  }
0x76: {  	v56 =	vsel vm2, $0x106, v55;
	v39 =	vsel vm4, $0x209, v39;
	v44 =	vsel vm11, $0x58C, v44  }
0x77: {  	[tilespmem:$0x1FC70] =	vst v40;
	v45 =	vsel vm8, $0x40A, v45;
	v40 =	vsel vm3, $0x187, v56;
	v39 =	vsel vm5, $0x28A, v39  }
0x78: {  	v56 =	vimm.s32 $0x79A;
	v44 =	vsel vm12, $0x60D, v44;
	v45 =	vsel vm9, $0x48B, v45  }
0x79: {  	v58 =	vsel vm4, $0x208, v40;
	v40 =	vsel vm0, $0x6, v61;
	v39 =	vsel vm6, $0x30B, v39  }
0x7a: {  	v44 =	vsel vm13, $0x68E, v44;
	v62 =	vsel vm10, $0x50C, v45;
	v40 =	vsel vm1, $0x87, v40  }
0x7b: {  	v39 =	vsel vm7, $0x38C, v39;
	v45 =	vimm.s32 $0x786;
	v44 =	vsel vm14, $0x70F, v44  }
0x7c: {  	v42 =	vsel vm11, $0x58D, v62;
	v40 =	vsel vm2, $0x108, v40;
	v39 =	vsel vm8, $0x40D, v39  }
0x7d: {  	v47 =	vsel vm0, $0x7, v45;
	v49 =	vsel vm12, $0x60E, v42;
	v42 =	vsel vm10, $0x50D, v50  }
0x7e: {  	v40 =	vsel vm3, $0x189, v40;
	v39 =	vsel vm9, $0x48E, v39;
	v48 =	vsel vm1, $0x88, v47  }
0x7f: {  	[tilespmem:$0x1FC50] =	vst v38;
	v47 =	vimm.s32 $0x12F;
	v38 =	vsel vm13, $0x68F, v49;
	v52 =	vsel vm11, $0x58E, v42  }
0x80: {  	v40 =	vsel vm4, $0x20A, v40;
	v62 =	vsel vm10, $0x50F, v39;
	v39 =	vand.u32 $0xFF, v35  }
0x81: {  	v50 =	vsel vm2, $0x109, v48;
	v48 =	vimm.s32 $0x792;
	v38 =	vsel vm14, $0x700, v38  }
0x82: {  	v54 =	vsel vm12, $0x60F, v52;
	v40 =	vsel vm5, $0x28B, v40;
	v37 =	vsel vm11, $0x580, v62  }
0x83: {  	[tilespmem:$0x1FC60] =	vst v38;
	v38 =	vsel vm13, $0x680, v54;
	v40 =	vsel vm6, $0x30C, v40;
	v43 =	vsel vm12, $0x601, v37  }
0x84: {  	v54 =	vimm.s32 $0x788;
	v38 =	vsel vm14, $0x701, v38;
	v63 =	vsel vm7, $0x38D, v40  }
0x85: {  	[tilespmem:$0x1FCD0] =	vst v34;
	v35 =	vsel vm13, $0x682, v43;
	v34 =	vsel vm0, $0x9, v54;
	v40 =	vimm.s32 $0x78E  }
0x86: {  	v54 =	vimm.s32 $0x799;
	[tilespmem:$0x1FC80] =	vst v38;
	v38 =	vsel vm5, $0x289, v58;
	v42 =	vsel vm8, $0x40E, v63  }
0x87: {  	v35 =	vsel vm14, $0x703, v35;
	v34 =	vsel vm1, $0x8A, v34;
	v58 =	vimm.s32 $0x1BF  }
0x88: {  	[tilespmem:$0x1FC40] =	vst v44;
	v38 =	vsel vm6, $0x30A, v38;
	v44 =	vsel vm9, $0x48F, v42;
	v34 =	vsel vm2, $0x10B, v34  }
0x89: {  	v38 =	vsel vm7, $0x38B, v38;
	v37 =	vsel vm10, $0x500, v44;
	v34 =	vsel vm3, $0x18C, v34  }
0x8a: {  	v38 =	vsel vm8, $0x40C, v38;
	v46 =	vsel vm11, $0x581, v37;
	v37 =	vand.u32 $0xFF, v32  }
0x8b: {  	v34 =	vsel vm4, $0x20D, v34;
	v38 =	vsel vm9, $0x48D, v38;
	v33 =	vsel vm12, $0x602, v46  }
0x8c: {  	v34 =	vsel vm5, $0x28E, v34;
	v46 =	vimm.s32 $0x11F;
	v38 =	vsel vm10, $0x50E, v38  }
0x8d: {  	v49 =	vsel vm13, $0x683, v33;
	v33 =	vsel vm3, $0x18A, v50;
	v34 =	vsel vm6, $0x30F, v34  }
0x8e: {  	[tilespmem:$0x1FD90] =	vst v18;
	v18 =	vsel vm0, $0x120, v46;
	v50 =	vimm.s32 $0x793;
	v38 =	vsel vm11, $0x58F, v38  }
0x8f: {  	v32 =	vsel vm14, $0x704, v49;
	v52 =	vsel vm4, $0x20B, v33;
	v33 =	vsel vm1, $0x89, v53  }
0x90: {  	v55 =	vsel vm7, $0x380, v34;
	v18 =	vsel vm1, $0x131, v18;
	v49 =	vimm.s32 $0x13F  }
0x91: {  	v53 =	vimm.s32 $0x19F;
	v38 =	vsel vm12, $0x600, v38;
	[tilespmem:$0x1FCC0] =	vst v32;
	v32 =	vsel vm5, $0x28C, v52  }
0x92: {  	v33 =	vsel vm2, $0x10A, v33;
	v59 =	vsel vm8, $0x401, v55;
	v18 =	vsel vm2, $0x142, v18  }
0x93: {  	v52 =	vimm.s32 $0x794;
	v55 =	vimm.s32 $0x1AF;
	v38 =	vsel vm13, $0x681, v38  }
0x94: {  	v32 =	vsel vm6, $0x30D, v32;
	v33 =	vsel vm3, $0x18B, v33;
	v18 =	vsel vm3, $0x153, v18  }
0x95: {  	v23 =	vsel vm0, $0x15, v52;
	v38 =	vsel vm14, $0x702, v38;
	v32 =	vsel vm7, $0x38E, v32  }
0x96: {  	v33 =	vsel vm4, $0x20C, v33;
	v18 =	vsel vm4, $0x164, v18;
	v32 =	vsel vm8, $0x40F, v32  }
0x97: {  	[tilespmem:$0x1FCA0] =	vst v38;
	v33 =	vsel vm5, $0x28D, v33;
	v38 =	vsel vm0, $0xE, v36;
	v18 =	vsel vm5, $0x175, v18  }
0x98: {  	v36 =	vsel vm0, $0x1C0, v58;
	v58 =	vimm.s32 $0x79D;
	v32 =	vsel vm9, $0x480, v32  }
0x99: {  	[tilespmem:$0x1FD70] =	vst v21;
	v33 =	vsel vm6, $0x30E, v33;
	v21 =	vsel vm1, $0x8F, v38;
	v18 =	vsel vm6, $0x186, v18  }
0x9a: {  	v38 =	vsel vm0, $0x1D0, v60;
	v60 =	vimm.s32 $0x79E;
	v32 =	vsel vm10, $0x501, v32  }
0x9b: {  	v33 =	vsel vm7, $0x38F, v33;
	v21 =	vsel vm2, $0x100, v21;
	v18 =	vsel vm7, $0x197, v18  }
0x9c: {  	v32 =	vsel vm11, $0x582, v32;
	v33 =	vsel vm8, $0x400, v33;
	v21 =	vsel vm3, $0x181, v21  }
0x9d: {  	v18 =	vsel vm8, $0x1A8, v18;
	v32 =	vsel vm12, $0x603, v32;
	v33 =	vsel vm9, $0x481, v33  }
0x9e: {  	v21 =	vsel vm4, $0x202, v21;
	v18 =	vsel vm9, $0x1B9, v18;
	v32 =	vsel vm13, $0x684, v32  }
0x9f: {  	v27 =	vsel vm10, $0x502, v33;
	v33 =	vimm.s32 $0x78C;
	v21 =	vsel vm5, $0x283, v21  }
0xa0: {  	v18 =	vsel vm10, $0x1CA, v18;
	v57 =	vsel vm14, $0x705, v32;
	v27 =	vsel vm11, $0x583, v27  }
0xa1: {  	v34 =	vsel vm0, $0xD, v33;
	v21 =	vsel vm6, $0x304, v21;
	v18 =	vsel vm11, $0x1DB, v18  }
0xa2: {  	[tilespmem:$0x1FCE0] =	vst v26;
	v33 =	vsel vm0, $0x1A, v54;
	v54 =	vsel vm0, $0x1F, v60;
	v26 =	vsel vm12, $0x604, v27  }
0xa3: {  	[tilespmem:$0x1FD50] =	vst v22;
	v27 =	vsel vm9, $0x482, v59;
	v22 =	vsel vm1, $0x8E, v34;
	v21 =	vsel vm7, $0x385, v21  }
0xa4: {  	v34 =	vsel vm0, $0x1B0, v55;
	v59 =	vimm.s32 $0x79B;
	v54 =	vsel vm1, $0x90, v54  }
0xa5: {  	[tilespmem:$0x1FCB0] =	vst v35;
	v26 =	vsel vm13, $0x685, v26;
	v27 =	vsel vm10, $0x503, v27;
	v35 =	vsel vm2, $0x10F, v22  }
0xa6: {  	v22 =	vsel vm0, $0xF, v40;
	v21 =	vsel vm8, $0x406, v21;
	v40 =	vsel vm0, $0x1E, v58  }
0xa7: {  	v54 =	vsel vm2, $0x111, v54;
	v27 =	vsel vm11, $0x584, v27;
	v26 =	vsel vm14, $0x706, v26  }
0xa8: {  	v22 =	vsel vm1, $0x80, v22;
	v21 =	vsel vm9, $0x487, v21;
	[tilespmem:$0x1FCF0] =	vst v26;
	v26 =	vsel vm12, $0x605, v27  }
0xa9: {  	v27 =	vsel vm1, $0x8B, v31;
	v22 =	vsel vm2, $0x101, v22;
	v21 =	vsel vm10, $0x508, v21  }
0xaa: {  	v31 =	vimm.s32 $0x798;
	v26 =	vsel vm13, $0x686, v26;
	v27 =	vsel vm2, $0x10C, v27  }
0xab: {  	v22 =	vsel vm3, $0x182, v22;
	v41 =	vsel vm11, $0x589, v21;
	v21 =	vsel vm0, $0x14, v50  }
0xac: {  	v31 =	vsel vm0, $0x19, v31;
	v50 =	vsel vm0, $0x1C, v59;
	v59 =	vimm.s32 $0x1EF  }
0xad: {  	v27 =	vsel vm3, $0x18D, v27;
	v62 =	vsel vm14, $0x707, v26;
	v22 =	vsel vm4, $0x203, v22  }
0xae: {  	v43 =	vsel vm12, $0x60A, v41;
	v26 =	vsel vm4, $0x20E, v27;
	v27 =	vsel vm0, $0xB, v29  }
0xaf: {  	v22 =	vsel vm5, $0x284, v22;
	v19 =	vsel vm13, $0x68B, v43;
	v29 =	vimm.s32 $0x797  }
0xb0: {  	v26 =	vsel vm5, $0x28F, v26;
	v27 =	vsel vm1, $0x8C, v27;
	v22 =	vsel vm6, $0x305, v22  }
0xb1: {  	v45 =	vsel vm14, $0x70C, v19;
	v19 =	vsel vm0, $0x13, v48;
	v29 =	vsel vm0, $0x18, v29  }
0xb2: {  	v26 =	vsel vm6, $0x300, v26;
	v27 =	vsel vm2, $0x10D, v27;
	v22 =	vsel vm7, $0x386, v22  }
0xb3: {  	[tilespmem:$0x1FDA0] =	vst v45;
	v45 =	vsel vm1, $0x9D, v50;
	v26 =	vsel vm7, $0x381, v26;
	v27 =	vsel vm3, $0x18E, v27  }
0xb4: {  	v22 =	vsel vm8, $0x407, v22;
	v26 =	vsel vm8, $0x402, v26;
	v27 =	vsel vm4, $0x20F, v27  }
0xb5: {  	v42 =	vsel vm9, $0x488, v22;
	v22 =	vsel vm0, $0x150, v51;
	v26 =	vsel vm9, $0x483, v26  }
0xb6: {  	v27 =	vsel vm5, $0x280, v27;
	v44 =	vsel vm10, $0x509, v42;
	v26 =	vsel vm10, $0x504, v26  }
0xb7: {  	v27 =	vsel vm6, $0x301, v27;
	v17 =	vsel vm11, $0x58A, v44;
	v44 =	vsel vm1, $0x1D1, v36  }
0xb8: {  	v26 =	vsel vm11, $0x585, v26;
	v27 =	vsel vm7, $0x382, v27;
	v17 =	vsel vm12, $0x60B, v17  }
0xb9: {  	[tilespmem:$0x1FDB0] =	vst v16;
	v26 =	vsel vm12, $0x606, v26;
	v27 =	vsel vm8, $0x403, v27;
	v16 =	vsel vm13, $0x68C, v17  }
0xba: {  	v17 =	vimm.s32 $0x10F;
	v26 =	vsel vm13, $0x687, v26;
	v27 =	vsel vm9, $0x484, v27  }
0xbb: {  	v42 =	vsel vm14, $0x70D, v16;
	v16 =	vsel vm0, $0x110, v17;
	v17 =	vimm.s32 $0x790  }
0xbc: {  	v24 =	vsel vm10, $0x505, v27;
	v27 =	vsel vm7, $0x383, v28;
	v26 =	vsel vm14, $0x708, v26  }
0xbd: {  	v16 =	vsel vm1, $0x121, v16;
	v17 =	vsel vm0, $0x11, v17;
	v28 =	vimm.s32 $0x17F  }
0xbe: {  	[tilespmem:$0x1FD20] =	vst v26;
	v24 =	vsel vm11, $0x586, v24;
	v26 =	vsel vm8, $0x404, v27;
	v16 =	vsel vm2, $0x132, v16  }
0xbf: {  	v17 =	vsel vm1, $0x92, v17;
	v27 =	vimm.s32 $0x796;
	v28 =	vsel vm0, $0x180, v28  }
0xc0: {  	v61 =	vsel vm12, $0x607, v24;
	v24 =	vsel vm9, $0x485, v26;
	v16 =	vsel vm3, $0x143, v16  }
0xc1: {  	v17 =	vsel vm2, $0x113, v17;
	v26 =	vimm.s32 $0x16F;
	v27 =	vsel vm0, $0x17, v27  }
0xc2: {  	[tilespmem:$0x1FD30] =	vst v20;
	v20 =	vsel vm13, $0x688, v61;
	v63 =	vsel vm10, $0x506, v24;
	v16 =	vsel vm4, $0x154, v16  }
0xc3: {  	v17 =	vsel vm3, $0x194, v17;
	v24 =	vimm.s32 $0x15F;
	v26 =	vsel vm0, $0x170, v26  }
0xc4: {  	v61 =	vimm.s32 $0x79C;
	v20 =	vsel vm14, $0x709, v20;
	v32 =	vsel vm11, $0x587, v63  }
0xc5: {  	v16 =	vsel vm5, $0x165, v16;
	v17 =	vsel vm4, $0x215, v17;
	v24 =	vsel vm0, $0x160, v24  }
0xc6: {  	v63 =	vimm.s32 $0x1DF;
	[tilespmem:$0x1FD40] =	vst v20;
	v20 =	vsel vm12, $0x608, v32;
	v16 =	vsel vm6, $0x176, v16  }
0xc7: {  	v17 =	vsel vm5, $0x296, v17;
	v32 =	vsel vm0, $0x1A0, v53;
	v53 =	vsel vm0, $0x1D, v61  }
0xc8: {  	v51 =	vsel vm0, $0x1E0, v63;
	v61 =	vsel vm1, $0x94, v19;
	v19 =	vsel vm1, $0x95, v21  }
0xc9: {  	v63 =	vsel vm1, $0x161, v22;
	v21 =	vsel vm1, $0x96, v23;
	v22 =	vsel vm1, $0x171, v24  }
0xca: {  	v23 =	vsel vm1, $0x97, v25;
	v24 =	vsel vm1, $0x181, v26;
	v25 =	vsel vm1, $0x98, v27  }
0xcb: {  	v26 =	vsel vm1, $0x191, v28;
	v27 =	vsel vm1, $0x99, v29;
	v28 =	vsel vm1, $0x1A1, v30  }
0xcc: {  	v29 =	vsel vm1, $0x9A, v31;
	v31 =	vsel vm1, $0x9B, v33;
	v20 =	vsel vm13, $0x689, v20  }
0xcd: {  	v16 =	vsel vm7, $0x187, v16;
	v17 =	vsel vm6, $0x317, v17;
	v30 =	vsel vm1, $0x1B1, v32  }
0xce: {  	v32 =	vsel vm1, $0x1C1, v34;
	v60 =	vsel vm1, $0x1F1, v51;
	v63 =	vsel vm2, $0x172, v63  }
0xcf: {  	v20 =	vsel vm14, $0x70A, v20;
	v16 =	vsel vm8, $0x198, v16;
	v17 =	vsel vm7, $0x398, v17  }
0xd0: {  	v51 =	vsel vm2, $0x102, v60;
	[tilespmem:$0x1FD60] =	vst v20;
	v20 =	vsel vm3, $0x180, v35;
	v16 =	vsel vm9, $0x1A9, v16  }
0xd1: {  	v17 =	vsel vm8, $0x419, v17;
	v35 =	vsel vm0, $0x1B, v56;
	v56 =	vsel vm0, $0x1F0, v59  }
0xd2: {  	v34 =	vsel vm3, $0x113, v51;
	v20 =	vsel vm4, $0x201, v20;
	v16 =	vsel vm10, $0x1BA, v16  }
0xd3: {  	v17 =	vsel vm9, $0x49A, v17;
	v33 =	vsel vm1, $0x9C, v35;
	v56 =	vsel vm1, $0x101, v56  }
0xd4: {  	v20 =	vsel vm5, $0x282, v20;
	v16 =	vsel vm11, $0x1CB, v16;
	v17 =	vsel vm10, $0x51B, v17  }
0xd5: {  	v56 =	vsel vm2, $0x112, v56;
	v20 =	vsel vm6, $0x303, v20;
	v16 =	vsel vm12, $0x1DC, v16  }
0xd6: {  	v17 =	vsel vm11, $0x59C, v17;
	v20 =	vsel vm7, $0x384, v20;
	v16 =	vsel vm13, $0x1ED, v16  }
0xd7: {  	v17 =	vsel vm12, $0x61D, v17;
	v20 =	vsel vm8, $0x405, v20;
	v43 =	vsel vm14, $0x1FE, v16  }
0xd8: {  	v16 =	vsel vm13, $0x69E, v17;
	v17 =	vsel vm12, $0x1EC, v18;
	v20 =	vsel vm9, $0x486, v20  }
0xd9: {  	v41 =	vsel vm14, $0x71F, v16;
	v16 =	vsel vm13, $0x1FD, v17;
	v17 =	vimm.s32 $0x791  }
0xda: {  	v18 =	vsel vm0, $0x130, v47;
	v20 =	vsel vm10, $0x507, v20;
	v17 =	vsel vm0, $0x12, v17  }
0xdb: {  	v16 =	vsel vm14, $0x10E, v16;
	v20 =	vsel vm11, $0x588, v20;
	v17 =	vsel vm1, $0x93, v17  }
0xdc: {  	v47 =	vsel vm1, $0x1E1, v38;
	[tilespmem:$0x1FDC0] =	vst v16;
	v20 =	vsel vm12, $0x609, v20;
	v16 =	vsel vm2, $0x114, v17  }
0xdd: {  	v17 =	vsel vm1, $0x141, v18;
	v18 =	vsel vm2, $0x115, v61;
	v61 =	vsel vm1, $0x9F, v40  }
0xde: {  	v40 =	vsel vm2, $0x119, v25;
	v25 =	vsel vm2, $0x11A, v27;
	v27 =	vsel vm2, $0x11B, v29  }
0xdf: {  	v29 =	vsel vm2, $0x11C, v31;
	v31 =	vsel vm2, $0x11D, v33;
	v20 =	vsel vm13, $0x68A, v20  }
0xe0: {  	v16 =	vsel vm3, $0x195, v16;
	v17 =	vsel vm2, $0x152, v17;
	v18 =	vsel vm3, $0x196, v18  }
0xe1: {  	v50 =	vmovc v37;
	v37 =	vsel vm2, $0x110, v61;
	v20 =	vsel vm14, $0x70B, v20;
	v16 =	vsel vm4, $0x216, v16  }
0xe2: {  	v17 =	vsel vm3, $0x163, v17;
	v18 =	vsel vm4, $0x217, v18;
	v16 =	vsel vm5, $0x297, v16  }
0xe3: {  	[tilespmem:$0x1FD80] =	vst v20;
	v20 =	vsel vm0, $0x140, v49;
	vm0 =	vcmask $0x333C;
	v16 =	vsel vm6, $0x318, v16  }
0xe4: {  	v17 =	vsel vm4, $0x174, v17;
	v18 =	vsel vm5, $0x298, v18;
	v16 =	vsel vm7, $0x399, v16  }
0xe5: {  	v49 =	vsel vm1, $0x9E, v53;
	v17 =	vsel vm5, $0x185, v17;
	v16 =	vsel vm8, $0x41A, v16  }
0xe6: {  	v18 =	vsel vm6, $0x319, v18;
	v17 =	vsel vm6, $0x196, v17;
	v16 =	vsel vm9, $0x49B, v16  }
0xe7: {  	v18 =	vsel vm7, $0x39A, v18;
	v17 =	vsel vm7, $0x1A7, v17;
	v16 =	vsel vm10, $0x51C, v16  }
0xe8: {  	v18 =	vsel vm8, $0x41B, v18;
	v17 =	vsel vm8, $0x1B8, v17;
	v16 =	vsel vm11, $0x59D, v16  }
0xe9: {  	v18 =	vsel vm9, $0x49C, v18;
	v17 =	vsel vm9, $0x1C9, v17;
	v16 =	vsel vm12, $0x61E, v16  }
0xea: {  	v18 =	vsel vm10, $0x51D, v18;
	v17 =	vsel vm10, $0x1DA, v17;
	v16 =	vsel vm13, $0x69F, v16  }
0xeb: {  	v18 =	vsel vm11, $0x59E, v18;
	v17 =	vsel vm11, $0x1EB, v17;
	v46 =	vsel vm14, $0x710, v16  }
0xec: {  	v16 =	vsel vm12, $0x1FC, v17;
	v17 =	vsel vm12, $0x61F, v18;
	v18 =	vsel vm1, $0x151, v20  }
0xed: {  	vm1 =	vcmask $0x2F38;
	v20 =	vsel vm2, $0x182, v22;
	v22 =	vsel vm2, $0x192, v24  }
0xee: {  	v24 =	vsel vm2, $0x1A2, v26;
	v26 =	vsel vm2, $0x1B2, v28;
	v28 =	vsel vm2, $0x1C2, v30  }
0xef: {  	v30 =	vsel vm2, $0x1D2, v32;
	v32 =	vsel vm2, $0x1E2, v44;
	v44 =	vsel vm2, $0x11E, v45  }
0xf0: {  	v45 =	vsel vm2, $0x1F2, v47;
	v47 =	vsel vm2, $0x11F, v49;
	v16 =	vsel vm13, $0x10D, v16  }
0xf1: {  	v17 =	vsel vm13, $0x690, v17;
	v52 =	vsel vm3, $0x193, v20;
	v20 =	vsel vm3, $0x1A3, v22  }
0xf2: {  	v22 =	vsel vm3, $0x1B3, v24;
	v24 =	vsel vm3, $0x1C3, v26;
	v26 =	vsel vm3, $0x1D3, v28  }
0xf3: {  	v28 =	vsel vm3, $0x1E3, v30;
	v30 =	vsel vm3, $0x1F3, v32;
	v32 =	vsel vm3, $0x103, v45  }
0xf4: {  	v33 =	vsel vm3, $0x190, v47;
	v45 =	vsel vm3, $0x123, v56;
	v47 =	vsel vm3, $0x192, v54  }
0xf5: {  	v48 =	vmovc v39;
	v54 =	vsel vm4, $0x124, v34;
	v59 =	vsel vm14, $0x11E, v16;
	v39 =	vsel vm14, $0x711, v17  }
0xf6: {  	v16 =	vsel vm2, $0x162, v18;
	v17 =	vsel vm2, $0x116, v19;
	v19 =	vsel vm2, $0x117, v21  }
0xf7: {  	v21 =	vsel vm2, $0x118, v23;
	vm2 =	vcmask $0x2B34;
	v18 =	vsel vm3, $0x183, v63  }
0xf8: {  	v51 =	vsel vm4, $0x1D4, v24;
	v24 =	vsel vm4, $0x1E4, v26;
	v26 =	vsel vm4, $0x1F4, v28  }
0xf9: {  	v28 =	vsel vm4, $0x104, v30;
	v30 =	vsel vm4, $0x114, v32;
	v58 =	vsel vm4, $0x134, v45  }
0xfa: {  	v16 =	vsel vm3, $0x173, v16;
	v17 =	vsel vm3, $0x197, v17;
	v18 =	vsel vm4, $0x194, v18  }
0xfb: {  	v53 =	vsel vm3, $0x199, v21;
	v21 =	vsel vm3, $0x19A, v40;
	v40 =	vsel vm3, $0x19B, v25  }
0xfc: {  	v25 =	vsel vm3, $0x19C, v27;
	v27 =	vsel vm3, $0x19D, v29;
	v29 =	vsel vm3, $0x19E, v31  }
0xfd: {  	v31 =	vsel vm3, $0x19F, v44;
	v44 =	vsel vm3, $0x191, v37;
	v37 =	vsel vm4, $0x1C4, v22  }
0xfe: {  	v45 =	vsel vm5, $0x1F5, v24;
	v24 =	vsel vm5, $0x105, v26;
	v26 =	vsel vm5, $0x115, v28  }
0xff: {  	v28 =	vsel vm5, $0x125, v30;
	v30 =	vsel vm5, $0x135, v54;
	v16 =	vsel vm4, $0x184, v16  }
0x100: {  	v17 =	vsel vm4, $0x218, v17;
	v18 =	vsel vm5, $0x1A5, v18;
	v60 =	vsel vm4, $0x21A, v53  }
0x101: {  	v61 =	vsel vm4, $0x21B, v21;
	v40 =	vsel vm4, $0x21C, v40;
	v55 =	vsel vm4, $0x212, v44  }
0x102: {  	v54 =	vsel vm6, $0x116, v24;
	v24 =	vsel vm6, $0x126, v26;
	v16 =	vsel vm5, $0x195, v16  }
0x103: {  	v26 =	vsel vm6, $0x136, v28;
	v28 =	vsel vm6, $0x146, v30;
	v16 =	vsel vm6, $0x1A6, v16  }
0x104: {  	v17 =	vsel vm5, $0x299, v17;
	v18 =	vsel vm6, $0x1B6, v18;
	v16 =	vsel vm7, $0x1B7, v16  }
0x105: {  	v36 =	vsel vm5, $0x29D, v40;
	v17 =	vsel vm6, $0x31A, v17;
	v16 =	vsel vm8, $0x1C8, v16  }
0x106: {  	v35 =	vsel vm7, $0x127, v54;
	v17 =	vsel vm7, $0x39B, v17;
	v16 =	vsel vm9, $0x1D9, v16  }
0x107: {  	v18 =	vsel vm7, $0x1C7, v18;
	v17 =	vsel vm8, $0x41C, v17;
	v16 =	vsel vm10, $0x1EA, v16  }
0x108: {  	v18 =	vsel vm8, $0x1D8, v18;
	v17 =	vsel vm9, $0x49D, v17;
	v16 =	vsel vm11, $0x1FB, v16  }
0x109: {  	v18 =	vsel vm9, $0x1E9, v18;
	v17 =	vsel vm10, $0x51E, v17;
	v16 =	vsel vm12, $0x10C, v16  }
0x10a: {  	v18 =	vsel vm10, $0x1FA, v18;
	v17 =	vsel vm11, $0x59F, v17;
	v16 =	vsel vm13, $0x11D, v16  }
0x10b: {  	v49 =	vmovc v62;
	v18 =	vsel vm11, $0x10B, v18;
	v17 =	vsel vm12, $0x610, v17;
	v62 =	vsel vm14, $0x12E, v16  }
0x10c: {  	v16 =	vsel vm13, $0x691, v17;
	v17 =	vsel vm12, $0x11C, v18;
	v18 =	vsel vm5, $0x29B, v60  }
0x10d: {  	v60 =	vsel vm4, $0x213, v47;
	v38 =	vsel vm14, $0x712, v16;
	v16 =	vsel vm13, $0x12D, v17  }
0x10e: {  	v17 =	vsel vm3, $0x198, v19;
	vm3 =	vcmask $0x2730;
	v18 =	vsel vm6, $0x31C, v18  }
0x10f: {  	v60 =	vsel vm5, $0x294, v60;
	v17 =	vsel vm4, $0x219, v17;
	v63 =	vsel vm14, $0x13E, v16  }
0x110: {  	v18 =	vsel vm7, $0x39D, v18;
	v16 =	vsel vm5, $0x29A, v17;
	v17 =	vsel vm4, $0x1A4, v52  }
0x111: {  	v18 =	vsel vm8, $0x41E, v18;
	v52 =	vsel vm4, $0x21D, v25;
	v25 =	vsel vm4, $0x21E, v27  }
0x112: {  	v27 =	vsel vm4, $0x21F, v29;
	v29 =	vsel vm4, $0x210, v31;
	v16 =	vsel vm6, $0x31B, v16  }
0x113: {  	v31 =	vsel vm4, $0x211, v33;
	v17 =	vsel vm5, $0x1B5, v17;
	v16 =	vsel vm7, $0x39C, v16  }
0x114: {  	v18 =	vsel vm9, $0x49F, v18;
	v17 =	vsel vm6, $0x1C6, v17;
	v16 =	vsel vm8, $0x41D, v16  }
0x115: {  	v40 =	vsel vm5, $0x29E, v52;
	v17 =	vsel vm7, $0x1D7, v17;
	v16 =	vsel vm9, $0x49E, v16  }
0x116: {  	v52 =	vsel vm5, $0x145, v58;
	v17 =	vsel vm8, $0x1E8, v17;
	v16 =	vsel vm10, $0x51F, v16  }
0x117: {  	v18 =	vsel vm10, $0x510, v18;
	v17 =	vsel vm9, $0x1F9, v17;
	v16 =	vsel vm11, $0x590, v16  }
0x118: {  	v30 =	vsel vm6, $0x156, v52;
	v17 =	vsel vm10, $0x10A, v17;
	v16 =	vsel vm12, $0x611, v16  }
0x119: {  	v18 =	vsel vm11, $0x591, v18;
	v17 =	vsel vm11, $0x11B, v17;
	v16 =	vsel vm13, $0x692, v16  }
0x11a: {  	v53 =	vsel vm14, $0x713, v16;
	v16 =	vsel vm12, $0x12C, v17;
	v17 =	vsel vm12, $0x612, v18  }
0x11b: {  	v18 =	vsel vm4, $0x1B4, v20;
	v16 =	vsel vm13, $0x13D, v16;
	v17 =	vsel vm13, $0x693, v17  }
0x11c: {  	vm4 =	vcmask $0x232C;
	v44 =	vsel vm14, $0x14E, v16;
	v47 =	vsel vm14, $0x714, v17  }
0x11d: {  	v16 =	vsel vm5, $0x1C5, v18;
	v17 =	vsel vm5, $0x29C, v61;
	v61 =	vsel vm5, $0x1D5, v37  }
0x11e: {  	v37 =	vsel vm5, $0x1E5, v51;
	v51 =	vsel vm5, $0x29F, v25;
	v25 =	vsel vm5, $0x290, v27  }
0x11f: {  	v27 =	vsel vm5, $0x291, v29;
	v29 =	vsel vm5, $0x292, v31;
	v31 =	vsel vm5, $0x293, v55  }
0x120: {  	vm5 =	vcmask $0x1F28;
	v16 =	vsel vm6, $0x1D6, v16;
	v17 =	vsel vm6, $0x31D, v17  }
0x121: {  	v18 =	vsel vm6, $0x1E6, v61;
	v61 =	vsel vm6, $0x1F6, v37;
	v37 =	vsel vm6, $0x106, v45  }
0x122: {  	v55 =	vsel vm6, $0x311, v25;
	v25 =	vsel vm6, $0x312, v27;
	v27 =	vsel vm6, $0x313, v29  }
0x123: {  	v29 =	vsel vm6, $0x314, v31;
	v31 =	vsel vm6, $0x315, v60;
	v45 =	vsel vm8, $0x138, v35  }
0x124: {  	v16 =	vsel vm7, $0x1E7, v16;
	v17 =	vsel vm7, $0x39E, v17;
	v18 =	vsel vm7, $0x1F7, v18  }
0x125: {  	v60 =	vsel vm7, $0x117, v37;
	v37 =	vsel vm7, $0x137, v24;
	v24 =	vsel vm7, $0x147, v26  }
0x126: {  	v26 =	vsel vm7, $0x157, v28;
	v28 =	vsel vm7, $0x167, v30;
	v16 =	vsel vm8, $0x1F8, v16  }
0x127: {  	v17 =	vsel vm8, $0x41F, v17;
	v18 =	vsel vm8, $0x108, v18;
	v52 =	vsel vm8, $0x148, v37  }
0x128: {  	v16 =	vsel vm9, $0x109, v16;
	v17 =	vsel vm9, $0x490, v17;
	v18 =	vsel vm9, $0x119, v18  }
0x129: {  	v20 =	vsel vm9, $0x159, v52;
	v16 =	vsel vm10, $0x11A, v16;
	v17 =	vsel vm10, $0x511, v17  }
0x12a: {  	v18 =	vsel vm10, $0x12A, v18;
	v20 =	vsel vm10, $0x16A, v20;
	v16 =	vsel vm11, $0x12B, v16  }
0x12b: {  	v17 =	vsel vm11, $0x592, v17;
	v18 =	vsel vm11, $0x13B, v18;
	v16 =	vsel vm12, $0x13C, v16  }
0x12c: {  	v20 =	vsel vm11, $0x17B, v20;
	v17 =	vsel vm12, $0x613, v17;
	v16 =	vsel vm13, $0x14D, v16  }
0x12d: {  	v20 =	vsel vm12, $0x18C, v20;
	v34 =	vsel vm14, $0x15E, v16;
	v16 =	vsel vm13, $0x694, v17  }
0x12e: {  	v20 =	vsel vm13, $0x19D, v20;
	v17 =	vsel vm12, $0x14C, v18;
	v58 =	vsel vm14, $0x715, v16  }
0x12f: {  	v16 =	vsel vm13, $0x15D, v17;
	v17 =	vsel vm6, $0x31E, v36;
	v36 =	vsel vm6, $0x31F, v40  }
0x130: {  	v40 =	vsel vm6, $0x310, v51;
	v17 =	vsel vm7, $0x39F, v17;
	v33 =	vsel vm14, $0x16E, v16  }
0x131: {  	s3 =	rddreg [dreg:$0x0];
	v56 =	vsel vm7, $0x390, v36;
	v36 =	vsel vm7, $0x392, v55;
	v16 =	vsel vm8, $0x410, v17  }
0x132: {  	s5 =	rddreg [dreg:$0x1];
	v17 =	vsel vm7, $0x107, v61;
	v18 =	vsel vm8, $0x411, v56;
	v61 =	vsel vm7, $0x391, v40  }
0x133: {  	s6 =	rddreg [dreg:$0x2];
	v40 =	vsel vm7, $0x393, v25;
	v25 =	vsel vm7, $0x394, v27;
	v27 =	vsel vm7, $0x395, v29  }
0x134: {  	s4 =	rddreg [dreg:$0x3];
	s2 =	simm.s32 $0x0;
	v32 =	vmovc v47;
	v47 =	vmovc v49;
	v29 =	vsel vm7, $0x396, v31;
	v49 =	vsel vm8, $0x413, v36;
	v16 =	vsel vm9, $0x491, v16  }
0x135: {  	s1 =	srdreg.scid;
	[smem:$0x7FF] =	sst s2;
	v17 =	vsel vm8, $0x118, v17;
	v18 =	vsel vm9, $0x492, v18;
	v56 =	vsel vm8, $0x414, v40  }
0x136: {  	s7 =	sand.u32 $0x1, s1;
	s1 =	rddreg [dreg:$0x4];
	_ =	strace $0x80000047;
	[tilespmem:$0x1FDE0] =	vst v48;
	v19 =	vsel vm9, $0x494, v49;
	v16 =	vsel vm10, $0x512, v16;
	v17 =	vsel vm9, $0x129, v17  }
0x137: {  	[tilespmem:$0x1FDF0] =	vst v50;
	v18 =	vsel vm10, $0x513, v18;
	v19 =	vsel vm10, $0x515, v19;
	v21 =	vsel vm9, $0x495, v56  }
0x138: {  	[tilespmem:$0x1FE00] =	vst v57;
	v16 =	vsel vm11, $0x593, v16;
	v17 =	vsel vm10, $0x13A, v17;
	v18 =	vsel vm11, $0x594, v18  }
0x139: {  	[tilespmem:$0x1FE20] =	vst v42;
	v19 =	vsel vm11, $0x596, v19;
	v21 =	vsel vm10, $0x516, v21;
	v16 =	vsel vm12, $0x614, v16  }
0x13a: {  	[tilespmem:$0x1FE30] =	vst v43;
	v17 =	vsel vm11, $0x14B, v17;
	v19 =	vsel vm12, $0x617, v19;
	v21 =	vsel vm11, $0x597, v21  }
0x13b: {  	[tilespmem:$0x1FE40] =	vst v41;
	v16 =	vsel vm13, $0x695, v16;
	v19 =	vsel vm13, $0x698, v19;
	v21 =	vsel vm12, $0x618, v21  }
0x13c: {  	[tilespmem:$0x1FE50] =	vst v46;
	v51 =	vsel vm14, $0x716, v16;
	v16 =	vsel vm12, $0x15C, v17;
	v17 =	vsel vm12, $0x615, v18  }
0x13d: {  	[tilespmem:$0x1FE60] =	vst v59;
	v18 =	vsel vm9, $0x149, v45;
	v31 =	vsel vm14, $0x719, v19;
	v21 =	vsel vm13, $0x699, v21  }
0x13e: {  	[tilespmem:$0x1FE70] =	vst v39;
	v16 =	vsel vm13, $0x16D, v16;
	v17 =	vsel vm13, $0x696, v17;
	v18 =	vsel vm10, $0x15A, v18  }
0x13f: {  	[tilespmem:$0x1FE80] =	vst v62;
	v21 =	vsel vm14, $0x71A, v21;
	v55 =	vsel vm14, $0x17E, v16;
	v54 =	vsel vm14, $0x717, v17  }
0x140: {  	[tilespmem:$0x1FE90] =	vst v38;
	v16 =	vsel vm8, $0x128, v60;
	v17 =	vsel vm8, $0x412, v61;
	v60 =	vsel vm8, $0x158, v24  }
0x141: {  	[tilespmem:$0x1FEA0] =	vst v63;
	v61 =	vsel vm8, $0x415, v25;
	v24 =	vsel vm8, $0x168, v26;
	v25 =	vsel vm8, $0x416, v27  }
0x142: {  	[tilespmem:$0x1FEB0] =	vst v53;
	v26 =	vsel vm8, $0x178, v28;
	v27 =	vsel vm8, $0x417, v29;
	v18 =	vsel vm11, $0x16B, v18  }
0x143: {  	[tilespmem:$0x1FED0] =	vst v32;
	v16 =	vsel vm9, $0x139, v16;
	v17 =	vsel vm9, $0x493, v17;
	v18 =	vsel vm12, $0x17C, v18  }
0x144: {  	[tilespmem:$0x1FE10] =	vst v47;
	v22 =	vsel vm9, $0x169, v60;
	v23 =	vsel vm9, $0x496, v61;
	v24 =	vsel vm9, $0x179, v24  }
0x145: {  	[tilespmem:$0x1FEE0] =	vst v34;
	v25 =	vsel vm9, $0x497, v25;
	v26 =	vsel vm9, $0x189, v26;
	v27 =	vsel vm9, $0x498, v27  }
0x146: {  	[tilespmem:$0x1FFF0] =	vst v58;
	v16 =	vsel vm10, $0x14A, v16;
	v17 =	vsel vm10, $0x514, v17;
	v18 =	vsel vm13, $0x18D, v18  }
0x147: {  	[tilespmem:$0x1FEF0] =	vst v33;
	v22 =	vsel vm10, $0x17A, v22;
	v23 =	vsel vm10, $0x517, v23;
	v24 =	vsel vm10, $0x18A, v24  }
0x148: {  	[tilespmem:$0x1FF00] =	vst v51;
	v25 =	vsel vm10, $0x518, v25;
	v26 =	vsel vm10, $0x19A, v26;
	v27 =	vsel vm10, $0x519, v27  }
0x149: {  	[tilespmem:$0x1FF60] =	vst v31;
	v16 =	vsel vm11, $0x15B, v16;
	v17 =	vsel vm11, $0x595, v17;
	v30 =	vsel vm14, $0x19E, v18  }
0x14a: {  	[tilespmem:$0x1FF80] =	vst v21;
	v22 =	vsel vm11, $0x18B, v22;
	v23 =	vsel vm11, $0x598, v23;
	v24 =	vsel vm11, $0x19B, v24  }
0x14b: {  	[tilespmem:$0x1FF10] =	vst v55;
	v25 =	vsel vm11, $0x599, v25;
	v26 =	vsel vm11, $0x1AB, v26;
	v16 =	vsel vm12, $0x16C, v16  }
0x14c: {  	[tilespmem:$0x1FF20] =	vst v54;
	v27 =	vsel vm11, $0x59A, v27;
	v17 =	vsel vm12, $0x616, v17;
	v16 =	vsel vm13, $0x17D, v16  }
0x14d: {  	v22 =	vsel vm12, $0x19C, v22;
	[tilespmem:$0x1FF50] =	vst v30;
	v17 =	vsel vm13, $0x697, v17;
	v40 =	vsel vm14, $0x18E, v16  }
0x14e: {  	s0 =	stileid.u32;
	s13 =	simm.s32 $0x10000;
	s14 =	simm.s32 $0x3;
	v23 =	vsel vm12, $0x619, v23;
	v22 =	vsel vm13, $0x1AD, v22;
	v36 =	vsel vm14, $0x718, v17;
	[tilespmem:$0x1FF30] =	vst v40  }
0x14f: {  	s15 =	simm.s32 $0x10200;
	s16 =	simm.s32 $0x8000;
	s8 =	sshll.u32 s0, $0x1;
	v24 =	vsel vm12, $0x1AC, v24;
	v23 =	vsel vm13, $0x69A, v23;
	v35 =	vsel vm14, $0x1BE, v22;
	[tilespmem:$0x1FF40] =	vst v36  }
0x150: {  	s17 =	simm.s32 $0x0;
	s10 =	sshrl.u32 s0, $0x2;
	s8 =	sor.u32 s7, s8;
	v25 =	vsel vm12, $0x61A, v25;
	v24 =	vsel vm13, $0x1BD, v24;
	v37 =	vsel vm14, $0x71B, v23;
	[tilespmem:$0x1FF90] =	vst v35  }
0x151: {  	s28 =	ssub.s32 $0x2, s7;
	s29 =	sshll.u32 s10, $0xC;
	s10 =	sshll.u32 s10, $0xA;
	v26 =	vsel vm12, $0x1BC, v26;
	v25 =	vsel vm13, $0x69B, v25;
	v24 =	vsel vm14, $0x1CE, v24;
	[tilespmem:$0x1FFA0] =	vst v37  }
0x152: {  	s9 =	sshll.u32 s8, $0xC;
	s7 =	sshrl.u32 s28, $0x1;
	s11 =	sshll.u32 s8, $0x7;
	v27 =	vsel vm12, $0x61B, v27;
	v26 =	vsel vm13, $0x1CD, v26;
	v45 =	vsel vm14, $0x71C, v25;
	[tilespmem:$0x1FFB0] =	vst v24  }
0x153: {  	s8 =	sshll.u32 s8, $0xE;
	s9 =	sadd.s32 s9, s4;
	s12 =	ssub.s32 s28, s7;
	v29 =	vlaneseq.u32;
	v27 =	vsel vm13, $0x69C, v27;
	v60 =	vsel vm14, $0x1DE, v26;
	[tilespmem:$0x1FFC0] =	vst v45  }
0x154: {  	s30 =	sand.u32 $0x380, s11;
	s3 =	sadd.s32 s3, s8;
	s11 =	simm.s32 $0x80;
	vm6 =	vcmask $0x1B24;
	v61 =	vsel vm14, $0x71D, v27;
	v26 =	vmul.u32 $0x81, v29;
	[tilespmem:$0x1FFD0] =	vst v60  }
0x155: {  	s4 =	sor.u32 s29, s30;
	s7 =	sor.u32 s10, s30;
	s8 =	sadd.s32 $0x400, s9;
	vm7 =	vcmask $0x1720;
	vm8 =	vcmask $0x131C;
	v28 =	vimm.f32 $0.0e+00;
	[tilespmem:$0x1FFE0] =	vst v61  }
0x156: {  	s9 =	smax.u32 s12, $0x1;
	s10 =	simm.s32 $0x2000;
	s12 =	simm.s32 $0x400;
	vm9 =	vcmask $0xF18;
	vm10 =	vcmask $0xB14;
	vm11 =	vcmask $0x710;
	v16 =	vmovc v44;
	[tilespmem:$0x1FDD0] =	vst v26  }
0x157: {  	s31 =	sshrl.u32 s4, $0x3;
	s4 =	sadd.s32 $0x400, s3;
	s7 =	sshrl.u32 s7, $0x3;
	vm12 =	vcmask $0x30C;
	vm13 =	vcmask $0x3F08;
	v44 =	vsel vm14, $0x1AE, v20;
	[tilespmem:$0x1FEC0] =	vst v16  }
0x158: {  	s5 =	sadd.s32 s5, s31;
	s6 =	sadd.s32 s6, s7;
	s7 =	sadd.s32 $0x800, s3;
	v27 =	vimm.f32 $1.000010010e+00;
	v25 =	vmul.u32 $0x11, v29;
	vm14 =	vcmask $0x3B04;
	[tilespmem:$0x1FF70] =	vst v44  }
.LBB2_1:
0x159: {  	[tilespmem:s2], [sflag:$0x1] =	stream.linear.gather [hbm4b:s3+s2], $0x2000, $0x38;
	[tilespmem:$0x10500] =	vst v63  }
0x15a: {  	_ = 	snop  }
0x15b: {  	[tilespmem:s10], [sflag:$0x2] =	stream.linear.gather [hbm4b:s4+s2], $0x2000, $0x38;
	[tilespmem:$0x10500] =	vst v63  }
0x15c: {  	_ = 	snop  }
0x15d: {  	[tilespmem:s13], [sflag:$0x3] =	stream.strided.gather [hbm4b:s5+s11], $0x200, s12, s11, $0x38;
	[tilespmem:$0x10500] =	vst v63  }
0x15e: {  	_ =	swait.ge [sflag:s14], $0x200  }
0x15f: {  	[sflag:s14] =	ssyncset.done $0x0  }
0x160: {  	[sflag:s14] =	ssyncadd.s32 $0xFFFFFE00  }
0x161: {  	[tilespmem:s15], [sflag:$0x3] =	stream.linear.gather [hbm4b:s6+s2], $0x80, $0x38;
	[tilespmem:$0x10500] =	vst v63  }
0x162: {  	_ =	swait.ge [sflag:s14], $0x80  }
0x163: {  	[sflag:s14] =	ssyncset.done $0x0  }
0x164: {  	s18 =	simm.s32 $0x0;
	s19 =	simm.s32 $0x1000;
	[sflag:s14] =	ssyncadd.s32 $0xFFFFFF80  }
.LBB2_2:
0x165: {  	p0 =	sne.s32 s19, $0xF000;
	[tilespmem:s18+$0x41D0] =	vst v28  }
0x166: {  	[tilespmem:s18+$0x4000] =	vst v28  }
0x167: {  	[tilespmem:s18+$0x4010] =	vst v28  }
0x168: {  	[tilespmem:s18+$0x4020] =	vst v28  }
0x169: {  	[tilespmem:s18+$0x4030] =	vst v28  }
0x16a: {  	[tilespmem:s18+$0x4040] =	vst v28  }
0x16b: {  	[tilespmem:s18+$0x4050] =	vst v28  }
0x16c: {  	[tilespmem:s18+$0x4060] =	vst v28  }
0x16d: {  	[tilespmem:s18+$0x4070] =	vst v28  }
0x16e: {  	[tilespmem:s18+$0x4080] =	vst v28  }
0x16f: {  	[tilespmem:s18+$0x4090] =	vst v28  }
0x170: {  	[tilespmem:s18+$0x40A0] =	vst v28  }
0x171: {  	[tilespmem:s18+$0x40B0] =	vst v28  }
0x172: {  	[tilespmem:s18+$0x40C0] =	vst v28  }
0x173: {  	[tilespmem:s18+$0x40D0] =	vst v28  }
0x174: {  	[tilespmem:s18+$0x40E0] =	vst v28  }
0x175: {  	[tilespmem:s18+$0x40F0] =	vst v28  }
0x176: {  	[tilespmem:s18+$0x4100] =	vst v28  }
0x177: {  	[tilespmem:s18+$0x4110] =	vst v28  }
0x178: {  	[tilespmem:s18+$0x4120] =	vst v28  }
0x179: {  	[tilespmem:s18+$0x4130] =	vst v28  }
0x17a: {  	[tilespmem:s18+$0x4140] =	vst v28  }
0x17b: {  	[tilespmem:s18+$0x4150] =	vst v28  }
0x17c: {  	[tilespmem:s18+$0x4160] =	vst v28  }
0x17d: {  	[tilespmem:s18+$0x4170] =	vst v28  }
.Ltmp0:
0x17e: {  	[tilespmem:s18+$0x4180] =	vst v28;
	(pc) =	sbr.rel @p0 .LBB2_2-.Ltmp0, $4  }
0x17f: {  	[tilespmem:s18+$0x4190] =	vst v28  }
0x180: {  	[tilespmem:s18+$0x41A0] =	vst v28  }
0x181: {  	[tilespmem:s18+$0x41B0] =	vst v28  }
0x182: {  	[tilespmem:s18+$0x41C0] =	vst v28;
	s18 =	sshra.s32 s19, $0x2;
	s19 =	sadd.s32 $0x1000, s19  }
0x183: {  	[tilespmem:s18+$0x41D0] =	vst v28  }
0x184: {  	[tilespmem:s18+$0x4000] =	vst v28  }
0x185: {  	[tilespmem:s18+$0x4010] =	vst v28  }
0x186: {  	[tilespmem:s18+$0x4020] =	vst v28  }
0x187: {  	[tilespmem:s18+$0x4030] =	vst v28  }
0x188: {  	[tilespmem:s18+$0x4040] =	vst v28  }
0x189: {  	[tilespmem:s18+$0x4050] =	vst v28  }
0x18a: {  	[tilespmem:s18+$0x4060] =	vst v28  }
0x18b: {  	[tilespmem:s18+$0x4070] =	vst v28  }
0x18c: {  	[tilespmem:s18+$0x4080] =	vst v28  }
0x18d: {  	[tilespmem:s18+$0x4090] =	vst v28  }
0x18e: {  	[tilespmem:s18+$0x40A0] =	vst v28  }
0x18f: {  	[tilespmem:s18+$0x40B0] =	vst v28  }
0x190: {  	[tilespmem:s18+$0x40C0] =	vst v28  }
0x191: {  	[tilespmem:s18+$0x40D0] =	vst v28  }
0x192: {  	[tilespmem:s18+$0x40E0] =	vst v28  }
0x193: {  	[tilespmem:s18+$0x40F0] =	vst v28  }
0x194: {  	[tilespmem:s18+$0x4100] =	vst v28  }
0x195: {  	[tilespmem:s18+$0x4110] =	vst v28  }
0x196: {  	[tilespmem:s18+$0x4120] =	vst v28  }
0x197: {  	[tilespmem:s18+$0x4130] =	vst v28  }
0x198: {  	[tilespmem:s18+$0x4140] =	vst v28  }
0x199: {  	[tilespmem:s18+$0x4150] =	vst v28  }
0x19a: {  	[tilespmem:s18+$0x4160] =	vst v28  }
0x19b: {  	[tilespmem:s18+$0x4170] =	vst v28  }
0x19c: {  	[tilespmem:s18+$0x4180] =	vst v28  }
0x19d: {  	[tilespmem:s18+$0x4190] =	vst v28  }
0x19e: {  	[tilespmem:s18+$0x41A0] =	vst v28  }
0x19f: {  	[tilespmem:s18+$0x41B0] =	vst v28  }
0x1a0: {  	[tilespmem:s18+$0x41C0] =	vst v28;
	s18 =	simm.s32 $0x0  }
0x1a1: {  	v32 =	vld [tilespmem:s18+$0x10000]  }
0x1a2: {  	s19 =	simm.s32 $0x40  }
.LBB2_4:
0x1a3: {  	p0 =	sne.s32 s19, $0x7C0  }
.Ltmp1:
0x1a4: {  	_ = 	snop;
	(pc) =	sbr.rel @p0 .LBB2_4-.Ltmp1, $4  }
0x1a5: {  	_ = 	snop  }
0x1a6: {  	s20 =	sshra.s32 s19, $0x2;
	s19 =	sadd.s32 $0x40, s19;
	vm15 =	veq.s32 v32, $0xFFFFFFFF  }
0x1a7: {  	v32 =	vld [tilespmem:s20+$0x10000];
	v33 =	vsel vm15, $0x40400000, v27  }
0x1a8: {  	[tilespmem:s18+$0x10280] =	vst v33;
	s18 =	smov.u32 s20  }
0x1a9: {  	_ =	sdelay $0x2  }
0x1aa: {  	vm15 =	veq.s32 v32, $0xFFFFFFFF  }
0x1ab: {  	v32 =	vsel vm15, $0x40400000, v27  }
0x1ac: {  	[tilespmem:s18+$0x10280] =	vst v32  }
0x1ad: {  	v32 =	vld [tilespmem:$0x10200]  }
0x1ae: {  	v33 =	vld [tilespmem:$0x10210];
	_ =	sdelay $0x3  }
0x1af: {  	v16 =	vimm.f32 $1.000000000e+00;
	vm15 =	veq.s32 v32, $0xFFFFFFFF  }
0x1b0: {  	v32 =	vsel vm15, $0x0, v16;
	vm15 =	veq.s32 v33, $0xFFFFFFFF  }
0x1b1: {  	[tilespmem:$0x10480] =	vst v32;
	v63 =	vsel vm15, $0x0, v16  }
0x1b2: {  	s19 =	simm.s32 $0x0;
	s18 =	simm.s32 $0x0;
	[tilespmem:$0x10490] =	vst v63  }
.LBB2_6:
0x1b3: {  	v32 =	vmov s18  }
0x1b4: {  	v33 =	vor.u32 s18, v10;
	v34 =	vor.u32 s18, v12;
	v35 =	vor.u32 s18, v11  }
0x1b5: {  	s22 =	sand.u32 $0x1, s19;
	v36 =	vor.u32 s18, v15;
	v37 =	vor.u32 s18, v29;
	v38 =	vor.u32 s18, v5  }
0x1b6: {  	v40 =	vor.u32 s18, v9;
	v41 =	vor.u32 s18, v6;
	s20 =	sadd.s32 $0x1, s22;
	v32 =	vshll.u32 v32, $0x3  }
0x1b7: {  	v42 =	vor.u32 s18, v13;
	v43 =	vor.u32 s18, v2;
	_ =	swait.ge [sflag:s20], $0x2000;
	v32 =	vand.u32 $0xC00, v32  }
0x1b8: {  	v49 =	vor.u32 s18, v1;
	v37 =	vand.u32 $0x7F, v37;
	[sflag:s20] =	ssyncset.done $0x0;
	v32 =	vor.u32 v0, v32  }
0x1b9: {  	s21 =	simm.s32 $0x10280;
	v44 =	vor.u32 s18, v4;
	v49 =	vand.u32 $0x7F, v49;
	[sflag:s20] =	ssyncadd.s32 $0xFFFFE000;
	v37 =	vor.u32 v37, v32  }
0x1ba: {  	v47 =	vor.u32 s18, v3;
	v43 =	vand.u32 $0x7F, v43;
	v49 =	vor.u32 v49, v32;
	v39 =	vld [tilespmem:s21+$0x0]  }
0x1bb: {  	v45 =	vor.u32 s18, v8;
	v47 =	vand.u32 $0x7F, v47;
	v43 =	vor.u32 v43, v32  }
0x1bc: {  	v51 =	vor.u32 s18, v14;
	v52 =	vor.u32 s18, v7;
	v47 =	vor.u32 v47, v32  }
0x1bd: {  	v36 =	vand.u32 $0x7F, v36;
	v38 =	vand.u32 $0x7F, v38;
	v33 =	vand.u32 $0x7F, v33;
	s21 =	sshll.u32 s22, $0xD  }
0x1be: {  	v34 =	vand.u32 $0x7F, v34;
	v35 =	vand.u32 $0x7F, v35;
	v42 =	vand.u32 $0x7F, v42;
	v37 =	vld.idx.msk [tilespmem:v37+s21+$0x0], $0xffff  }
0x1bf: {  	v44 =	vand.u32 $0x7F, v44;
	v45 =	vand.u32 $0x7F, v45;
	v49 =	vld.idx.msk [tilespmem:v49+s21+$0x0], $0xffff;
	v46 =	vperm.xlane v39, v1  }
0x1c0: {  	v40 =	vand.u32 $0x7F, v40;
	v41 =	vand.u32 $0x7F, v41;
	v44 =	vor.u32 v44, v32;
	v43 =	vld.idx.msk [tilespmem:v43+s21+$0x0], $0xffff  }
0x1c1: {  	v51 =	vand.u32 $0x7F, v51;
	v52 =	vand.u32 $0x7F, v52;
	v47 =	vld.idx.msk [tilespmem:v47+s21+$0x0], $0xffff;
	v48 =	vperm.xlane v46, v1  }
0x1c2: {  	v38 =	vor.u32 v38, v32;
	v34 =	vor.u32 v34, v32;
	v42 =	vor.u32 v42, v32  }
0x1c3: {  	v33 =	vor.u32 v33, v32;
	v45 =	vor.u32 v45, v32;
	v50 =	vperm.xlane v48, v1  }
0x1c4: {  	v41 =	vor.u32 v41, v32;
	v37 =	vadd.f32 v37, v39;
	v46 =	vadd.f32 v46, v49  }
0x1c5: {  	v35 =	vor.u32 v35, v32;
	v22 =	vld.idx.msk [tilespmem:v44+s21+$0x0], $0xffff;
	v43 =	vadd.f32 v48, v43;
	v23 =	vperm.xlane v50, v1  }
0x1c6: {  	v37 =	vmul.f32 $2.320000000e+02, v37;
	v47 =	vadd.f32 v50, v47;
	v46 =	vmul.f32 $2.320000000e+02, v46  }
0x1c7: {  	v56 =	vor.u32 v52, v32;
	v38 =	vld.idx.msk [tilespmem:v38+s21+$0x0], $0xffff;
	v43 =	vmul.f32 $2.320000000e+02, v43;
	v53 =	vperm.xlane v23, v1  }
0x1c8: {  	v51 =	vor.u32 v51, v32;
	v37 =	vtrunc.f32 v37;
	v47 =	vmul.f32 $2.320000000e+02, v47  }
0x1c9: {  	v40 =	vor.u32 v40, v32;
	v46 =	vtrunc.f32 v46;
	v43 =	vtrunc.f32 v43  }
0x1ca: {  	v41 =	vld.idx.msk [tilespmem:v41+s21+$0x0], $0xffff;
	v39 =	vadd.f32 v23, v22;
	v37 =	vcvt.f32.s32 v37;
	v62 =	vcvt.f32.s32 v46  }
0x1cb: {  	v32 =	vor.u32 v36, v32;
	v43 =	vcvt.f32.s32 v43;
	v54 =	vperm.xlane v53, v1  }
0x1cc: {  	v44 =	vld.idx.msk [tilespmem:v56+s21+$0x0], $0xffff;
	v38 =	vadd.f32 v53, v38;
	v39 =	vmul.f32 $2.320000000e+02, v39;
	v47 =	vtrunc.f32 v47  }
0x1cd: {  	v37 =	vand.u32 $0xFFFFFFF0, v37;
	v47 =	vcvt.f32.s32 v47;
	v43 =	vand.u32 $0xFFFFFFF0, v43  }
0x1ce: {  	v57 =	vperm.xlane v54, v1;
	v38 =	vmul.f32 $2.320000000e+02, v38;
	v37 =	vor.u32 v29, v37  }
0x1cf: {  	v45 =	vld.idx.msk [tilespmem:v45+s21+$0x0], $0xffff;
	v39 =	vtrunc.f32 v39;
	v41 =	vadd.f32 v54, v41;
	v43 =	vor.u32 v29, v43  }
0x1d0: {  	v39 =	vcvt.f32.s32 v39;
	v47 =	vand.u32 $0xFFFFFFF0, v47;
	v58 =	vperm.xlane v57, v1  }
0x1d1: {  	v38 =	vtrunc.f32 v38;
	v36 =	vadd.f32 v57, v44;
	v41 =	vmul.f32 $2.320000000e+02, v41  }
0x1d2: {  	v40 =	vld.idx.msk [tilespmem:v40+s21+$0x0], $0xffff;
	v44 =	vand.u32 $0xFFFFFFF0, v62;
	v47 =	vor.u32 v29, v47;
	v38 =	vcvt.f32.s32 v38  }
0x1d3: {  	v33 =	vld.idx.msk [tilespmem:v33+s21+$0x0], $0xffff;
	v39 =	vand.u32 $0xFFFFFFF0, v39;
	v44 =	vor.u32 v29, v44;
	v59 =	vperm.xlane v58, v1  }
0x1d4: {  	v45 =	vadd.f32 v58, v45;
	v41 =	vtrunc.f32 v41;
	v36 =	vmul.f32 $2.320000000e+02, v36  }
0x1d5: {  	v34 =	vld.idx.msk [tilespmem:v34+s21+$0x0], $0xffff;
	v39 =	vor.u32 v29, v39;
	v41 =	vcvt.f32.s32 v41;
	v60 =	vperm.xlane v59, v1  }
0x1d6: {  	v35 =	vld.idx.msk [tilespmem:v35+s21+$0x0], $0xffff;
	v38 =	vand.u32 $0xFFFFFFF0, v38;
	v45 =	vmul.f32 $2.320000000e+02, v45;
	v36 =	vtrunc.f32 v36  }
0x1d7: {  	s22 =	sshll.u32 s22, $0x4;
	v20 =	vld.idx.msk [tilespmem:v32+s21+$0x0], $0xffff;
	v40 =	vadd.f32 v59, v40;
	v38 =	vor.u32 v29, v38;
	v36 =	vcvt.f32.s32 v36  }
0x1d8: {  	v32 =	vld [tilespmem:s22+$0x10480];
	v41 =	vand.u32 $0xFFFFFFF0, v41;
	v61 =	vperm.xlane v60, v1;
	v33 =	vadd.f32 v60, v33  }
0x1d9: {  	v40 =	vmul.f32 $2.320000000e+02, v40;
	v41 =	vor.u32 v29, v41;
	v45 =	vtrunc.f32 v45  }
0x1da: {  	s31 =	sshll.u32 s19, $0xA;
	v36 =	vand.u32 $0xFFFFFFF0, v36;
	v23 =	vcvt.f32.s32 v45;
	v63 =	vperm.xlane v61, v1  }
0x1db: {  	s22 =	sand.u32 $0x3FFFFC00, s31;
	v42 =	vld.idx.msk [tilespmem:v42+s21+$0x0], $0xffff;
	v33 =	vmul.f32 $2.320000000e+02, v33;
	v40 =	vtrunc.f32 v40;
	v35 =	vadd.f32 v61, v35  }
0x1dc: {  	v21 =	vld.idx.msk [tilespmem:v51+s21+$0x0], $0xffff;
	s22 =	sadd.s32 $0x4000, s22;
	v36 =	vor.u32 v29, v36;
	v40 =	vcvt.f32.s32 v40;
	v18 =	vperm.xlane v63, v1  }
0x1dd: {  	[tilespmem:v37+s22+$0x0] =	vst.idx.add.f32.msk $0xffff, v32;
	v37 =	vand.u32 $0xFFFFFFF0, v23;
	v33 =	vtrunc.f32 v33;
	v34 =	vadd.f32 v63, v34  }
0x1de: {  	v35 =	vmul.f32 $2.320000000e+02, v35;
	v37 =	vor.u32 v29, v37;
	v19 =	vperm.xlane v18, v1  }
0x1df: {  	v33 =	vcvt.f32.s32 v33;
	v40 =	vand.u32 $0xFFFFFFF0, v40;
	v34 =	vmul.f32 $2.320000000e+02, v34  }
0x1e0: {  	[tilespmem:v44+s22+$0x0] =	vst.idx.add.f32.msk $0xffff, v32;
	v35 =	vtrunc.f32 v35;
	v42 =	vadd.f32 v18, v42;
	v22 =	vperm.xlane v19, v1  }
0x1e1: {  	[tilespmem:v43+s22+$0x0] =	vst.idx.add.f32.msk $0xffff, v32;
	v40 =	vor.u32 v29, v40;
	v35 =	vcvt.f32.s32 v35;
	v51 =	vadd.f32 v19, v21  }
0x1e2: {  	[tilespmem:v47+s22+$0x0] =	vst.idx.add.f32.msk $0xffff, v32;
	v33 =	vand.u32 $0xFFFFFFF0, v33;
	v54 =	vmul.f32 $2.320000000e+02, v42;
	v49 =	vadd.f32 v22, v20  }
0x1e3: {  	[tilespmem:v39+s22+$0x0] =	vst.idx.add.f32.msk $0xffff, v32;
	v34 =	vtrunc.f32 v34;
	v55 =	vor.u32 v29, v33;
	v52 =	vmul.f32 $2.320000000e+02, v51  }
0x1e4: {  	[tilespmem:v38+s22+$0x0] =	vst.idx.add.f32.msk $0xffff, v32;
	v35 =	vand.u32 $0xFFFFFFF0, v35;
	v59 =	vtrunc.f32 v54;
	v49 =	vmul.f32 $2.320000000e+02, v49  }
0x1e5: {  	[tilespmem:v41+s22+$0x0] =	vst.idx.add.f32.msk $0xffff, v32;
	v56 =	vcvt.f32.s32 v34;
	v58 =	vor.u32 v29, v35;
	v35 =	vcvt.f32.s32 v59  }
0x1e6: {  	[tilespmem:v36+s22+$0x0] =	vst.idx.add.f32.msk $0xffff, v32;
	v57 =	vtrunc.f32 v52;
	v44 =	vtrunc.f32 v49  }
0x1e7: {  	[tilespmem:v37+s22+$0x0] =	vst.idx.add.f32.msk $0xffff, v32;
	v61 =	vand.u32 $0xFFFFFFF0, v56;
	v34 =	vcvt.f32.s32 v57;
	v53 =	vcvt.f32.s32 v44  }
0x1e8: {  	[tilespmem:v40+s22+$0x0] =	vst.idx.add.f32.msk $0xffff, v32;
	v63 =	vand.u32 $0xFFFFFFF0, v35;
	v35 =	vor.u32 v29, v61  }
0x1e9: {  	[tilespmem:v55+s22+$0x0] =	vst.idx.add.f32.msk $0xffff, v32;
	v36 =	vor.u32 v29, v63;
	v62 =	vand.u32 $0xFFFFFFF0, v34;
	v60 =	vand.u32 $0xFFFFFFF0, v53  }
0x1ea: {  	s23 =	simm.s32 $0x10;
	s24 =	simm.s32 $0x10290;
	[tilespmem:v58+s22+$0x0] =	vst.idx.add.f32.msk $0xffff, v32;
	v33 =	vor.u32 v29, v62;
	v34 =	vor.u32 v29, v60  }
.LBB2_7:
0x1eb: {  	v37 =	vmov s23;
	v38 =	vor.u32 s23, v10;
	v39 =	vor.u32 s23, v12;
	p0 =	sne.s32 s23, $0x1F0;
	s25 =	smov.u32 s23;
	s23 =	sadd.s32 $0x10, s23  }
0x1ec: {  	v37 =	vshll.u32 v37, $0x3;
	v40 =	vor.u32 s25, v11;
	v41 =	vor.u32 s25, v15  }
0x1ed: {  	v42 =	vor.u32 s25, v29;
	v37 =	vand.u32 $0xC00, v37;
	v41 =	vand.u32 $0x7F, v41  }
0x1ee: {  	v43 =	vor.u32 s25, v5;
	v42 =	vand.u32 $0x7F, v42;
	v37 =	vor.u32 v0, v37;
	[tilespmem:v35+s22+$0x0] =	vst.idx.add.f32.msk $0xffff, v32  }
0x1ef: {  	v38 =	vand.u32 $0x7F, v38;
	v35 =	vor.u32 v42, v37;
	v42 =	vand.u32 $0x7F, v43;
	[tilespmem:v36+s22+$0x0] =	vst.idx.add.f32.msk $0xffff, v32  }
0x1f0: {  	v39 =	vand.u32 $0x7F, v39;
	v36 =	vor.u32 v42, v37;
	v42 =	vor.u32 s25, v9;
	[tilespmem:v33+s22+$0x0] =	vst.idx.add.f32.msk $0xffff, v32  }
0x1f1: {  	v40 =	vand.u32 $0x7F, v40;
	v43 =	vor.u32 s25, v6;
	v33 =	vor.u32 s25, v13;
	[tilespmem:v34+s22+$0x0] =	vst.idx.add.f32.msk $0xffff, v32  }
0x1f2: {  	v44 =	vor.u32 s25, v2;
	v45 =	vor.u32 s25, v4;
	v33 =	vand.u32 $0x7F, v33;
	v34 =	vld [tilespmem:s24+$0x0]  }
0x1f3: {  	v46 =	vor.u32 s25, v8;
	v39 =	vor.u32 v39, v37;
	v33 =	vor.u32 v33, v37  }
0x1f4: {  	v46 =	vand.u32 $0x7F, v46;
	v38 =	vor.u32 v38, v37;
	v42 =	vand.u32 $0x7F, v42;
	v35 =	vld.idx.msk [tilespmem:v35+s21+$0x0], $0xffff  }
0x1f5: {  	v47 =	vor.u32 s25, v14;
	v45 =	vand.u32 $0x7F, v45;
	v46 =	vor.u32 v46, v37  }
0x1f6: {  	v48 =	vor.u32 s25, v1;
	v49 =	vor.u32 s25, v3;
	v50 =	vor.u32 s25, v7  }
0x1f7: {  	v45 =	vor.u32 v45, v37;
	v40 =	vor.u32 v40, v37;
	v51 =	vperm.xlane v34, v1  }
0x1f8: {  	v49 =	vand.u32 $0x7F, v49;
	v50 =	vand.u32 $0x7F, v50;
	v47 =	vand.u32 $0x7F, v47  }
0x1f9: {  	v48 =	vand.u32 $0x7F, v48;
	v47 =	vor.u32 v47, v37;
	v52 =	vperm.xlane v51, v1  }
0x1fa: {  	v48 =	vor.u32 v48, v37;
	v49 =	vor.u32 v49, v37;
	v34 =	vadd.f32 v35, v34  }
0x1fb: {  	v42 =	vor.u32 v42, v37;
	v35 =	vld.idx.msk [tilespmem:v36+s21+$0x0], $0xffff;
	v36 =	vand.u32 $0x7F, v43;
	v43 =	vperm.xlane v52, v1  }
0x1fc: {  	v44 =	vand.u32 $0x7F, v44;
	v34 =	vmul.f32 $2.320000000e+02, v34;
	v45 =	vld.idx.msk [tilespmem:v45+s21+$0x0], $0xffff;
	v36 =	vor.u32 v36, v37  }
0x1fd: {  	v44 =	vor.u32 v44, v37;
	v50 =	vor.u32 v50, v37;
	v53 =	vperm.xlane v43, v1  }
0x1fe: {  	v37 =	vor.u32 v41, v37;
	v34 =	vtrunc.f32 v34;
	v46 =	vld.idx.msk [tilespmem:v46+s21+$0x0], $0xffff  }
0x1ff: {  	v34 =	vcvt.f32.s32 v34;
	v41 =	vld.idx.msk [tilespmem:v49+s21+$0x0], $0xffff;
	v49 =	vperm.xlane v53, v1  }
0x200: {  	v48 =	vld.idx.msk [tilespmem:v48+s21+$0x0], $0xffff  }
0x201: {  	v34 =	vand.u32 $0xFFFFFFF0, v34;
	v36 =	vld.idx.msk [tilespmem:v36+s21+$0x0], $0xffff;
	v54 =	vperm.xlane v49, v1;
	v35 =	vadd.f32 v49, v35  }
0x202: {  	v45 =	vadd.f32 v53, v45;
	v34 =	vor.u32 v29, v34;
	v44 =	vld.idx.msk [tilespmem:v44+s21+$0x0], $0xffff  }
0x203: {  	v49 =	vperm.xlane v54, v1;
	v35 =	vmul.f32 $2.320000000e+02, v35  }
0x204: {  	v45 =	vmul.f32 $2.320000000e+02, v45  }
0x205: {  	v41 =	vadd.f32 v43, v41;
	v42 =	vld.idx.msk [tilespmem:v42+s21+$0x0], $0xffff;
	v53 =	vperm.xlane v49, v1;
	v35 =	vtrunc.f32 v35  }
0x206: {  	v43 =	vadd.f32 v51, v48;
	v45 =	vtrunc.f32 v45;
	v38 =	vld.idx.msk [tilespmem:v38+s21+$0x0], $0xffff;
	v35 =	vcvt.f32.s32 v35  }
0x207: {  	v36 =	vadd.f32 v54, v36;
	v41 =	vmul.f32 $2.320000000e+02, v41;
	v48 =	vld.idx.msk [tilespmem:v50+s21+$0x0], $0xffff;
	v46 =	vadd.f32 v53, v46  }
0x208: {  	v45 =	vcvt.f32.s32 v45;
	v50 =	vperm.xlane v53, v1;
	v44 =	vadd.f32 v52, v44  }
0x209: {  	v43 =	vmul.f32 $2.320000000e+02, v43;
	v41 =	vtrunc.f32 v41;
	v35 =	vand.u32 $0xFFFFFFF0, v35  }
0x20a: {  	v45 =	vand.u32 $0xFFFFFFF0, v45;
	v51 =	vperm.xlane v50, v1;
	v46 =	vmul.f32 $2.320000000e+02, v46  }
0x20b: {  	v43 =	vtrunc.f32 v43;
	v42 =	vadd.f32 v50, v42;
	v39 =	vld.idx.msk [tilespmem:v39+s21+$0x0], $0xffff  }
0x20c: {  	v44 =	vmul.f32 $2.320000000e+02, v44;
	v50 =	vperm.xlane v51, v1;
	v38 =	vadd.f32 v51, v38  }
0x20d: {  	v36 =	vmul.f32 $2.320000000e+02, v36;
	v43 =	vcvt.f32.s32 v43;
	v48 =	vadd.f32 v49, v48;
	v40 =	vld.idx.msk [tilespmem:v40+s21+$0x0], $0xffff  }
0x20e: {  	v35 =	vor.u32 v29, v35;
	v42 =	vmul.f32 $2.320000000e+02, v42;
	v49 =	vperm.xlane v50, v1  }
0x20f: {  	v41 =	vcvt.f32.s32 v41;
	v43 =	vand.u32 $0xFFFFFFF0, v43;
	v38 =	vmul.f32 $2.320000000e+02, v38  }
0x210: {  	v43 =	vor.u32 v29, v43;
	v42 =	vtrunc.f32 v42;
	v51 =	vperm.xlane v49, v1  }
0x211: {  	v36 =	vtrunc.f32 v36;
	v41 =	vand.u32 $0xFFFFFFF0, v41;
	v38 =	vtrunc.f32 v38  }
0x212: {  	v44 =	vtrunc.f32 v44;
	v48 =	vmul.f32 $2.320000000e+02, v48;
	v39 =	vadd.f32 v49, v39  }
0x213: {  	v44 =	vcvt.f32.s32 v44;
	v49 =	vperm.xlane v51, v1;
	v40 =	vadd.f32 v50, v40;
	v37 =	vld.idx.msk [tilespmem:v37+s21+$0x0], $0xffff  }
0x214: {  	v45 =	vor.u32 v29, v45;
	v38 =	vcvt.f32.s32 v38;
	v39 =	vmul.f32 $2.320000000e+02, v39  }
0x215: {  	v44 =	vand.u32 $0xFFFFFFF0, v44;
	v48 =	vtrunc.f32 v48;
	v40 =	vmul.f32 $2.320000000e+02, v40  }
0x216: {  	v36 =	vcvt.f32.s32 v36;
	v44 =	vor.u32 v29, v44;
	v48 =	vcvt.f32.s32 v48;
	v47 =	vld.idx.msk [tilespmem:v47+s21+$0x0], $0xffff  }
0x217: {  	v41 =	vor.u32 v29, v41;
	v50 =	vperm.xlane v49, v1;
	v40 =	vtrunc.f32 v40;
	v33 =	vld.idx.msk [tilespmem:v33+s21+$0x0], $0xffff  }
0x218: {  	v40 =	vcvt.f32.s32 v40;
	[tilespmem:v34+s22+$0x0] =	vst.idx.add.f32.msk $0xffff, v32;
	v34 =	vand.u32 $0xFFFFFFF0, v36;
	v36 =	vand.u32 $0xFFFFFFF0, v48  }
0x219: {  	v37 =	vadd.f32 v50, v37;
	v34 =	vor.u32 v29, v34;
	v36 =	vor.u32 v29, v36  }
0x21a: {  	v46 =	vtrunc.f32 v46;
	v38 =	vand.u32 $0xFFFFFFF0, v38;
	v40 =	vand.u32 $0xFFFFFFF0, v40;
	[tilespmem:v43+s22+$0x0] =	vst.idx.add.f32.msk $0xffff, v32  }
0x21b: {  	v42 =	vcvt.f32.s32 v42;
	v37 =	vmul.f32 $2.320000000e+02, v37;
	[tilespmem:v44+s22+$0x0] =	vst.idx.add.f32.msk $0xffff, v32  }
0x21c: {  	v39 =	vtrunc.f32 v39;
	v43 =	vadd.f32 v49, v47;
	v44 =	vcvt.f32.s32 v46;
	[tilespmem:v41+s22+$0x0] =	vst.idx.add.f32.msk $0xffff, v32  }
0x21d: {  	v33 =	vadd.f32 v51, v33;
	v37 =	vtrunc.f32 v37;
	v41 =	vand.u32 $0xFFFFFFF0, v42;
	[tilespmem:v45+s22+$0x0] =	vst.idx.add.f32.msk $0xffff, v32  }
0x21e: {  	v42 =	vmul.f32 $2.320000000e+02, v43;
	v37 =	vcvt.f32.s32 v37;
	[tilespmem:v35+s22+$0x0] =	vst.idx.add.f32.msk $0xffff, v32;
	v35 =	vand.u32 $0xFFFFFFF0, v44  }
0x21f: {  	v39 =	vcvt.f32.s32 v39;
	v33 =	vmul.f32 $2.320000000e+02, v33;
	[tilespmem:v34+s22+$0x0] =	vst.idx.add.f32.msk $0xffff, v32;
	v34 =	vor.u32 v29, v35  }
0x220: {  	v35 =	vtrunc.f32 v42;
	v37 =	vand.u32 $0xFFFFFFF0, v37;
	[tilespmem:v36+s22+$0x0] =	vst.idx.add.f32.msk $0xffff, v32;
	v36 =	vor.u32 v29, v41  }
0x221: {  	v38 =	vor.u32 v29, v38;
	v33 =	vtrunc.f32 v33;
	v35 =	vcvt.f32.s32 v35  }
0x222: {  	v39 =	vand.u32 $0xFFFFFFF0, v39;
	v40 =	vor.u32 v29, v40;
	v33 =	vcvt.f32.s32 v33  }
.Ltmp2:
0x223: {  	v35 =	vand.u32 $0xFFFFFFF0, v35;
	(pc) =	sbr.rel @p0 .LBB2_7-.Ltmp2, $4  }
0x224: {  	[tilespmem:v34+s22+$0x0] =	vst.idx.add.f32.msk $0xffff, v32;
	v34 =	vand.u32 $0xFFFFFFF0, v33;
	v33 =	vor.u32 v29, v35  }
0x225: {  	[tilespmem:v36+s22+$0x0] =	vst.idx.add.f32.msk $0xffff, v32  }
0x226: {  	v35 =	vor.u32 v29, v39;
	[tilespmem:v38+s22+$0x0] =	vst.idx.add.f32.msk $0xffff, v32  }
0x227: {  	s24 =	sadd.s32 $0x10, s24;
	v36 =	vor.u32 v29, v34;
	v34 =	vor.u32 v29, v37;
	[tilespmem:v40+s22+$0x0] =	vst.idx.add.f32.msk $0xffff, v32  }
0x228: {  	_ =	sdelay $0x3  }
0x229: {  	[tilespmem:v35+s22+$0x0] =	vst.idx.add.f32.msk $0xffff, v32  }
0x22a: {  	p0 =	sgt.u32 s19, $0xD;
	[tilespmem:v36+s22+$0x0] =	vst.idx.add.f32.msk $0xffff, v32  }
0x22b: {  	s23 =	sshll.u32 @!p0 s19, $0xA;
	[tilespmem:v33+s22+$0x0] =	vst.idx.add.f32.msk $0xffff, v32  }
0x22c: {  	s19 =	sadd.s32 $0x1, s19;
	[tilespmem:v34+s22+$0x0] =	vst.idx.add.f32.msk $0xffff, v32;
	s22 =	sadd.s32 @!p0 s23, s7;
	s23 =	simm.s32 @!p0 $0x0  }
0x22d: {  	[tilespmem:s21], [sflag:s20] =	stream.linear.gather @!p0 [hbm4b:s22+s23], $0x2000, $0x38;
	[tilespmem:$0x10500] =	vst v63  }
0x22e: {  	p0 =	sne.s32 s19, $0x10  }
.Ltmp3:
0x22f: {  	_ = 	snop;
	(pc) =	sbr.rel @p0 .LBB2_6-.Ltmp3, $1  }
0x230: {  	_ =	sdelay $0x3  }
0x231: {  	v16 =	vld [tilespmem:$0x1FC30]  }
0x232: {  	v19 =	vld [tilespmem:$0x1FC40]  }
0x233: {  	v17 =	vld [tilespmem:$0x1FC50]  }
0x234: {  	v61 =	vld [tilespmem:$0x1FC60]  }
0x235: {  	v40 =	vld [tilespmem:$0x1FC70]  }
0x236: {  	v23 =	vld [tilespmem:$0x1FC80]  }
0x237: {  	v20 =	vld [tilespmem:$0x1FC90]  }
0x238: {  	v48 =	vld [tilespmem:$0x1FCA0]  }
0x239: {  	v62 =	vld [tilespmem:$0x1FDE0]  }
0x23a: {  	v50 =	vld [tilespmem:$0x1FCB0]  }
0x23b: {  	v63 =	vld [tilespmem:$0x1FDF0]  }
0x23c: {  	v18 =	vld [tilespmem:$0x1FCC0]  }
0x23d: {  	v43 =	vld [tilespmem:$0x1FCD0]  }
0x23e: {  	v37 =	vld [tilespmem:$0x1FE00]  }
0x23f: {  	v45 =	vld [tilespmem:$0x1FCE0]  }
0x240: {  	v44 =	vld [tilespmem:$0x1FCF0]  }
0x241: {  	v47 =	vld [tilespmem:$0x1FD00]  }
0x242: {  	v38 =	vld [tilespmem:$0x1FE10]  }
0x243: {  	v41 =	vld [tilespmem:$0x1FD10]  }
0x244: {  	v42 =	vld [tilespmem:$0x1FD20]  }
0x245: {  	v21 =	vld [tilespmem:$0x1FD40]  }
0x246: {  	v55 =	vld [tilespmem:$0x1FD30]  }
0x247: {  	v22 =	vld [tilespmem:$0x1FD60]  }
0x248: {  	v57 =	vld [tilespmem:$0x1FD50]  }
0x249: {  	v46 =	vld [tilespmem:$0x1FD70]  }
0x24a: {  	v26 =	vld [tilespmem:$0x1FD80]  }
0x24b: {  	v30 =	vld [tilespmem:$0x1FDA0]  }
0x24c: {  	v58 =	vld [tilespmem:$0x1FD90]  }
0x24d: {  	v24 =	vld [tilespmem:$0x1FDC0]  }
0x24e: {  	v59 =	vld [tilespmem:$0x1FDB0]  }
0x24f: {  	v52 =	vld [tilespmem:$0x1FE20]  }
0x250: {  	v31 =	vld [tilespmem:$0x1FE30]  }
0x251: {  	v49 =	vld [tilespmem:$0x1FE40]  }
0x252: {  	v35 =	vld [tilespmem:$0x1FE50]  }
0x253: {  	v36 =	vld [tilespmem:$0x1FE60]  }
0x254: {  	v56 =	vld [tilespmem:$0x1FE70]  }
0x255: {  	v54 =	vld [tilespmem:$0x1FE80]  }
0x256: {  	v27 =	vld [tilespmem:$0x1FE90]  }
0x257: {  	v60 =	vld [tilespmem:$0x1FDD0]  }
0x258: {  	v51 =	vld [tilespmem:$0x1FEA0]  }
0x259: {  	s18 =	simm.s32 $0x4000;
	v53 =	vld [tilespmem:$0x1FEB0]  }
0x25a: {  	s19 =	simm.s32 $0x0;
	s20 =	simm.s32 $0x800;
	v34 =	vld.idx.msk [tilespmem:v25+s18+$0x0], $0xffff  }
.LBB2_10:
0x25b: {  	_ =	sdelay $0x1  }
0x25c: {  	s21 =	sand.u32 $0x7800, s19  }
0x25d: {  	s21 =	sor.u32 $0x8000, s21  }
0x25e: {  	[tilespmem:v60+s21+$0x0] =	vst.idx.msk $0xffff, v34  }
0x25f: {  	v32 =	vld.idx.msk [tilespmem:v16+s18+$0x0], $0xffff;
	_ =	sdelay $0x4  }
0x260: {  	[tilespmem:v19+s21+$0x0] =	vst.idx.msk $0xffff, v32  }
0x261: {  	v32 =	vld.idx.msk [tilespmem:v17+s18+$0x0], $0xffff;
	_ =	sdelay $0x4  }
0x262: {  	[tilespmem:v61+s21+$0x0] =	vst.idx.msk $0xffff, v32  }
0x263: {  	v32 =	vld.idx.msk [tilespmem:v40+s18+$0x0], $0xffff;
	_ =	sdelay $0x4  }
0x264: {  	[tilespmem:v23+s21+$0x0] =	vst.idx.msk $0xffff, v32  }
0x265: {  	v32 =	vld.idx.msk [tilespmem:v20+s18+$0x0], $0xffff;
	_ =	sdelay $0x4  }
0x266: {  	[tilespmem:v48+s21+$0x0] =	vst.idx.msk $0xffff, v32  }
0x267: {  	v32 =	vld.idx.msk [tilespmem:v62+s18+$0x0], $0xffff;
	_ =	sdelay $0x4  }
0x268: {  	[tilespmem:v50+s21+$0x0] =	vst.idx.msk $0xffff, v32  }
0x269: {  	v32 =	vld.idx.msk [tilespmem:v63+s18+$0x0], $0xffff;
	_ =	sdelay $0x4  }
0x26a: {  	[tilespmem:v18+s21+$0x0] =	vst.idx.msk $0xffff, v32  }
0x26b: {  	v32 =	vld.idx.msk [tilespmem:v43+s18+$0x0], $0xffff;
	_ =	sdelay $0x4  }
0x26c: {  	[tilespmem:v37+s21+$0x0] =	vst.idx.msk $0xffff, v32  }
0x26d: {  	v32 =	vld.idx.msk [tilespmem:v45+s18+$0x0], $0xffff;
	_ =	sdelay $0x4  }
0x26e: {  	[tilespmem:v44+s21+$0x0] =	vst.idx.msk $0xffff, v32  }
0x26f: {  	v32 =	vld.idx.msk [tilespmem:v47+s18+$0x0], $0xffff;
	_ =	sdelay $0x4  }
0x270: {  	[tilespmem:v38+s21+$0x0] =	vst.idx.msk $0xffff, v32  }
0x271: {  	v32 =	vld.idx.msk [tilespmem:v41+s18+$0x0], $0xffff;
	_ =	sdelay $0x4  }
0x272: {  	[tilespmem:v42+s21+$0x0] =	vst.idx.msk $0xffff, v32  }
0x273: {  	v32 =	vld.idx.msk [tilespmem:v55+s18+$0x0], $0xffff;
	_ =	sdelay $0x4  }
0x274: {  	[tilespmem:v21+s21+$0x0] =	vst.idx.msk $0xffff, v32  }
0x275: {  	v32 =	vld.idx.msk [tilespmem:v57+s18+$0x0], $0xffff;
	_ =	sdelay $0x4  }
0x276: {  	[tilespmem:v22+s21+$0x0] =	vst.idx.msk $0xffff, v32  }
0x277: {  	v32 =	vld.idx.msk [tilespmem:v46+s18+$0x0], $0xffff;
	_ =	sdelay $0x4  }
0x278: {  	[tilespmem:v26+s21+$0x0] =	vst.idx.msk $0xffff, v32  }
0x279: {  	v32 =	vld.idx.msk [tilespmem:v58+s18+$0x0], $0xffff;
	_ =	sdelay $0x4  }
0x27a: {  	[tilespmem:v30+s21+$0x0] =	vst.idx.msk $0xffff, v32  }
0x27b: {  	v33 =	vld.idx.msk [tilespmem:v59+s18+$0x0], $0xffff  }
0x27c: {  	v32 =	vor.u32 $0x100, v25;
	_ =	sdelay $0x3  }
0x27d: {  	[tilespmem:v52+s21+$0x0] =	vst.idx.msk $0xffff, v33  }
0x27e: {  	v33 =	vadd.s32 $0x10, v60;
	v34 =	vld.idx.msk [tilespmem:v32+s18+$0x0], $0xffff;
	_ =	sdelay $0x4  }
0x27f: {  	[tilespmem:v33+s21+$0x0] =	vst.idx.msk $0x3fff, v34  }
0x280: {  	v34 =	vld.idx.msk [tilespmem:v31+s18+$0x0], $0xffff;
	_ =	sdelay $0x4  }
0x281: {  	[tilespmem:v49+s21+$0x0] =	vst.idx.msk vm0, v34  }
0x282: {  	v34 =	vld.idx.msk [tilespmem:v24+s18+$0x0], $0xffff;
	_ =	sdelay $0x4  }
0x283: {  	[tilespmem:v35+s21+$0x0] =	vst.idx.msk vm1, v34  }
0x284: {  	v34 =	vld.idx.msk [tilespmem:v36+s18+$0x0], $0xffff;
	_ =	sdelay $0x4  }
0x285: {  	[tilespmem:v56+s21+$0x0] =	vst.idx.msk vm2, v34  }
0x286: {  	v34 =	vld.idx.msk [tilespmem:v54+s18+$0x0], $0xffff;
	_ =	sdelay $0x3  }
0x287: {  	v39 =	vld [tilespmem:$0x1FEC0]  }
0x288: {  	[tilespmem:v27+s21+$0x0] =	vst.idx.msk vm3, v34  }
0x289: {  	v34 =	vld.idx.msk [tilespmem:v51+s18+$0x0], $0xffff;
	_ =	sdelay $0x4  }
0x28a: {  	[tilespmem:v53+s21+$0x0] =	vst.idx.msk vm4, v34  }
0x28b: {  	v34 =	vld.idx.msk [tilespmem:v39+s18+$0x0], $0xffff  }
0x28c: {  	v39 =	vld [tilespmem:$0x1FED0];
	_ =	sdelay $0x7  }
0x28d: {  	[tilespmem:v39+s21+$0x0] =	vst.idx.msk vm5, v34;
	v39 =	vld [tilespmem:$0x1FEE0];
	_ =	sdelay $0x7  }
0x28e: {  	v34 =	vld.idx.msk [tilespmem:v39+s18+$0x0], $0xffff  }
0x28f: {  	v39 =	vld [tilespmem:$0x1FFF0];
	_ =	sdelay $0x7  }
0x290: {  	[tilespmem:v39+s21+$0x0] =	vst.idx.msk vm6, v34;
	v39 =	vld [tilespmem:$0x1FEF0];
	_ =	sdelay $0x7  }
0x291: {  	v34 =	vld.idx.msk [tilespmem:v39+s18+$0x0], $0xffff  }
0x292: {  	v39 =	vld [tilespmem:$0x1FF00];
	_ =	sdelay $0x7  }
0x293: {  	[tilespmem:v39+s21+$0x0] =	vst.idx.msk vm7, v34;
	v39 =	vld [tilespmem:$0x1FF10];
	_ =	sdelay $0x7  }
0x294: {  	v34 =	vld.idx.msk [tilespmem:v39+s18+$0x0], $0xffff  }
0x295: {  	v39 =	vld [tilespmem:$0x1FF20];
	_ =	sdelay $0x7  }
0x296: {  	[tilespmem:v39+s21+$0x0] =	vst.idx.msk vm8, v34;
	v39 =	vld [tilespmem:$0x1FF30];
	_ =	sdelay $0x7  }
0x297: {  	v34 =	vld.idx.msk [tilespmem:v39+s18+$0x0], $0xffff  }
0x298: {  	v39 =	vld [tilespmem:$0x1FF40];
	_ =	sdelay $0x7  }
0x299: {  	[tilespmem:v39+s21+$0x0] =	vst.idx.msk vm9, v34;
	v39 =	vld [tilespmem:$0x1FF50];
	_ =	sdelay $0x7  }
0x29a: {  	v34 =	vld.idx.msk [tilespmem:v39+s18+$0x0], $0xffff  }
0x29b: {  	v39 =	vld [tilespmem:$0x1FF60];
	_ =	sdelay $0x7  }
0x29c: {  	[tilespmem:v39+s21+$0x0] =	vst.idx.msk vm10, v34;
	v39 =	vld [tilespmem:$0x1FF70];
	_ =	sdelay $0x7  }
0x29d: {  	v34 =	vld.idx.msk [tilespmem:v39+s18+$0x0], $0xffff  }
0x29e: {  	v39 =	vld [tilespmem:$0x1FF80];
	_ =	sdelay $0x7  }
0x29f: {  	[tilespmem:v39+s21+$0x0] =	vst.idx.msk vm11, v34;
	v39 =	vld [tilespmem:$0x1FF90];
	_ =	sdelay $0x7  }
0x2a0: {  	v34 =	vld.idx.msk [tilespmem:v39+s18+$0x0], $0xffff  }
0x2a1: {  	v39 =	vld [tilespmem:$0x1FFA0];
	_ =	sdelay $0x7  }
0x2a2: {  	[tilespmem:v39+s21+$0x0] =	vst.idx.msk vm12, v34;
	v39 =	vld [tilespmem:$0x1FFB0];
	_ =	sdelay $0x7  }
0x2a3: {  	v34 =	vld.idx.msk [tilespmem:v39+s18+$0x0], $0xffff  }
0x2a4: {  	v39 =	vld [tilespmem:$0x1FFC0];
	_ =	sdelay $0x7  }
0x2a5: {  	[tilespmem:v39+s21+$0x0] =	vst.idx.msk vm13, v34;
	v39 =	vld [tilespmem:$0x1FFD0];
	_ =	sdelay $0x7  }
0x2a6: {  	v34 =	vld.idx.msk [tilespmem:v39+s18+$0x0], $0xffff  }
0x2a7: {  	v39 =	vld [tilespmem:$0x1FFE0];
	_ =	sdelay $0x3  }
0x2a8: {  	p0 =	sne.s32 s20, $0x7800  }
.Ltmp4:
0x2a9: {  	_ = 	snop;
	(pc) =	sbr.rel @p0 .LBB2_10-.Ltmp4, $3  }
0x2aa: {  	_ =	sdelay $0x1  }
0x2ab: {  	s18 =	sadd.s32 $0x400, s18;
	[tilespmem:v39+s21+$0x0] =	vst.idx.msk vm14, v34  }
0x2ac: {  	s19 =	smov.u32 s20;
	s20 =	sadd.s32 $0x800, s20;
	v34 =	vld.idx.msk [tilespmem:v25+s18+$0x0], $0xffff  }
0x2ad: {  	_ =	sdelay $0x1  }
0x2ae: {  	s19 =	sand.u32 $0x7800, s19  }
0x2af: {  	s19 =	sor.u32 $0x8000, s19  }
0x2b0: {  	[tilespmem:v60+s19+$0x0] =	vst.idx.msk $0xffff, v34  }
0x2b1: {  	v34 =	vld.idx.msk [tilespmem:v16+s18+$0x0], $0xffff;
	_ =	sdelay $0x4  }
0x2b2: {  	[tilespmem:v19+s19+$0x0] =	vst.idx.msk $0xffff, v34  }
0x2b3: {  	v34 =	vld.idx.msk [tilespmem:v17+s18+$0x0], $0xffff;
	_ =	sdelay $0x4  }
0x2b4: {  	[tilespmem:v61+s19+$0x0] =	vst.idx.msk $0xffff, v34  }
0x2b5: {  	v34 =	vld.idx.msk [tilespmem:v40+s18+$0x0], $0xffff;
	_ =	sdelay $0x4  }
0x2b6: {  	[tilespmem:v23+s19+$0x0] =	vst.idx.msk $0xffff, v34  }
0x2b7: {  	v34 =	vld.idx.msk [tilespmem:v20+s18+$0x0], $0xffff;
	_ =	sdelay $0x4  }
0x2b8: {  	[tilespmem:v48+s19+$0x0] =	vst.idx.msk $0xffff, v34  }
0x2b9: {  	v34 =	vld.idx.msk [tilespmem:v62+s18+$0x0], $0xffff;
	_ =	sdelay $0x4  }
0x2ba: {  	[tilespmem:v50+s19+$0x0] =	vst.idx.msk $0xffff, v34  }
0x2bb: {  	v34 =	vld.idx.msk [tilespmem:v63+s18+$0x0], $0xffff;
	_ =	sdelay $0x4  }
0x2bc: {  	[tilespmem:v18+s19+$0x0] =	vst.idx.msk $0xffff, v34  }
0x2bd: {  	v34 =	vld.idx.msk [tilespmem:v43+s18+$0x0], $0xffff;
	_ =	sdelay $0x4  }
0x2be: {  	[tilespmem:v37+s19+$0x0] =	vst.idx.msk $0xffff, v34  }
0x2bf: {  	v34 =	vld.idx.msk [tilespmem:v45+s18+$0x0], $0xffff;
	_ =	sdelay $0x4  }
0x2c0: {  	[tilespmem:v44+s19+$0x0] =	vst.idx.msk $0xffff, v34  }
0x2c1: {  	v34 =	vld.idx.msk [tilespmem:v47+s18+$0x0], $0xffff;
	_ =	sdelay $0x4  }
0x2c2: {  	[tilespmem:v38+s19+$0x0] =	vst.idx.msk $0xffff, v34  }
0x2c3: {  	v34 =	vld.idx.msk [tilespmem:v41+s18+$0x0], $0xffff;
	_ =	sdelay $0x4  }
0x2c4: {  	[tilespmem:v42+s19+$0x0] =	vst.idx.msk $0xffff, v34  }
0x2c5: {  	v34 =	vld.idx.msk [tilespmem:v55+s18+$0x0], $0xffff;
	_ =	sdelay $0x4  }
0x2c6: {  	[tilespmem:v21+s19+$0x0] =	vst.idx.msk $0xffff, v34  }
0x2c7: {  	v34 =	vld.idx.msk [tilespmem:v57+s18+$0x0], $0xffff;
	_ =	sdelay $0x4  }
0x2c8: {  	[tilespmem:v22+s19+$0x0] =	vst.idx.msk $0xffff, v34  }
0x2c9: {  	v34 =	vld.idx.msk [tilespmem:v46+s18+$0x0], $0xffff;
	_ =	sdelay $0x4  }
0x2ca: {  	[tilespmem:v26+s19+$0x0] =	vst.idx.msk $0xffff, v34  }
0x2cb: {  	v34 =	vld.idx.msk [tilespmem:v58+s18+$0x0], $0xffff;
	_ =	sdelay $0x4  }
0x2cc: {  	[tilespmem:v30+s19+$0x0] =	vst.idx.msk $0xffff, v34  }
0x2cd: {  	v34 =	vld.idx.msk [tilespmem:v59+s18+$0x0], $0xffff;
	_ =	sdelay $0x4  }
0x2ce: {  	[tilespmem:v52+s19+$0x0] =	vst.idx.msk $0xffff, v34  }
0x2cf: {  	v32 =	vld.idx.msk [tilespmem:v32+s18+$0x0], $0xffff;
	_ =	sdelay $0x4  }
0x2d0: {  	[tilespmem:v33+s19+$0x0] =	vst.idx.msk $0x3fff, v32  }
0x2d1: {  	v32 =	vld.idx.msk [tilespmem:v31+s18+$0x0], $0xffff;
	_ =	sdelay $0x4  }
0x2d2: {  	[tilespmem:v49+s19+$0x0] =	vst.idx.msk vm0, v32  }
0x2d3: {  	v32 =	vld.idx.msk [tilespmem:v24+s18+$0x0], $0xffff;
	_ =	sdelay $0x4  }
0x2d4: {  	[tilespmem:v35+s19+$0x0] =	vst.idx.msk vm1, v32  }
0x2d5: {  	v32 =	vld.idx.msk [tilespmem:v36+s18+$0x0], $0xffff;
	_ =	sdelay $0x4  }
0x2d6: {  	[tilespmem:v56+s19+$0x0] =	vst.idx.msk vm2, v32  }
0x2d7: {  	v32 =	vld.idx.msk [tilespmem:v54+s18+$0x0], $0xffff;
	_ =	sdelay $0x3  }
0x2d8: {  	v43 =	vld [tilespmem:$0x1FEC0]  }
0x2d9: {  	[tilespmem:v27+s19+$0x0] =	vst.idx.msk vm3, v32  }
0x2da: {  	v32 =	vld.idx.msk [tilespmem:v51+s18+$0x0], $0xffff;
	_ =	sdelay $0x2  }
0x2db: {  	v45 =	vld [tilespmem:$0x1FED0]  }
0x2dc: {  	v46 =	vld [tilespmem:$0x1FEE0]  }
0x2dd: {  	[tilespmem:v53+s19+$0x0] =	vst.idx.msk vm4, v32  }
0x2de: {  	v32 =	vld.idx.msk [tilespmem:v43+s18+$0x0], $0xffff;
	_ =	sdelay $0x2  }
0x2df: {  	v47 =	vld [tilespmem:$0x1FFF0]  }
0x2e0: {  	v48 =	vld [tilespmem:$0x1FEF0]  }
0x2e1: {  	[tilespmem:v45+s19+$0x0] =	vst.idx.msk vm5, v32  }
0x2e2: {  	v32 =	vld.idx.msk [tilespmem:v46+s18+$0x0], $0xffff;
	_ =	sdelay $0x2  }
0x2e3: {  	v49 =	vld [tilespmem:$0x1FF00]  }
0x2e4: {  	v50 =	vld [tilespmem:$0x1FF10]  }
0x2e5: {  	[tilespmem:v47+s19+$0x0] =	vst.idx.msk vm6, v32  }
0x2e6: {  	v32 =	vld.idx.msk [tilespmem:v48+s18+$0x0], $0xffff;
	_ =	sdelay $0x2  }
0x2e7: {  	v51 =	vld [tilespmem:$0x1FF20]  }
0x2e8: {  	v55 =	vld [tilespmem:$0x1FF30]  }
0x2e9: {  	[tilespmem:v49+s19+$0x0] =	vst.idx.msk vm7, v32  }
0x2ea: {  	v32 =	vld.idx.msk [tilespmem:v50+s18+$0x0], $0xffff;
	_ =	sdelay $0x2  }
0x2eb: {  	v56 =	vld [tilespmem:$0x1FF40]  }
0x2ec: {  	v30 =	vld [tilespmem:$0x1FF50]  }
0x2ed: {  	[tilespmem:v51+s19+$0x0] =	vst.idx.msk vm8, v32  }
0x2ee: {  	v32 =	vld.idx.msk [tilespmem:v55+s18+$0x0], $0xffff;
	_ =	sdelay $0x2  }
0x2ef: {  	v31 =	vld [tilespmem:$0x1FF60]  }
0x2f0: {  	v57 =	vld [tilespmem:$0x1FF70]  }
0x2f1: {  	[tilespmem:v56+s19+$0x0] =	vst.idx.msk vm9, v32  }
0x2f2: {  	v32 =	vld.idx.msk [tilespmem:v30+s18+$0x0], $0xffff;
	_ =	sdelay $0x2  }
0x2f3: {  	v58 =	vld [tilespmem:$0x1FF80]  }
0x2f4: {  	v59 =	vld [tilespmem:$0x1FF90]  }
0x2f5: {  	[tilespmem:v31+s19+$0x0] =	vst.idx.msk vm10, v32  }
0x2f6: {  	v32 =	vld.idx.msk [tilespmem:v57+s18+$0x0], $0xffff;
	_ =	sdelay $0x2  }
0x2f7: {  	v60 =	vld [tilespmem:$0x1FFA0]  }
0x2f8: {  	v27 =	vld [tilespmem:$0x1FFB0]  }
0x2f9: {  	[tilespmem:v58+s19+$0x0] =	vst.idx.msk vm11, v32  }
0x2fa: {  	v32 =	vld.idx.msk [tilespmem:v59+s18+$0x0], $0xffff;
	_ =	sdelay $0x2  }
0x2fb: {  	v61 =	vld [tilespmem:$0x1FFC0]  }
0x2fc: {  	v62 =	vld [tilespmem:$0x1FFD0]  }
0x2fd: {  	[tilespmem:v60+s19+$0x0] =	vst.idx.msk vm12, v32  }
0x2fe: {  	v32 =	vld.idx.msk [tilespmem:v27+s18+$0x0], $0xffff;
	_ =	sdelay $0x2  }
0x2ff: {  	v63 =	vld [tilespmem:$0x1FFE0];
	_ =	sdelay $0x1  }
0x300: {  	[tilespmem:v61+s19+$0x0] =	vst.idx.msk vm13, v32  }
0x301: {  	v32 =	vld.idx.msk [tilespmem:v62+s18+$0x0], $0xffff;
	_ =	sdelay $0x2  }
0x302: {  	s17 =	sadd.s32 $0x1, s17  }
0x303: {  	p0 =	sne.s32 s17, s9  }
.Ltmp5:
0x304: {  	[tilespmem:v63+s19+$0x0] =	vst.idx.msk vm14, v32;
	(pc) =	sbr.rel @p0 .LBB2_1-.Ltmp5, $4  }
0x305: {  	[hbm4b:s8+s2] =	stream.linear.scatter [tilespmem:s16], [sflag:$0x3], $0x8000, $0x38;
	[tilespmem:$0x10500] =	vst v63  }
0x306: {  	_ =	swait.ge [sflag:s14], $0x8000  }
0x307: {  	[sflag:s14] =	ssyncset.done $0x0  }
0x308: {  	v27 =	vimm.f32 $1.000010010e+00;
	[sflag:s14] =	ssyncadd.s32 $0xFFFF8000  }
0x309: {  	_ =	sfence.sel $0x180000  }
0x30a: {  	[bflag:$0x0] =	sbarrier.arrive $0xFFFF  }
0x30b: {  	p0 =	sne.s32 s0, $0x0;
	_ =	strace $0x90000047  }
0x30c: {  	s0 =	sadd.s32 @!p0 $0x100000, s1;
	[bflag:$0x2] =	sbarrier.arrive $0xFFFF  }
0x30d: {  	[sflag:s0] =	ssyncadd.tile.s32 @!p0 $0x1;
	_ =	shalt  }
.Lfunc_end2:
_tile_overlayer_lowered:
.L_overlay_start_2:
0x30e: {  	(tag) =	ssettag $0x2  }
0x30f: {  	s0 =	rddreg [dreg:$0x0];
	s2 =	stileid.u32  }
0x310: {  	s1 =	rddreg [dreg:$0x1];
	p0 =	sne.s32 s2, $0x0  }
0x311: {  	s3 =	rddreg [dreg:$0x2];
	[bflag:$0x3] =	sbarrier.arrive $0xFFFF;
	s2 =	simm.s32 @!p0 $0x1C03  }
0x312: {  	[timem:s3], [sflag:s2] =	dma.local @!p0 [hbm:s0], s1  }
0x313: {  	s0 =	simm.s32 @!p0 $0x3  }
0x314: {  	_ =	swait.ge @!p0 [sflag:s0], s1  }
0x315: {  	s1 =	ssub.s32 @!p0 $0x0, s1;
	[sflag:s0] =	ssyncset.done @!p0 $0x0  }
0x316: {  	[sflag:s0] =	ssyncadd.s32 @!p0 s1  }
0x317: {  	[bflag:$0x3] =	sbarrier.arrive $0xFFFF  }
0x318: {  	_ =	shalt  }

</sc_bundles>
